<compile_context>
chip_gen: v7x
topology: tpu7x:2x2x1
jax: 0.10.2.dev20260603
libtpu: 0.0.44.dev20260713+nightly
codegen_flags: <defaults>
</compile_context>

<pallas_src>
import functools

import jax
import jax.numpy as jnp
from jax import lax
from jax.experimental import pallas as pl
from jax.experimental.pallas import tpu as pltpu
from jax.experimental.pallas import tpu_sc as plsc

T = 2048
D = 1024
F = 512
E = 63
EP = 64
A = 2 * T
NTOT = A + T
BLK = 256
NB = NTOT // BLK
G = NB + EP

_NC = 2
_NS = 16
_NW = _NC * _NS


def _fiota(shape, dim):
    return lax.broadcasted_iota(jnp.int32, shape, dim).astype(jnp.float32)


def _router_body(p_ref, pos_ref, w_ref, b_ref, e_ref, f_ref, s_ref,
                 en_ref):
    probs = p_ref[...]
    col = lax.broadcasted_iota(jnp.int32, (T, EP), 1)

    big = jnp.int32(1 << 20)
    m1 = jnp.max(probs, axis=1, keepdims=True)
    i1 = jnp.min(jnp.where(probs == m1, col, big), axis=1, keepdims=True)
    pm = jnp.where(col == i1, -1.0, probs)
    m2 = jnp.max(pm, axis=1, keepdims=True)
    i2 = jnp.min(jnp.where(pm == m2, col, big), axis=1, keepdims=True)
    ssum = m1 + m2

    oh1 = (col == i1).astype(jnp.bfloat16)
    oh2 = (col == i2).astype(jnp.bfloat16)
    r = lax.broadcasted_iota(jnp.int32, (T, T), 0)
    c = lax.broadcasted_iota(jnp.int32, (T, T), 1)
    tril = (r >= c).astype(jnp.bfloat16)
    c1 = lax.dot_general(tril, oh1, (((1,), (0,)), ((), ())),
                         preferred_element_type=jnp.float32)
    c2 = lax.dot_general(tril, oh2, (((1,), (0,)), ((), ())),
                         preferred_element_type=jnp.float32)
    n1 = c1[T - 1:T, :]
    counts = n1 + c2[T - 1:T, :]
    lt = ((i1 < col).astype(jnp.bfloat16) + (i2 < col).astype(jnp.bfloat16))
    ones_row = jnp.ones((1, T), jnp.bfloat16)
    off = lax.dot_general(ones_row, lt, (((1,), (0,)), ((), ())),
                          preferred_element_type=jnp.float32)

    oh1f = oh1.astype(jnp.float32)
    oh2f = oh2.astype(jnp.float32)
    pos1 = jnp.sum(oh1f * (off + c1 - 1.0), axis=1, keepdims=True)
    pos2 = jnp.sum(oh2f * (off + n1 + c2 - 1.0), axis=1, keepdims=True)
    pos_ref[0:T, :] = pos1.astype(jnp.int32)
    pos_ref[T:A, :] = pos2.astype(jnp.int32)
    w_ref[0:T, :] = jnp.broadcast_to(m1 / ssum, (T, 128))
    w_ref[T:A, :] = jnp.broadcast_to(m2 / ssum, (T, 128))

    ecol1 = _fiota((1, EP), 1)
    starts = jnp.where(ecol1 == float(E), float(A), off)
    ends = jnp.where(ecol1 == float(E), float(NTOT), off + counts)
    onesT = jnp.ones((T, 1), jnp.bfloat16)
    offT = lax.dot_general(lt, onesT, (((0,), (0,)), ((), ())),
                           preferred_element_type=jnp.float32)
    countsT = lax.dot_general(oh1 + oh2, onesT, (((0,), (0,)), ((), ())),
                              preferred_element_type=jnp.float32)
    erowT = _fiota((EP, NB), 0)
    bcolT = _fiota((EP, NB), 1)
    startsT = jnp.where(erowT == float(E), float(A),
                        jnp.broadcast_to(offT, (EP, NB)))
    endsT = jnp.where(erowT == float(E), float(NTOT),
                      jnp.broadcast_to(offT + countsT, (EP, NB)))
    mmT = ((startsT < (bcolT + 1.0) * BLK) & (endsT > bcolT * BLK)
           & (endsT > startsT)).astype(jnp.bfloat16)
    cnt_row = lax.dot_general(jnp.ones((1, EP), jnp.bfloat16), mmT,
                              (((1,), (0,)), ((), ())),
                              preferred_element_type=jnp.float32)
    b1 = _fiota((NB, NB), 0)
    b2 = _fiota((NB, NB), 1)
    cbi_row = lax.dot_general(cnt_row.astype(jnp.bfloat16),
                              (b1 <= b2).astype(jnp.bfloat16),
                              (((1,), (0,)), ((), ())),
                              preferred_element_type=jnp.float32)
    cbe_row = cbi_row - cnt_row
    g_i = _fiota((G, 1), 0)
    gcol = _fiota((G, NB), 1)
    b_idx = jnp.sum((g_i >= cbi_row).astype(jnp.float32), axis=1,
                    keepdims=True)
    padm = b_idx >= float(NB)
    b_idx = jnp.where(padm, float(NB - 1), b_idx)
    ohb = (gcol == jnp.broadcast_to(b_idx, (G, NB))).astype(jnp.float32)
    j_g = g_i - jnp.sum(ohb * cbe_row, axis=1, keepdims=True)
    e1 = _fiota((EP, EP), 0)
    e2 = _fiota((EP, EP), 1)
    rexcT = lax.dot_general((e2 < e1).astype(jnp.bfloat16), mmT,
                            (((1,), (0,)), ((), ())),
                            preferred_element_type=jnp.float32)
    ohb_bf = ohb.astype(jnp.bfloat16)
    mg = lax.dot_general(ohb_bf, mmT, (((1,), (1,)), ((), ())),
                         preferred_element_type=jnp.float32)
    rg = lax.dot_general(ohb_bf, rexcT.astype(jnp.bfloat16),
                         (((1,), (1,)), ((), ())),
                         preferred_element_type=jnp.float32)
    ecolg = _fiota((G, EP), 1)
    esel = mg * (rg == jnp.broadcast_to(j_g, (G, EP))).astype(jnp.float32)
    e_idx = jnp.sum(esel * ecolg, axis=1, keepdims=True)
    e_idx = jnp.where(padm, float(EP - 1), e_idx)
    ohe = (ecolg == jnp.broadcast_to(e_idx, (G, EP))).astype(jnp.float32)
    st0 = jnp.sum(ohe * starts, axis=1, keepdims=True)
    en0 = jnp.sum(ohe * ends, axis=1, keepdims=True)
    st_g = jnp.where(padm, 0.0, jnp.maximum(st0, b_idx * BLK))
    en_g = jnp.where(padm, 0.0, jnp.minimum(en0, (b_idx + 1.0) * BLK))
    first = jnp.where(padm, 0.0, (j_g == 0.0).astype(jnp.float32))
    b_ref[...] = b_idx.astype(jnp.int32)
    e_ref[...] = e_idx.astype(jnp.int32)
    f_ref[...] = first.astype(jnp.int32)
    s_ref[...] = st_g.astype(jnp.int32)
    en_ref[...] = en_g.astype(jnp.int32)


def _run_router(probs64):
    return pl.pallas_call(
        _router_body,
        out_shape=[
            jax.ShapeDtypeStruct((A, 1), jnp.int32),
            jax.ShapeDtypeStruct((A, 128), jnp.float32),
            jax.ShapeDtypeStruct((G, 1), jnp.int32),
            jax.ShapeDtypeStruct((G, 1), jnp.int32),
            jax.ShapeDtypeStruct((G, 1), jnp.int32),
            jax.ShapeDtypeStruct((G, 1), jnp.int32),
            jax.ShapeDtypeStruct((G, 1), jnp.int32),
        ],
    )(probs64)


def _make_scatter_kernel():
    mesh = plsc.VectorSubcoreMesh(core_axis_name="c", subcore_axis_name="s")

    @functools.partial(
        pl.kernel, mesh=mesh,
        out_type=[
            jax.ShapeDtypeStruct((NTOT, D), jnp.float32),
            jax.ShapeDtypeStruct((NTOT, 128), jnp.float32),
        ],
        scratch_types=[
            pltpu.VMEM((48,), jnp.int32),
            pltpu.VMEM((48,), jnp.int32),
            pltpu.VMEM((32,), jnp.int32),
            pltpu.VMEM((48, 128), jnp.float32),
            pltpu.VMEM((48, 128), jnp.float32),
            pltpu.VMEM((32, 128), jnp.float32),
            pltpu.VMEM((48, D), jnp.float32),
            pltpu.VMEM((48, D), jnp.float32),
            pltpu.SemaphoreType.DMA,
            pltpu.SemaphoreType.DMA,
        ],
    )
    def scatter_kernel(x_hbm, pos_hbm, wb_hbm, xs_hbm, ws_hbm,
                       idx0, idx1, idx2, wb0, wb1, wb2, rows_a, rows_b,
                       semx, semw):
        wid = lax.axis_index("s") * _NC + lax.axis_index("c")
        a0 = wid * 128
        tb0 = lax.rem(a0, T)
        tb1 = lax.rem(a0 + 48, T)
        tb2 = lax.rem(a0 + 96, T)
        sh = wid * 64
        pltpu.sync_copy(pos_hbm.at[pl.ds(a0, 48)], idx0)
        pltpu.sync_copy(pos_hbm.at[pl.ds(a0 + 48, 48)], idx1)
        pltpu.sync_copy(pos_hbm.at[pl.ds(a0 + 96, 32)], idx2)
        pltpu.sync_copy(wb_hbm.at[pl.ds(a0, 48)], wb0)
        pltpu.sync_copy(wb_hbm.at[pl.ds(a0 + 48, 48)], wb1)
        pltpu.sync_copy(wb_hbm.at[pl.ds(a0 + 96, 32)], wb2)
        dw0 = pltpu.async_copy(wb0, ws_hbm.at[idx0], semw)
        dw1 = pltpu.async_copy(wb1, ws_hbm.at[idx1], semw)
        dw2 = pltpu.async_copy(wb2, ws_hbm.at[idx2], semw)
        pltpu.sync_copy(x_hbm.at[pl.ds(tb0, 48)], rows_a)
        dx0 = pltpu.async_copy(rows_a, xs_hbm.at[idx0], semx)
        pltpu.sync_copy(x_hbm.at[pl.ds(tb1, 48)], rows_b)
        dx1 = pltpu.async_copy(rows_b, xs_hbm.at[idx1], semx)
        dx0.wait()
        pltpu.sync_copy(x_hbm.at[pl.ds(tb2, 32)], rows_a.at[pl.ds(0, 32)])
        dx2 = pltpu.async_copy(rows_a.at[pl.ds(0, 32)], xs_hbm.at[idx2], semx)
        dx1.wait()
        pltpu.sync_copy(x_hbm.at[pl.ds(sh, 48)], rows_b)
        dsh0 = pltpu.async_copy(rows_b, xs_hbm.at[pl.ds(A + sh, 48)], semx)
        dx2.wait()
        pltpu.sync_copy(x_hbm.at[pl.ds(sh + 48, 16)],
                        rows_a.at[pl.ds(0, 16)])
        dsh1 = pltpu.async_copy(rows_a.at[pl.ds(0, 16)],
                                xs_hbm.at[pl.ds(A + sh + 48, 16)], semx)
        dw0.wait()

        def _ones48(i, carry):
            for v in range(8):
                wb0[i, pl.ds(v * 16, 16)] = jnp.full((16,), 1.0, jnp.float32)
            return carry
        lax.fori_loop(0, 48, _ones48, 0)
        dws0 = pltpu.async_copy(wb0, ws_hbm.at[pl.ds(A + sh, 48)], semw)
        dw2.wait()

        def _ones16(i, carry):
            for v in range(8):
                wb2[i, pl.ds(v * 16, 16)] = jnp.full((16,), 1.0, jnp.float32)
            return carry
        lax.fori_loop(0, 16, _ones16, 0)
        dws1 = pltpu.async_copy(wb2.at[pl.ds(0, 16)],
                                ws_hbm.at[pl.ds(A + sh + 48, 16)], semw)
        dw1.wait()
        dsh0.wait()
        dsh1.wait()
        dws0.wait()
        dws1.wait()

    return scatter_kernel


def _gmm_body(bs, es, fs, ss, ens, x_ref, w_ref, rg_ref, ru_ref, rd_ref,
              sg_ref, su_ref, sd_ref, y_ref):
    g = pl.program_id(0)

    @pl.when(fs[g] == 1)
    def _():
        y_ref[...] = jnp.zeros_like(y_ref)

    xb = x_ref[...]
    row = bs[g] * BLK + lax.broadcasted_iota(jnp.int32, (BLK, D), 0)
    mask = (row >= ss[g]) & (row < ens[g])
    wcol = w_ref[...][:, 0:1]

    def ffn(gw, uw, dw):
        h = lax.dot_general(xb, gw, (((1,), (1,)), ((), ())),
                            preferred_element_type=jnp.float32)
        u = lax.dot_general(xb, uw, (((1,), (1,)), ((), ())),
                            preferred_element_type=jnp.float32)
        act = (h * jax.nn.sigmoid(h)) * u
        return lax.dot_general(act, dw, (((1,), (1,)), ((), ())),
                               preferred_element_type=jnp.float32)

    nonempty = ens[g] > ss[g]

    @pl.when((es[g] >= E) & nonempty)
    def _():
        y = ffn(sg_ref[0], su_ref[0], sd_ref[0])
        y_ref[...] = y_ref[...] + jnp.where(mask, y * wcol, 0.0)

    @pl.when((es[g] < E) & nonempty)
    def _():
        y = ffn(rg_ref[0], ru_ref[0], rd_ref[0])
        y_ref[...] = y_ref[...] + jnp.where(mask, y * wcol, 0.0)


def _run_gmm(b_idx, e_idx, first, st_g, en_g, xs, ws, routed_gate, routed_up,
             routed_down, shared_gate, shared_up, shared_down):
    grid_spec = pltpu.PrefetchScalarGridSpec(
        num_scalar_prefetch=5,
        grid=(G,),
        in_specs=[
            pl.BlockSpec((BLK, D), lambda g, b, e, f, s, en: (b[g], 0)),
            pl.BlockSpec((BLK, 128), lambda g, b, e, f, s, en: (b[g], 0)),
            pl.BlockSpec((1, F, D),
                         lambda g, b, e, f, s, en: (jnp.minimum(e[g], E - 1),
                                                    0, 0)),
            pl.BlockSpec((1, F, D),
                         lambda g, b, e, f, s, en: (jnp.minimum(e[g], E - 1),
                                                    0, 0)),
            pl.BlockSpec((1, D, F),
                         lambda g, b, e, f, s, en: (jnp.minimum(e[g], E - 1),
                                                    0, 0)),
            pl.BlockSpec((1, F, D), lambda g, b, e, f, s, en: (0, 0, 0)),
            pl.BlockSpec((1, F, D), lambda g, b, e, f, s, en: (0, 0, 0)),
            pl.BlockSpec((1, D, F), lambda g, b, e, f, s, en: (0, 0, 0)),
        ],
        out_specs=pl.BlockSpec((BLK, D), lambda g, b, e, f, s, en: (b[g], 0)),
    )
    return pl.pallas_call(
        _gmm_body,
        grid_spec=grid_spec,
        out_shape=jax.ShapeDtypeStruct((NTOT, D), jnp.float32),
        compiler_params=pltpu.CompilerParams(
            dimension_semantics=("arbitrary",)),
    )(b_idx, e_idx, first, st_g, en_g, xs, ws,
      routed_gate, routed_up, routed_down, shared_gate, shared_up, shared_down)


def _make_combine_kernel():
    mesh = plsc.VectorSubcoreMesh(core_axis_name="c", subcore_axis_name="s")

    @functools.partial(
        pl.kernel, mesh=mesh,
        out_type=jax.ShapeDtypeStruct((T, D), jnp.float32),
        scratch_types=[
            pltpu.VMEM((16,), jnp.int32), pltpu.VMEM((16,), jnp.int32),
            pltpu.VMEM((16, D), jnp.float32), pltpu.VMEM((16, D), jnp.float32),
            pltpu.VMEM((16, D), jnp.float32),
            pltpu.VMEM((16,), jnp.int32), pltpu.VMEM((16,), jnp.int32),
            pltpu.VMEM((16, D), jnp.float32), pltpu.VMEM((16, D), jnp.float32),
            pltpu.VMEM((16, D), jnp.float32),
            pltpu.SemaphoreType.DMA, pltpu.SemaphoreType.DMA,
            pltpu.SemaphoreType.DMA, pltpu.SemaphoreType.DMA,
        ],
    )
    def combine_kernel(y_hbm, pos_hbm, out_hbm,
                       i0a, i1a, y0a, y1a, ysha, i0b, i1b, y0b, y1b, yshb,
                       semga, semgb, semoa, semob):
        wid = lax.axis_index("s") * _NC + lax.axis_index("c")
        slots = ((i0a, i1a, y0a, y1a, ysha, semga, semoa),
                 (i0b, i1b, y0b, y1b, yshb, semgb, semob))
        gdesc = [None, None]
        odesc = [None, None]

        def issue(c):
            i0, i1, y0, y1, ysh, semg, _ = slots[c % 2]
            t0 = wid * 64 + c * 16
            pltpu.sync_copy(pos_hbm.at[pl.ds(t0, 16)], i0)
            pltpu.sync_copy(pos_hbm.at[pl.ds(T + t0, 16)], i1)
            gdesc[c % 2] = (
                pltpu.async_copy(y_hbm.at[i0], y0, semg),
                pltpu.async_copy(y_hbm.at[i1], y1, semg),
                pltpu.async_copy(y_hbm.at[pl.ds(A + t0, 16)], ysh, semg))

        issue(0)
        for c in range(4):
            if c + 1 < 4:
                if odesc[(c + 1) % 2] is not None:
                    odesc[(c + 1) % 2].wait()
                issue(c + 1)
            _, _, y0, y1, ysh, _, semo = slots[c % 2]
            for d in gdesc[c % 2]:
                d.wait()

            def _row(r, carry):
                def _vec(v, carry2):
                    for u_ in range(4):
                        o = v * 64 + u_ * 16
                        y0[r, pl.ds(o, 16)] = (y0[r, pl.ds(o, 16)]
                                               + y1[r, pl.ds(o, 16)]
                                               + ysh[r, pl.ds(o, 16)])
                    return carry2
                return lax.fori_loop(0, 16, _vec, carry)
            lax.fori_loop(0, 16, _row, 0)
            t0 = wid * 64 + c * 16
            odesc[c % 2] = pltpu.async_copy(y0, out_hbm.at[pl.ds(t0, 16)],
                                            semo)
        odesc[0].wait()
        odesc[1].wait()

    return combine_kernel


def kernel(x, shared_gate, shared_up, shared_down, routed_gate, routed_up,
           routed_down, routing_w, routing_b, routing_bias):
    x2 = x.reshape(T, D)
    logits = x2 @ routing_w.T + routing_b + routing_bias
    probs = jax.nn.sigmoid(logits)
    probs64 = jnp.concatenate([probs, jnp.full((T, 1), -1.0, jnp.float32)], 1)

    posc, wflat, b_idx, e_idx, first, st_g, en_g = _run_router(probs64)
    posf = posc.reshape(-1)
    b_idx = b_idx.reshape(-1)
    e_idx = e_idx.reshape(-1)
    first = first.reshape(-1)
    st_g = st_g.reshape(-1)
    en_g = en_g.reshape(-1)

    xs, ws = _make_scatter_kernel()(x2, posf, wflat)
    y = _run_gmm(b_idx, e_idx, first, st_g, en_g, xs, ws,
                 routed_gate, routed_up, routed_down,
                 shared_gate, shared_up, shared_down)
    out = _make_combine_kernel()(y, posf)
    return out.reshape(1, T, D)

# --- scband reference (transcript-rebuilt; emitter-appended) ---
"""Pipeline reference for scband-deep-seek-ffn-28054726377701 (READ-ONLY COPY).

The authoritative reference and input builder live on the scoring server;
editing this copy changes nothing except your own understanding.
"""

import jax, jax.numpy as jnp
import numpy as np

B, S = 1, 2048
DIM = 1024
INTER = 512
NUM_EXPERTS = 64
NUM_SHARED = 1
NUM_ROUTED = NUM_EXPERTS - NUM_SHARED
TOP_K = 2


def _linear_init(key, shape, fan_in):
    bound = 1.0 / np.sqrt(fan_in)
    return jax.random.uniform(key, shape, jnp.float32, -bound, bound)


def setup_inputs(seed: int = 0) -> dict:
    key = jax.random.key(seed)
    ks = jax.random.split(key, 10)
    x = jax.random.normal(ks[0], (B, S, DIM), dtype=jnp.float32)
    shared_gate = _linear_init(ks[1], (NUM_SHARED, INTER, DIM), DIM)
    shared_up = _linear_init(ks[2], (NUM_SHARED, INTER, DIM), DIM)
    shared_down = _linear_init(ks[3], (NUM_SHARED, DIM, INTER), INTER)
    routed_gate = _linear_init(ks[4], (NUM_ROUTED, INTER, DIM), DIM)
    routed_up = _linear_init(ks[5], (NUM_ROUTED, INTER, DIM), DIM)
    routed_down = _linear_init(ks[6], (NUM_ROUTED, DIM, INTER), INTER)
    routing_w = _linear_init(ks[7], (NUM_ROUTED, DIM), DIM)
    routing_b = _linear_init(ks[8], (NUM_ROUTED,), DIM)
    routing_bias = jnp.zeros((NUM_ROUTED,), jnp.float32)
    return {"x": x, "shared_gate": shared_gate, "shared_up": shared_up,
            "shared_down": shared_down, "routed_gate": routed_gate,
            "routed_up": routed_up, "routed_down": routed_down,
            "routing_w": routing_w, "routing_b": routing_b,
            "routing_bias": routing_bias}


def _silu(v):
    return v * jax.nn.sigmoid(v)


def _expert(h, gw, uw, dw):
    return (_silu(h @ gw.T) * (h @ uw.T)) @ dw.T


def reference(x, shared_gate, shared_up, shared_down, routed_gate, routed_up,
              routed_down, routing_w, routing_b, routing_bias):
    x2 = x.reshape(-1, DIM)
    # routing decisions (piecewise-constant w.r.t. inputs; indices carry no grad)
    logits = x2 @ routing_w.T + routing_b + routing_bias
    probs = jax.nn.sigmoid(logits)
    _, idx = jax.lax.top_k(probs, TOP_K)
    onehot = jax.nn.one_hot(idx, NUM_ROUTED, dtype=jnp.float32)  # [T, K, E]

    # shared experts (dense over all tokens)
    shared_out = jnp.zeros_like(x2)
    for i in range(NUM_SHARED):
        shared_out = shared_out + _expert(x2, shared_gate[i], shared_up[i], shared_down[i])
    if NUM_SHARED > 1:
        shared_out = shared_out / NUM_SHARED

    # normalized top-k routing probabilities -> per-expert combine weights
    tkp = jnp.take_along_axis(probs, idx, axis=-1)  # [T, K]
    tkp = tkp / jnp.sum(tkp, axis=-1, keepdims=True)
    combine = jnp.einsum('tk,tke->te', tkp, onehot)  # [T, E]

    # dense dispatch: compute every expert on all tokens; combine weights are
    # exactly zero for tokens not routed to an expert
    routed_out = jnp.zeros_like(x2)
    for e in range(NUM_ROUTED):
        oe = _expert(x2, routed_gate[e], routed_up[e], routed_down[e])
        routed_out = routed_out + oe * combine[:, e][:, None]

    return (shared_out + routed_out).reshape(B, S, DIM)

if __name__ == "__main__":
    import jax
    _d = setup_inputs()
    print(jax.jit(kernel)(*tuple(_d.values())))

</pallas_src>

<mosaic_0001>
#map = affine_map<(d0, d1) -> (0, 0)>
#map1 = affine_map<(d0, d1) -> (0)>
module attributes {stable_mosaic.version = 14 : i64} {
  func.func @scatter_kernel(%arg0: i32, %arg1: i32, %arg2: memref<2048x1024xf32, #tpu.memory_space<hbm>>, %arg3: memref<4096xi32, #tpu.memory_space<hbm>>, %arg4: memref<4096x128xf32, #tpu.memory_space<hbm>>, %arg5: memref<6144x1024xf32, #tpu.memory_space<hbm>>, %arg6: memref<6144x128xf32, #tpu.memory_space<hbm>>, %arg7: memref<48xi32, #tpu.memory_space<vmem>>, %arg8: memref<48xi32, #tpu.memory_space<vmem>>, %arg9: memref<32xi32, #tpu.memory_space<vmem>>, %arg10: memref<48x128xf32, #tpu.memory_space<vmem>>, %arg11: memref<48x128xf32, #tpu.memory_space<vmem>>, %arg12: memref<32x128xf32, #tpu.memory_space<vmem>>, %arg13: memref<48x1024xf32, #tpu.memory_space<vmem>>, %arg14: memref<48x1024xf32, #tpu.memory_space<vmem>>, %arg15: memref<!tpu.dma_semaphore, #tpu.memory_space<semaphore_mem>>, %arg16: memref<!tpu.dma_semaphore, #tpu.memory_space<semaphore_mem>>) attributes {dimension_semantics = [#tpu.dimension_semantics<core_parallel>, #tpu.dimension_semantics<subcore_parallel>], iteration_bounds = array<i64: 2, 16>, scalar_prefetch = 0 : i64, scratch_operands = 10 : i64, tpu.core_type = #tpu.core_type<sc_vector_subcore>, window_params = [{transform_indices = #map}, {transform_indices = #map1}, {transform_indices = #map}, {transform_indices = #map}, {transform_indices = #map}]} {
    %mul3A = arith.constant 2 : i32
    %mul3A_0 = arith.muli %arg1, %mul3A : i32
    %add3A = arith.addi %mul3A_0, %arg0 : i32
    %mul3A_1 = arith.constant 128 : i32
    %mul3A_2 = arith.muli %add3A, %mul3A_1 : i32
    %rem3A = arith.constant 2048 : i32
    %rem3A_3 = arith.remsi %mul3A_2, %rem3A : i32
    %add3A_4 = arith.constant 48 : i32
    %add3A_5 = arith.addi %mul3A_2, %add3A_4 : i32
    %rem3A_6 = arith.constant 2048 : i32
    %rem3A_7 = arith.remsi %add3A_5, %rem3A_6 : i32
    %add3A_8 = arith.constant 96 : i32
    %add3A_9 = arith.addi %mul3A_2, %add3A_8 : i32
    %rem3A_10 = arith.constant 2048 : i32
    %rem3A_11 = arith.remsi %add3A_9, %rem3A_10 : i32
    %mul3A_12 = arith.constant 64 : i32
    %mul3A_13 = arith.muli %add3A, %mul3A_12 : i32
    "tpu.region"() ({
      %run_scoped3A = tpu.sem_alloc : memref<!tpu.dma_semaphore, #tpu.memory_space<semaphore_mem>>
      %dma_start3A_143 = tpu.memref_slice %arg3[%mul3A_2] : memref<4096xi32, #tpu.memory_space<hbm>> -> memref<48xi32, #tpu.memory_space<hbm>>
      %dma_start3A_144 = tpu.memref_slice %arg3[%mul3A_2] : memref<4096xi32, #tpu.memory_space<hbm>> -> memref<48xi32, #tpu.memory_space<hbm>>
      tpu.enqueue_dma source(%dma_start3A_144 : memref<48xi32, #tpu.memory_space<hbm>>) target(%arg7 : memref<48xi32, #tpu.memory_space<vmem>>) target_semaphore(%run_scoped3A : memref<!tpu.dma_semaphore, #tpu.memory_space<semaphore_mem>>)
      %dma_wait3A_145 = tpu.memref_slice %arg3[%mul3A_2] : memref<4096xi32, #tpu.memory_space<hbm>> -> memref<48xi32, #tpu.memory_space<hbm>>
      %dma_wait3A_146 = tpu.memref_slice %arg3[%mul3A_2] : memref<4096xi32, #tpu.memory_space<hbm>> -> memref<48xi32, #tpu.memory_space<hbm>>
      tpu.wait_dma2 semaphore(%run_scoped3A : memref<!tpu.dma_semaphore, #tpu.memory_space<semaphore_mem>>) src(%dma_wait3A_146 : memref<48xi32, #tpu.memory_space<hbm>>) dst(%arg7 : memref<48xi32, #tpu.memory_space<vmem>>)
      tpu.yield
    }) : () -> ()
    %add3A_14 = arith.constant 48 : i32
    %add3A_15 = arith.addi %mul3A_2, %add3A_14 : i32
    "tpu.region"() ({
      %run_scoped3A = tpu.sem_alloc : memref<!tpu.dma_semaphore, #tpu.memory_space<semaphore_mem>>
      %dma_start3A_143 = tpu.memref_slice %arg3[%add3A_15] : memref<4096xi32, #tpu.memory_space<hbm>> -> memref<48xi32, #tpu.memory_space<hbm>>
      %dma_start3A_144 = tpu.memref_slice %arg3[%add3A_15] : memref<4096xi32, #tpu.memory_space<hbm>> -> memref<48xi32, #tpu.memory_space<hbm>>
      tpu.enqueue_dma source(%dma_start3A_144 : memref<48xi32, #tpu.memory_space<hbm>>) target(%arg8 : memref<48xi32, #tpu.memory_space<vmem>>) target_semaphore(%run_scoped3A : memref<!tpu.dma_semaphore, #tpu.memory_space<semaphore_mem>>)
      %dma_wait3A_145 = tpu.memref_slice %arg3[%add3A_15] : memref<4096xi32, #tpu.memory_space<hbm>> -> memref<48xi32, #tpu.memory_space<hbm>>
      %dma_wait3A_146 = tpu.memref_slice %arg3[%add3A_15] : memref<4096xi32, #tpu.memory_space<hbm>> -> memref<48xi32, #tpu.memory_space<hbm>>
      tpu.wait_dma2 semaphore(%run_scoped3A : memref<!tpu.dma_semaphore, #tpu.memory_space<semaphore_mem>>) src(%dma_wait3A_146 : memref<48xi32, #tpu.memory_space<hbm>>) dst(%arg8 : memref<48xi32, #tpu.memory_space<vmem>>)
      tpu.yield
    }) : () -> ()
    %add3A_16 = arith.constant 96 : i32
    %add3A_17 = arith.addi %mul3A_2, %add3A_16 : i32
    "tpu.region"() ({
      %run_scoped3A = tpu.sem_alloc : memref<!tpu.dma_semaphore, #tpu.memory_space<semaphore_mem>>
      %dma_start3A_143 = tpu.memref_slice %arg3[%add3A_17] : memref<4096xi32, #tpu.memory_space<hbm>> -> memref<32xi32, #tpu.memory_space<hbm>>
      %dma_start3A_144 = tpu.memref_slice %arg3[%add3A_17] : memref<4096xi32, #tpu.memory_space<hbm>> -> memref<32xi32, #tpu.memory_space<hbm>>
      tpu.enqueue_dma source(%dma_start3A_144 : memref<32xi32, #tpu.memory_space<hbm>>) target(%arg9 : memref<32xi32, #tpu.memory_space<vmem>>) target_semaphore(%run_scoped3A : memref<!tpu.dma_semaphore, #tpu.memory_space<semaphore_mem>>)
      %dma_wait3A_145 = tpu.memref_slice %arg3[%add3A_17] : memref<4096xi32, #tpu.memory_space<hbm>> -> memref<32xi32, #tpu.memory_space<hbm>>
      %dma_wait3A_146 = tpu.memref_slice %arg3[%add3A_17] : memref<4096xi32, #tpu.memory_space<hbm>> -> memref<32xi32, #tpu.memory_space<hbm>>
      tpu.wait_dma2 semaphore(%run_scoped3A : memref<!tpu.dma_semaphore, #tpu.memory_space<semaphore_mem>>) src(%dma_wait3A_146 : memref<32xi32, #tpu.memory_space<hbm>>) dst(%arg9 : memref<32xi32, #tpu.memory_space<vmem>>)
      tpu.yield
    }) : () -> ()
    "tpu.region"() ({
      %run_scoped3A = tpu.sem_alloc : memref<!tpu.dma_semaphore, #tpu.memory_space<semaphore_mem>>
      %dma_start3A_143 = arith.constant 0 : i32
      %dma_start3A_144 = tpu.memref_slice %arg4[%mul3A_2, %dma_start3A_143] : memref<4096x128xf32, #tpu.memory_space<hbm>> -> memref<48x128xf32, #tpu.memory_space<hbm>>
      %dma_start3A_145 = arith.constant 0 : i32
      %dma_start3A_146 = tpu.memref_slice %arg4[%mul3A_2, %dma_start3A_145] : memref<4096x128xf32, #tpu.memory_space<hbm>> -> memref<48x128xf32, #tpu.memory_space<hbm>>
      tpu.enqueue_dma source(%dma_start3A_146 : memref<48x128xf32, #tpu.memory_space<hbm>>) target(%arg10 : memref<48x128xf32, #tpu.memory_space<vmem>>) target_semaphore(%run_scoped3A : memref<!tpu.dma_semaphore, #tpu.memory_space<semaphore_mem>>)
      %dma_wait3A_147 = arith.constant 0 : i32
      %dma_wait3A_148 = tpu.memref_slice %arg4[%mul3A_2, %dma_wait3A_147] : memref<4096x128xf32, #tpu.memory_space<hbm>> -> memref<48x128xf32, #tpu.memory_space<hbm>>
      %dma_wait3A_149 = arith.constant 0 : i32
      %dma_wait3A_150 = tpu.memref_slice %arg4[%mul3A_2, %dma_wait3A_149] : memref<4096x128xf32, #tpu.memory_space<hbm>> -> memref<48x128xf32, #tpu.memory_space<hbm>>
      tpu.wait_dma2 semaphore(%run_scoped3A : memref<!tpu.dma_semaphore, #tpu.memory_space<semaphore_mem>>) src(%dma_wait3A_150 : memref<48x128xf32, #tpu.memory_space<hbm>>) dst(%arg10 : memref<48x128xf32, #tpu.memory_space<vmem>>)
      tpu.yield
    }) : () -> ()
    %add3A_18 = arith.constant 48 : i32
    %add3A_19 = arith.addi %mul3A_2, %add3A_18 : i32
    "tpu.region"() ({
      %run_scoped3A = tpu.sem_alloc : memref<!tpu.dma_semaphore, #tpu.memory_space<semaphore_mem>>
      %dma_start3A_143 = arith.constant 0 : i32
      %dma_start3A_144 = tpu.memref_slice %arg4[%add3A_19, %dma_start3A_143] : memref<4096x128xf32, #tpu.memory_space<hbm>> -> memref<48x128xf32, #tpu.memory_space<hbm>>
      %dma_start3A_145 = arith.constant 0 : i32
      %dma_start3A_146 = tpu.memref_slice %arg4[%add3A_19, %dma_start3A_145] : memref<4096x128xf32, #tpu.memory_space<hbm>> -> memref<48x128xf32, #tpu.memory_space<hbm>>
      tpu.enqueue_dma source(%dma_start3A_146 : memref<48x128xf32, #tpu.memory_space<hbm>>) target(%arg11 : memref<48x128xf32, #tpu.memory_space<vmem>>) target_semaphore(%run_scoped3A : memref<!tpu.dma_semaphore, #tpu.memory_space<semaphore_mem>>)
      %dma_wait3A_147 = arith.constant 0 : i32
      %dma_wait3A_148 = tpu.memref_slice %arg4[%add3A_19, %dma_wait3A_147] : memref<4096x128xf32, #tpu.memory_space<hbm>> -> memref<48x128xf32, #tpu.memory_space<hbm>>
      %dma_wait3A_149 = arith.constant 0 : i32
      %dma_wait3A_150 = tpu.memref_slice %arg4[%add3A_19, %dma_wait3A_149] : memref<4096x128xf32, #tpu.memory_space<hbm>> -> memref<48x128xf32, #tpu.memory_space<hbm>>
      tpu.wait_dma2 semaphore(%run_scoped3A : memref<!tpu.dma_semaphore, #tpu.memory_space<semaphore_mem>>) src(%dma_wait3A_150 : memref<48x128xf32, #tpu.memory_space<hbm>>) dst(%arg11 : memref<48x128xf32, #tpu.memory_space<vmem>>)
      tpu.yield
    }) : () -> ()
    %add3A_20 = arith.constant 96 : i32
    %add3A_21 = arith.addi %mul3A_2, %add3A_20 : i32
    "tpu.region"() ({
      %run_scoped3A = tpu.sem_alloc : memref<!tpu.dma_semaphore, #tpu.memory_space<semaphore_mem>>
      %dma_start3A_143 = arith.constant 0 : i32
      %dma_start3A_144 = tpu.memref_slice %arg4[%add3A_21, %dma_start3A_143] : memref<4096x128xf32, #tpu.memory_space<hbm>> -> memref<32x128xf32, #tpu.memory_space<hbm>>
      %dma_start3A_145 = arith.constant 0 : i32
      %dma_start3A_146 = tpu.memref_slice %arg4[%add3A_21, %dma_start3A_145] : memref<4096x128xf32, #tpu.memory_space<hbm>> -> memref<32x128xf32, #tpu.memory_space<hbm>>
      tpu.enqueue_dma source(%dma_start3A_146 : memref<32x128xf32, #tpu.memory_space<hbm>>) target(%arg12 : memref<32x128xf32, #tpu.memory_space<vmem>>) target_semaphore(%run_scoped3A : memref<!tpu.dma_semaphore, #tpu.memory_space<semaphore_mem>>)
      %dma_wait3A_147 = arith.constant 0 : i32
      %dma_wait3A_148 = tpu.memref_slice %arg4[%add3A_21, %dma_wait3A_147] : memref<4096x128xf32, #tpu.memory_space<hbm>> -> memref<32x128xf32, #tpu.memory_space<hbm>>
      %dma_wait3A_149 = arith.constant 0 : i32
      %dma_wait3A_150 = tpu.memref_slice %arg4[%add3A_21, %dma_wait3A_149] : memref<4096x128xf32, #tpu.memory_space<hbm>> -> memref<32x128xf32, #tpu.memory_space<hbm>>
      tpu.wait_dma2 semaphore(%run_scoped3A : memref<!tpu.dma_semaphore, #tpu.memory_space<semaphore_mem>>) src(%dma_wait3A_150 : memref<32x128xf32, #tpu.memory_space<hbm>>) dst(%arg12 : memref<32x128xf32, #tpu.memory_space<vmem>>)
      tpu.yield
    }) : () -> ()
    %dma_start3A = arith.constant 0 : i32
    %dma_start3A_22 = arith.constant 0 : i32
    %dma_start3A_23 = tpu.memref_slice %arg6[%dma_start3A, %dma_start3A_22] : memref<6144x128xf32, #tpu.memory_space<hbm>> -> memref<6144x128xf32, #tpu.memory_space<hbm>>
    tpu.enqueue_indirect_dma source(%arg10 : memref<48x128xf32, #tpu.memory_space<vmem>>) target(%dma_start3A_23 : memref<6144x128xf32, #tpu.memory_space<hbm>>) offsets(%arg7 : memref<48xi32, #tpu.memory_space<vmem>>) semaphore(%arg16 : memref<!tpu.dma_semaphore, #tpu.memory_space<semaphore_mem>>)
    %dma_start3A_24 = arith.constant 0 : i32
    %dma_start3A_25 = arith.constant 0 : i32
    %dma_start3A_26 = tpu.memref_slice %arg6[%dma_start3A_24, %dma_start3A_25] : memref<6144x128xf32, #tpu.memory_space<hbm>> -> memref<6144x128xf32, #tpu.memory_space<hbm>>
    tpu.enqueue_indirect_dma source(%arg11 : memref<48x128xf32, #tpu.memory_space<vmem>>) target(%dma_start3A_26 : memref<6144x128xf32, #tpu.memory_space<hbm>>) offsets(%arg8 : memref<48xi32, #tpu.memory_space<vmem>>) semaphore(%arg16 : memref<!tpu.dma_semaphore, #tpu.memory_space<semaphore_mem>>)
    %dma_start3A_27 = arith.constant 0 : i32
    %dma_start3A_28 = arith.constant 0 : i32
    %dma_start3A_29 = tpu.memref_slice %arg6[%dma_start3A_27, %dma_start3A_28] : memref<6144x128xf32, #tpu.memory_space<hbm>> -> memref<6144x128xf32, #tpu.memory_space<hbm>>
    tpu.enqueue_indirect_dma source(%arg12 : memref<32x128xf32, #tpu.memory_space<vmem>>) target(%dma_start3A_29 : memref<6144x128xf32, #tpu.memory_space<hbm>>) offsets(%arg9 : memref<32xi32, #tpu.memory_space<vmem>>) semaphore(%arg16 : memref<!tpu.dma_semaphore, #tpu.memory_space<semaphore_mem>>)
    "tpu.region"() ({
      %run_scoped3A = tpu.sem_alloc : memref<!tpu.dma_semaphore, #tpu.memory_space<semaphore_mem>>
      %dma_start3A_143 = arith.constant 0 : i32
      %dma_start3A_144 = tpu.memref_slice %arg2[%rem3A_3, %dma_start3A_143] : memref<2048x1024xf32, #tpu.memory_space<hbm>> -> memref<48x1024xf32, #tpu.memory_space<hbm>>
      %dma_start3A_145 = arith.constant 0 : i32
      %dma_start3A_146 = tpu.memref_slice %arg2[%rem3A_3, %dma_start3A_145] : memref<2048x1024xf32, #tpu.memory_space<hbm>> -> memref<48x1024xf32, #tpu.memory_space<hbm>>
      tpu.enqueue_dma source(%dma_start3A_146 : memref<48x1024xf32, #tpu.memory_space<hbm>>) target(%arg13 : memref<48x1024xf32, #tpu.memory_space<vmem>>) target_semaphore(%run_scoped3A : memref<!tpu.dma_semaphore, #tpu.memory_space<semaphore_mem>>)
      %dma_wait3A_147 = arith.constant 0 : i32
      %dma_wait3A_148 = tpu.memref_slice %arg2[%rem3A_3, %dma_wait3A_147] : memref<2048x1024xf32, #tpu.memory_space<hbm>> -> memref<48x1024xf32, #tpu.memory_space<hbm>>
      %dma_wait3A_149 = arith.constant 0 : i32
      %dma_wait3A_150 = tpu.memref_slice %arg2[%rem3A_3, %dma_wait3A_149] : memref<2048x1024xf32, #tpu.memory_space<hbm>> -> memref<48x1024xf32, #tpu.memory_space<hbm>>
      tpu.wait_dma2 semaphore(%run_scoped3A : memref<!tpu.dma_semaphore, #tpu.memory_space<semaphore_mem>>) src(%dma_wait3A_150 : memref<48x1024xf32, #tpu.memory_space<hbm>>) dst(%arg13 : memref<48x1024xf32, #tpu.memory_space<vmem>>)
      tpu.yield
    }) : () -> ()
    %dma_start3A_30 = arith.constant 0 : i32
    %dma_start3A_31 = arith.constant 0 : i32
    %dma_start3A_32 = tpu.memref_slice %arg5[%dma_start3A_30, %dma_start3A_31] : memref<6144x1024xf32, #tpu.memory_space<hbm>> -> memref<6144x1024xf32, #tpu.memory_space<hbm>>
    tpu.enqueue_indirect_dma source(%arg13 : memref<48x1024xf32, #tpu.memory_space<vmem>>) target(%dma_start3A_32 : memref<6144x1024xf32, #tpu.memory_space<hbm>>) offsets(%arg7 : memref<48xi32, #tpu.memory_space<vmem>>) semaphore(%arg15 : memref<!tpu.dma_semaphore, #tpu.memory_space<semaphore_mem>>)
    "tpu.region"() ({
      %run_scoped3A = tpu.sem_alloc : memref<!tpu.dma_semaphore, #tpu.memory_space<semaphore_mem>>
      %dma_start3A_143 = arith.constant 0 : i32
      %dma_start3A_144 = tpu.memref_slice %arg2[%rem3A_7, %dma_start3A_143] : memref<2048x1024xf32, #tpu.memory_space<hbm>> -> memref<48x1024xf32, #tpu.memory_space<hbm>>
      %dma_start3A_145 = arith.constant 0 : i32
      %dma_start3A_146 = tpu.memref_slice %arg2[%rem3A_7, %dma_start3A_145] : memref<2048x1024xf32, #tpu.memory_space<hbm>> -> memref<48x1024xf32, #tpu.memory_space<hbm>>
      tpu.enqueue_dma source(%dma_start3A_146 : memref<48x1024xf32, #tpu.memory_space<hbm>>) target(%arg14 : memref<48x1024xf32, #tpu.memory_space<vmem>>) target_semaphore(%run_scoped3A : memref<!tpu.dma_semaphore, #tpu.memory_space<semaphore_mem>>)
      %dma_wait3A_147 = arith.constant 0 : i32
      %dma_wait3A_148 = tpu.memref_slice %arg2[%rem3A_7, %dma_wait3A_147] : memref<2048x1024xf32, #tpu.memory_space<hbm>> -> memref<48x1024xf32, #tpu.memory_space<hbm>>
      %dma_wait3A_149 = arith.constant 0 : i32
      %dma_wait3A_150 = tpu.memref_slice %arg2[%rem3A_7, %dma_wait3A_149] : memref<2048x1024xf32, #tpu.memory_space<hbm>> -> memref<48x1024xf32, #tpu.memory_space<hbm>>
      tpu.wait_dma2 semaphore(%run_scoped3A : memref<!tpu.dma_semaphore, #tpu.memory_space<semaphore_mem>>) src(%dma_wait3A_150 : memref<48x1024xf32, #tpu.memory_space<hbm>>) dst(%arg14 : memref<48x1024xf32, #tpu.memory_space<vmem>>)
      tpu.yield
    }) : () -> ()
    %dma_start3A_33 = arith.constant 0 : i32
    %dma_start3A_34 = arith.constant 0 : i32
    %dma_start3A_35 = tpu.memref_slice %arg5[%dma_start3A_33, %dma_start3A_34] : memref<6144x1024xf32, #tpu.memory_space<hbm>> -> memref<6144x1024xf32, #tpu.memory_space<hbm>>
    tpu.enqueue_indirect_dma source(%arg14 : memref<48x1024xf32, #tpu.memory_space<vmem>>) target(%dma_start3A_35 : memref<6144x1024xf32, #tpu.memory_space<hbm>>) offsets(%arg8 : memref<48xi32, #tpu.memory_space<vmem>>) semaphore(%arg15 : memref<!tpu.dma_semaphore, #tpu.memory_space<semaphore_mem>>)
    %dma_wait3A = arith.constant 0 : i32
    %dma_wait3A_36 = arith.constant 0 : i32
    %dma_wait3A_37 = tpu.memref_slice %arg5[%dma_wait3A, %dma_wait3A_36] : memref<6144x1024xf32, #tpu.memory_space<hbm>> -> memref<6144x1024xf32, #tpu.memory_space<hbm>>
    tpu.wait_indirect_dma semaphore(%arg15 : memref<!tpu.dma_semaphore, #tpu.memory_space<semaphore_mem>>) src(%arg13 : memref<48x1024xf32, #tpu.memory_space<vmem>>) dst(%dma_wait3A_37 : memref<6144x1024xf32, #tpu.memory_space<hbm>>)
    "tpu.region"() ({
      %run_scoped3A = tpu.sem_alloc : memref<!tpu.dma_semaphore, #tpu.memory_space<semaphore_mem>>
      %dma_start3A_143 = arith.constant 0 : i32
      %dma_start3A_144 = arith.constant 0 : i32
      %dma_start3A_145 = tpu.memref_slice %arg13[%dma_start3A_143, %dma_start3A_144] : memref<48x1024xf32, #tpu.memory_space<vmem>> -> memref<32x1024xf32, #tpu.memory_space<vmem>>
      %dma_start3A_146 = arith.constant 0 : i32
      %dma_start3A_147 = tpu.memref_slice %arg2[%rem3A_11, %dma_start3A_146] : memref<2048x1024xf32, #tpu.memory_space<hbm>> -> memref<32x1024xf32, #tpu.memory_space<hbm>>
      %dma_start3A_148 = arith.constant 0 : i32
      %dma_start3A_149 = arith.constant 0 : i32
      %dma_start3A_150 = tpu.memref_slice %arg13[%dma_start3A_148, %dma_start3A_149] : memref<48x1024xf32, #tpu.memory_space<vmem>> -> memref<32x1024xf32, #tpu.memory_space<vmem>>
      %dma_start3A_151 = arith.constant 0 : i32
      %dma_start3A_152 = tpu.memref_slice %arg2[%rem3A_11, %dma_start3A_151] : memref<2048x1024xf32, #tpu.memory_space<hbm>> -> memref<32x1024xf32, #tpu.memory_space<hbm>>
      tpu.enqueue_dma source(%dma_start3A_152 : memref<32x1024xf32, #tpu.memory_space<hbm>>) target(%dma_start3A_150 : memref<32x1024xf32, #tpu.memory_space<vmem>>) target_semaphore(%run_scoped3A : memref<!tpu.dma_semaphore, #tpu.memory_space<semaphore_mem>>)
      %dma_wait3A_153 = arith.constant 0 : i32
      %dma_wait3A_154 = arith.constant 0 : i32
      %dma_wait3A_155 = tpu.memref_slice %arg13[%dma_wait3A_153, %dma_wait3A_154] : memref<48x1024xf32, #tpu.memory_space<vmem>> -> memref<32x1024xf32, #tpu.memory_space<vmem>>
      %dma_wait3A_156 = arith.constant 0 : i32
      %dma_wait3A_157 = tpu.memref_slice %arg2[%rem3A_11, %dma_wait3A_156] : memref<2048x1024xf32, #tpu.memory_space<hbm>> -> memref<32x1024xf32, #tpu.memory_space<hbm>>
      %dma_wait3A_158 = arith.constant 0 : i32
      %dma_wait3A_159 = arith.constant 0 : i32
      %dma_wait3A_160 = tpu.memref_slice %arg13[%dma_wait3A_158, %dma_wait3A_159] : memref<48x1024xf32, #tpu.memory_space<vmem>> -> memref<32x1024xf32, #tpu.memory_space<vmem>>
      %dma_wait3A_161 = arith.constant 0 : i32
      %dma_wait3A_162 = tpu.memref_slice %arg2[%rem3A_11, %dma_wait3A_161] : memref<2048x1024xf32, #tpu.memory_space<hbm>> -> memref<32x1024xf32, #tpu.memory_space<hbm>>
      tpu.wait_dma2 semaphore(%run_scoped3A : memref<!tpu.dma_semaphore, #tpu.memory_space<semaphore_mem>>) src(%dma_wait3A_162 : memref<32x1024xf32, #tpu.memory_space<hbm>>) dst(%dma_wait3A_160 : memref<32x1024xf32, #tpu.memory_space<vmem>>)
      tpu.yield
    }) : () -> ()
    %dma_start3A_38 = arith.constant 0 : i32
    %dma_start3A_39 = arith.constant 0 : i32
    %dma_start3A_40 = tpu.memref_slice %arg13[%dma_start3A_38, %dma_start3A_39] : memref<48x1024xf32, #tpu.memory_space<vmem>> -> memref<32x1024xf32, #tpu.memory_space<vmem>>
    %dma_start3A_41 = arith.constant 0 : i32
    %dma_start3A_42 = arith.constant 0 : i32
    %dma_start3A_43 = tpu.memref_slice %arg5[%dma_start3A_41, %dma_start3A_42] : memref<6144x1024xf32, #tpu.memory_space<hbm>> -> memref<6144x1024xf32, #tpu.memory_space<hbm>>
    tpu.enqueue_indirect_dma source(%dma_start3A_40 : memref<32x1024xf32, #tpu.memory_space<vmem>>) target(%dma_start3A_43 : memref<6144x1024xf32, #tpu.memory_space<hbm>>) offsets(%arg9 : memref<32xi32, #tpu.memory_space<vmem>>) semaphore(%arg15 : memref<!tpu.dma_semaphore, #tpu.memory_space<semaphore_mem>>)
    %dma_wait3A_44 = arith.constant 0 : i32
    %dma_wait3A_45 = arith.constant 0 : i32
    %dma_wait3A_46 = tpu.memref_slice %arg5[%dma_wait3A_44, %dma_wait3A_45] : memref<6144x1024xf32, #tpu.memory_space<hbm>> -> memref<6144x1024xf32, #tpu.memory_space<hbm>>
    tpu.wait_indirect_dma semaphore(%arg15 : memref<!tpu.dma_semaphore, #tpu.memory_space<semaphore_mem>>) src(%arg14 : memref<48x1024xf32, #tpu.memory_space<vmem>>) dst(%dma_wait3A_46 : memref<6144x1024xf32, #tpu.memory_space<hbm>>)
    "tpu.region"() ({
      %run_scoped3A = tpu.sem_alloc : memref<!tpu.dma_semaphore, #tpu.memory_space<semaphore_mem>>
      %dma_start3A_143 = arith.constant 0 : i32
      %dma_start3A_144 = tpu.memref_slice %arg2[%mul3A_13, %dma_start3A_143] : memref<2048x1024xf32, #tpu.memory_space<hbm>> -> memref<48x1024xf32, #tpu.memory_space<hbm>>
      %dma_start3A_145 = arith.constant 0 : i32
      %dma_start3A_146 = tpu.memref_slice %arg2[%mul3A_13, %dma_start3A_145] : memref<2048x1024xf32, #tpu.memory_space<hbm>> -> memref<48x1024xf32, #tpu.memory_space<hbm>>
      tpu.enqueue_dma source(%dma_start3A_146 : memref<48x1024xf32, #tpu.memory_space<hbm>>) target(%arg14 : memref<48x1024xf32, #tpu.memory_space<vmem>>) target_semaphore(%run_scoped3A : memref<!tpu.dma_semaphore, #tpu.memory_space<semaphore_mem>>)
      %dma_wait3A_147 = arith.constant 0 : i32
      %dma_wait3A_148 = tpu.memref_slice %arg2[%mul3A_13, %dma_wait3A_147] : memref<2048x1024xf32, #tpu.memory_space<hbm>> -> memref<48x1024xf32, #tpu.memory_space<hbm>>
      %dma_wait3A_149 = arith.constant 0 : i32
      %dma_wait3A_150 = tpu.memref_slice %arg2[%mul3A_13, %dma_wait3A_149] : memref<2048x1024xf32, #tpu.memory_space<hbm>> -> memref<48x1024xf32, #tpu.memory_space<hbm>>
      tpu.wait_dma2 semaphore(%run_scoped3A : memref<!tpu.dma_semaphore, #tpu.memory_space<semaphore_mem>>) src(%dma_wait3A_150 : memref<48x1024xf32, #tpu.memory_space<hbm>>) dst(%arg14 : memref<48x1024xf32, #tpu.memory_space<vmem>>)
      tpu.yield
    }) : () -> ()
    %add3A_47 = arith.constant 4096 : i32
    %add3A_48 = arith.addi %add3A_47, %mul3A_13 : i32
    %dma_start3A_49 = arith.constant 0 : i32
    %dma_start3A_50 = tpu.memref_slice %arg5[%add3A_48, %dma_start3A_49] : memref<6144x1024xf32, #tpu.memory_space<hbm>> -> memref<48x1024xf32, #tpu.memory_space<hbm>>
    %dma_start3A_51 = arith.constant 0 : i32
    %dma_start3A_52 = tpu.memref_slice %arg5[%add3A_48, %dma_start3A_51] : memref<6144x1024xf32, #tpu.memory_space<hbm>> -> memref<48x1024xf32, #tpu.memory_space<hbm>>
    tpu.enqueue_dma source(%arg14 : memref<48x1024xf32, #tpu.memory_space<vmem>>) target(%dma_start3A_52 : memref<48x1024xf32, #tpu.memory_space<hbm>>) target_semaphore(%arg15 : memref<!tpu.dma_semaphore, #tpu.memory_space<semaphore_mem>>)
    %dma_wait3A_53 = arith.constant 0 : i32
    %dma_wait3A_54 = arith.constant 0 : i32
    %dma_wait3A_55 = tpu.memref_slice %arg13[%dma_wait3A_53, %dma_wait3A_54] : memref<48x1024xf32, #tpu.memory_space<vmem>> -> memref<32x1024xf32, #tpu.memory_space<vmem>>
    %dma_wait3A_56 = arith.constant 0 : i32
    %dma_wait3A_57 = arith.constant 0 : i32
    %dma_wait3A_58 = tpu.memref_slice %arg5[%dma_wait3A_56, %dma_wait3A_57] : memref<6144x1024xf32, #tpu.memory_space<hbm>> -> memref<6144x1024xf32, #tpu.memory_space<hbm>>
    tpu.wait_indirect_dma semaphore(%arg15 : memref<!tpu.dma_semaphore, #tpu.memory_space<semaphore_mem>>) src(%dma_wait3A_55 : memref<32x1024xf32, #tpu.memory_space<vmem>>) dst(%dma_wait3A_58 : memref<6144x1024xf32, #tpu.memory_space<hbm>>)
    %add3A_59 = arith.constant 48 : i32
    %add3A_60 = arith.addi %mul3A_13, %add3A_59 : i32
    "tpu.region"() ({
      %run_scoped3A = tpu.sem_alloc : memref<!tpu.dma_semaphore, #tpu.memory_space<semaphore_mem>>
      %dma_start3A_143 = arith.constant 0 : i32
      %dma_start3A_144 = arith.constant 0 : i32
      %dma_start3A_145 = tpu.memref_slice %arg13[%dma_start3A_143, %dma_start3A_144] : memref<48x1024xf32, #tpu.memory_space<vmem>> -> memref<16x1024xf32, #tpu.memory_space<vmem>>
      %dma_start3A_146 = arith.constant 0 : i32
      %dma_start3A_147 = tpu.memref_slice %arg2[%add3A_60, %dma_start3A_146] : memref<2048x1024xf32, #tpu.memory_space<hbm>> -> memref<16x1024xf32, #tpu.memory_space<hbm>>
      %dma_start3A_148 = arith.constant 0 : i32
      %dma_start3A_149 = arith.constant 0 : i32
      %dma_start3A_150 = tpu.memref_slice %arg13[%dma_start3A_148, %dma_start3A_149] : memref<48x1024xf32, #tpu.memory_space<vmem>> -> memref<16x1024xf32, #tpu.memory_space<vmem>>
      %dma_start3A_151 = arith.constant 0 : i32
      %dma_start3A_152 = tpu.memref_slice %arg2[%add3A_60, %dma_start3A_151] : memref<2048x1024xf32, #tpu.memory_space<hbm>> -> memref<16x1024xf32, #tpu.memory_space<hbm>>
      tpu.enqueue_dma source(%dma_start3A_152 : memref<16x1024xf32, #tpu.memory_space<hbm>>) target(%dma_start3A_150 : memref<16x1024xf32, #tpu.memory_space<vmem>>) target_semaphore(%run_scoped3A : memref<!tpu.dma_semaphore, #tpu.memory_space<semaphore_mem>>)
      %dma_wait3A_153 = arith.constant 0 : i32
      %dma_wait3A_154 = arith.constant 0 : i32
      %dma_wait3A_155 = tpu.memref_slice %arg13[%dma_wait3A_153, %dma_wait3A_154] : memref<48x1024xf32, #tpu.memory_space<vmem>> -> memref<16x1024xf32, #tpu.memory_space<vmem>>
      %dma_wait3A_156 = arith.constant 0 : i32
      %dma_wait3A_157 = tpu.memref_slice %arg2[%add3A_60, %dma_wait3A_156] : memref<2048x1024xf32, #tpu.memory_space<hbm>> -> memref<16x1024xf32, #tpu.memory_space<hbm>>
      %dma_wait3A_158 = arith.constant 0 : i32
      %dma_wait3A_159 = arith.constant 0 : i32
      %dma_wait3A_160 = tpu.memref_slice %arg13[%dma_wait3A_158, %dma_wait3A_159] : memref<48x1024xf32, #tpu.memory_space<vmem>> -> memref<16x1024xf32, #tpu.memory_space<vmem>>
      %dma_wait3A_161 = arith.constant 0 : i32
      %dma_wait3A_162 = tpu.memref_slice %arg2[%add3A_60, %dma_wait3A_161] : memref<2048x1024xf32, #tpu.memory_space<hbm>> -> memref<16x1024xf32, #tpu.memory_space<hbm>>
      tpu.wait_dma2 semaphore(%run_scoped3A : memref<!tpu.dma_semaphore, #tpu.memory_space<semaphore_mem>>) src(%dma_wait3A_162 : memref<16x1024xf32, #tpu.memory_space<hbm>>) dst(%dma_wait3A_160 : memref<16x1024xf32, #tpu.memory_space<vmem>>)
      tpu.yield
    }) : () -> ()
    %add3A_61 = arith.constant 4096 : i32
    %add3A_62 = arith.addi %add3A_61, %mul3A_13 : i32
    %add3A_63 = arith.constant 48 : i32
    %add3A_64 = arith.addi %add3A_62, %add3A_63 : i32
    %dma_start3A_65 = arith.constant 0 : i32
    %dma_start3A_66 = arith.constant 0 : i32
    %dma_start3A_67 = tpu.memref_slice %arg13[%dma_start3A_65, %dma_start3A_66] : memref<48x1024xf32, #tpu.memory_space<vmem>> -> memref<16x1024xf32, #tpu.memory_space<vmem>>
    %dma_start3A_68 = arith.constant 0 : i32
    %dma_start3A_69 = tpu.memref_slice %arg5[%add3A_64, %dma_start3A_68] : memref<6144x1024xf32, #tpu.memory_space<hbm>> -> memref<16x1024xf32, #tpu.memory_space<hbm>>
    %dma_start3A_70 = arith.constant 0 : i32
    %dma_start3A_71 = tpu.memref_slice %arg5[%add3A_64, %dma_start3A_70] : memref<6144x1024xf32, #tpu.memory_space<hbm>> -> memref<16x1024xf32, #tpu.memory_space<hbm>>
    %dma_start3A_72 = arith.constant 0 : i32
    %dma_start3A_73 = arith.constant 0 : i32
    %dma_start3A_74 = tpu.memref_slice %arg13[%dma_start3A_72, %dma_start3A_73] : memref<48x1024xf32, #tpu.memory_space<vmem>> -> memref<16x1024xf32, #tpu.memory_space<vmem>>
    tpu.enqueue_dma source(%dma_start3A_74 : memref<16x1024xf32, #tpu.memory_space<vmem>>) target(%dma_start3A_71 : memref<16x1024xf32, #tpu.memory_space<hbm>>) target_semaphore(%arg15 : memref<!tpu.dma_semaphore, #tpu.memory_space<semaphore_mem>>)
    %dma_wait3A_75 = arith.constant 0 : i32
    %dma_wait3A_76 = arith.constant 0 : i32
    %dma_wait3A_77 = tpu.memref_slice %arg6[%dma_wait3A_75, %dma_wait3A_76] : memref<6144x128xf32, #tpu.memory_space<hbm>> -> memref<6144x128xf32, #tpu.memory_space<hbm>>
    tpu.wait_indirect_dma semaphore(%arg16 : memref<!tpu.dma_semaphore, #tpu.memory_space<semaphore_mem>>) src(%arg10 : memref<48x128xf32, #tpu.memory_space<vmem>>) dst(%dma_wait3A_77 : memref<6144x128xf32, #tpu.memory_space<hbm>>)
    %scan3A = arith.constant 0 : i32
    %scan3A_78 = arith.constant 0 : i32
    %scan3A_79 = arith.constant 48 : i32
    %scan3A_80 = arith.addi %scan3A_78, %scan3A_79 : i32
    %scan3A_81 = arith.constant 1 : i32
    scf.for %scan3A_143 = %scan3A_78 to %scan3A_80 step %scan3A_81  : i32 {
      %broadcast_in_dim3A = arith.constant 1.000000e+00 : f32
      %broadcast_in_dim3A_144 = vector.broadcast %broadcast_in_dim3A : f32 to vector<16xf32>
      %swap3A = arith.index_cast %scan3A_143 : i32 to index
      %swap3A_145 = arith.constant 0 : index
      %swap3A_146 = tpu.vector_load %arg10[%swap3A, %swap3A_145] {strides = array<i32>} : memref<48x128xf32, #tpu.memory_space<vmem>>, vector<1x16xf32>,
      %swap3A_147 = vector.shape_cast %swap3A_146 : vector<1x16xf32> to vector<16xf32>
      %swap3A_148 = vector.shape_cast %broadcast_in_dim3A_144 : vector<16xf32> to vector<1x16xf32>
      tpu.vector_store %arg10[%swap3A, %swap3A_145], %swap3A_148 {strides = array<i32>} : memref<48x128xf32, #tpu.memory_space<vmem>>, vector<1x16xf32>,
      %broadcast_in_dim3A_149 = arith.constant 1.000000e+00 : f32
      %broadcast_in_dim3A_150 = vector.broadcast %broadcast_in_dim3A_149 : f32 to vector<16xf32>
      %swap3A_151 = arith.index_cast %scan3A_143 : i32 to index
      %swap3A_152 = arith.constant 16 : index
      %swap3A_153 = tpu.vector_load %arg10[%swap3A_151, %swap3A_152] {strides = array<i32>} : memref<48x128xf32, #tpu.memory_space<vmem>>, vector<1x16xf32>,
      %swap3A_154 = vector.shape_cast %swap3A_153 : vector<1x16xf32> to vector<16xf32>
      %swap3A_155 = vector.shape_cast %broadcast_in_dim3A_150 : vector<16xf32> to vector<1x16xf32>
      tpu.vector_store %arg10[%swap3A_151, %swap3A_152], %swap3A_155 {strides = array<i32>} : memref<48x128xf32, #tpu.memory_space<vmem>>, vector<1x16xf32>,
      %broadcast_in_dim3A_156 = arith.constant 1.000000e+00 : f32
      %broadcast_in_dim3A_157 = vector.broadcast %broadcast_in_dim3A_156 : f32 to vector<16xf32>
      %swap3A_158 = arith.index_cast %scan3A_143 : i32 to index
      %swap3A_159 = arith.constant 32 : index
      %swap3A_160 = tpu.vector_load %arg10[%swap3A_158, %swap3A_159] {strides = array<i32>} : memref<48x128xf32, #tpu.memory_space<vmem>>, vector<1x16xf32>,
      %swap3A_161 = vector.shape_cast %swap3A_160 : vector<1x16xf32> to vector<16xf32>
      %swap3A_162 = vector.shape_cast %broadcast_in_dim3A_157 : vector<16xf32> to vector<1x16xf32>
      tpu.vector_store %arg10[%swap3A_158, %swap3A_159], %swap3A_162 {strides = array<i32>} : memref<48x128xf32, #tpu.memory_space<vmem>>, vector<1x16xf32>,
      %broadcast_in_dim3A_163 = arith.constant 1.000000e+00 : f32
      %broadcast_in_dim3A_164 = vector.broadcast %broadcast_in_dim3A_163 : f32 to vector<16xf32>
      %swap3A_165 = arith.index_cast %scan3A_143 : i32 to index
      %swap3A_166 = arith.constant 48 : index
      %swap3A_167 = tpu.vector_load %arg10[%swap3A_165, %swap3A_166] {strides = array<i32>} : memref<48x128xf32, #tpu.memory_space<vmem>>, vector<1x16xf32>,
      %swap3A_168 = vector.shape_cast %swap3A_167 : vector<1x16xf32> to vector<16xf32>
      %swap3A_169 = vector.shape_cast %broadcast_in_dim3A_164 : vector<16xf32> to vector<1x16xf32>
      tpu.vector_store %arg10[%swap3A_165, %swap3A_166], %swap3A_169 {strides = array<i32>} : memref<48x128xf32, #tpu.memory_space<vmem>>, vector<1x16xf32>,
      %broadcast_in_dim3A_170 = arith.constant 1.000000e+00 : f32
      %broadcast_in_dim3A_171 = vector.broadcast %broadcast_in_dim3A_170 : f32 to vector<16xf32>
      %swap3A_172 = arith.index_cast %scan3A_143 : i32 to index
      %swap3A_173 = arith.constant 64 : index
      %swap3A_174 = tpu.vector_load %arg10[%swap3A_172, %swap3A_173] {strides = array<i32>} : memref<48x128xf32, #tpu.memory_space<vmem>>, vector<1x16xf32>,
      %swap3A_175 = vector.shape_cast %swap3A_174 : vector<1x16xf32> to vector<16xf32>
      %swap3A_176 = vector.shape_cast %broadcast_in_dim3A_171 : vector<16xf32> to vector<1x16xf32>
      tpu.vector_store %arg10[%swap3A_172, %swap3A_173], %swap3A_176 {strides = array<i32>} : memref<48x128xf32, #tpu.memory_space<vmem>>, vector<1x16xf32>,
      %broadcast_in_dim3A_177 = arith.constant 1.000000e+00 : f32
      %broadcast_in_dim3A_178 = vector.broadcast %broadcast_in_dim3A_177 : f32 to vector<16xf32>
      %swap3A_179 = arith.index_cast %scan3A_143 : i32 to index
      %swap3A_180 = arith.constant 80 : index
      %swap3A_181 = tpu.vector_load %arg10[%swap3A_179, %swap3A_180] {strides = array<i32>} : memref<48x128xf32, #tpu.memory_space<vmem>>, vector<1x16xf32>,
      %swap3A_182 = vector.shape_cast %swap3A_181 : vector<1x16xf32> to vector<16xf32>
      %swap3A_183 = vector.shape_cast %broadcast_in_dim3A_178 : vector<16xf32> to vector<1x16xf32>
      tpu.vector_store %arg10[%swap3A_179, %swap3A_180], %swap3A_183 {strides = array<i32>} : memref<48x128xf32, #tpu.memory_space<vmem>>, vector<1x16xf32>,
      %broadcast_in_dim3A_184 = arith.constant 1.000000e+00 : f32
      %broadcast_in_dim3A_185 = vector.broadcast %broadcast_in_dim3A_184 : f32 to vector<16xf32>
      %swap3A_186 = arith.index_cast %scan3A_143 : i32 to index
      %swap3A_187 = arith.constant 96 : index
      %swap3A_188 = tpu.vector_load %arg10[%swap3A_186, %swap3A_187] {strides = array<i32>} : memref<48x128xf32, #tpu.memory_space<vmem>>, vector<1x16xf32>,
      %swap3A_189 = vector.shape_cast %swap3A_188 : vector<1x16xf32> to vector<16xf32>
      %swap3A_190 = vector.shape_cast %broadcast_in_dim3A_185 : vector<16xf32> to vector<1x16xf32>
      tpu.vector_store %arg10[%swap3A_186, %swap3A_187], %swap3A_190 {strides = array<i32>} : memref<48x128xf32, #tpu.memory_space<vmem>>, vector<1x16xf32>,
      %broadcast_in_dim3A_191 = arith.constant 1.000000e+00 : f32
      %broadcast_in_dim3A_192 = vector.broadcast %broadcast_in_dim3A_191 : f32 to vector<16xf32>
      %swap3A_193 = arith.index_cast %scan3A_143 : i32 to index
      %swap3A_194 = arith.constant 112 : index
      %swap3A_195 = tpu.vector_load %arg10[%swap3A_193, %swap3A_194] {strides = array<i32>} : memref<48x128xf32, #tpu.memory_space<vmem>>, vector<1x16xf32>,
      %swap3A_196 = vector.shape_cast %swap3A_195 : vector<1x16xf32> to vector<16xf32>
      %swap3A_197 = vector.shape_cast %broadcast_in_dim3A_192 : vector<16xf32> to vector<1x16xf32>
      tpu.vector_store %arg10[%swap3A_193, %swap3A_194], %swap3A_197 {strides = array<i32>} : memref<48x128xf32, #tpu.memory_space<vmem>>, vector<1x16xf32>,
    }
    %scan3A_82 = arith.constant 48 : i32
    %add3A_83 = arith.constant 4096 : i32
    %add3A_84 = arith.addi %add3A_83, %mul3A_13 : i32
    %dma_start3A_85 = arith.constant 0 : i32
    %dma_start3A_86 = tpu.memref_slice %arg6[%add3A_84, %dma_start3A_85] : memref<6144x128xf32, #tpu.memory_space<hbm>> -> memref<48x128xf32, #tpu.memory_space<hbm>>
    %dma_start3A_87 = arith.constant 0 : i32
    %dma_start3A_88 = tpu.memref_slice %arg6[%add3A_84, %dma_start3A_87] : memref<6144x128xf32, #tpu.memory_space<hbm>> -> memref<48x128xf32, #tpu.memory_space<hbm>>
    tpu.enqueue_dma source(%arg10 : memref<48x128xf32, #tpu.memory_space<vmem>>) target(%dma_start3A_88 : memref<48x128xf32, #tpu.memory_space<hbm>>) target_semaphore(%arg16 : memref<!tpu.dma_semaphore, #tpu.memory_space<semaphore_mem>>)
    %dma_wait3A_89 = arith.constant 0 : i32
    %dma_wait3A_90 = arith.constant 0 : i32
    %dma_wait3A_91 = tpu.memref_slice %arg6[%dma_wait3A_89, %dma_wait3A_90] : memref<6144x128xf32, #tpu.memory_space<hbm>> -> memref<6144x128xf32, #tpu.memory_space<hbm>>
    tpu.wait_indirect_dma semaphore(%arg16 : memref<!tpu.dma_semaphore, #tpu.memory_space<semaphore_mem>>) src(%arg12 : memref<32x128xf32, #tpu.memory_space<vmem>>) dst(%dma_wait3A_91 : memref<6144x128xf32, #tpu.memory_space<hbm>>)
    %scan3A_92 = arith.constant 0 : i32
    %scan3A_93 = arith.constant 0 : i32
    %scan3A_94 = arith.constant 16 : i32
    %scan3A_95 = arith.addi %scan3A_93, %scan3A_94 : i32
    %scan3A_96 = arith.constant 1 : i32
    scf.for %scan3A_143 = %scan3A_93 to %scan3A_95 step %scan3A_96  : i32 {
      %broadcast_in_dim3A = arith.constant 1.000000e+00 : f32
      %broadcast_in_dim3A_144 = vector.broadcast %broadcast_in_dim3A : f32 to vector<16xf32>
      %swap3A = arith.index_cast %scan3A_143 : i32 to index
      %swap3A_145 = arith.constant 0 : index
      %swap3A_146 = tpu.vector_load %arg12[%swap3A, %swap3A_145] {strides = array<i32>} : memref<32x128xf32, #tpu.memory_space<vmem>>, vector<1x16xf32>,
      %swap3A_147 = vector.shape_cast %swap3A_146 : vector<1x16xf32> to vector<16xf32>
      %swap3A_148 = vector.shape_cast %broadcast_in_dim3A_144 : vector<16xf32> to vector<1x16xf32>
      tpu.vector_store %arg12[%swap3A, %swap3A_145], %swap3A_148 {strides = array<i32>} : memref<32x128xf32, #tpu.memory_space<vmem>>, vector<1x16xf32>,
      %broadcast_in_dim3A_149 = arith.constant 1.000000e+00 : f32
      %broadcast_in_dim3A_150 = vector.broadcast %broadcast_in_dim3A_149 : f32 to vector<16xf32>
      %swap3A_151 = arith.index_cast %scan3A_143 : i32 to index
      %swap3A_152 = arith.constant 16 : index
      %swap3A_153 = tpu.vector_load %arg12[%swap3A_151, %swap3A_152] {strides = array<i32>} : memref<32x128xf32, #tpu.memory_space<vmem>>, vector<1x16xf32>,
      %swap3A_154 = vector.shape_cast %swap3A_153 : vector<1x16xf32> to vector<16xf32>
      %swap3A_155 = vector.shape_cast %broadcast_in_dim3A_150 : vector<16xf32> to vector<1x16xf32>
      tpu.vector_store %arg12[%swap3A_151, %swap3A_152], %swap3A_155 {strides = array<i32>} : memref<32x128xf32, #tpu.memory_space<vmem>>, vector<1x16xf32>,
      %broadcast_in_dim3A_156 = arith.constant 1.000000e+00 : f32
      %broadcast_in_dim3A_157 = vector.broadcast %broadcast_in_dim3A_156 : f32 to vector<16xf32>
      %swap3A_158 = arith.index_cast %scan3A_143 : i32 to index
      %swap3A_159 = arith.constant 32 : index
      %swap3A_160 = tpu.vector_load %arg12[%swap3A_158, %swap3A_159] {strides = array<i32>} : memref<32x128xf32, #tpu.memory_space<vmem>>, vector<1x16xf32>,
      %swap3A_161 = vector.shape_cast %swap3A_160 : vector<1x16xf32> to vector<16xf32>
      %swap3A_162 = vector.shape_cast %broadcast_in_dim3A_157 : vector<16xf32> to vector<1x16xf32>
      tpu.vector_store %arg12[%swap3A_158, %swap3A_159], %swap3A_162 {strides = array<i32>} : memref<32x128xf32, #tpu.memory_space<vmem>>, vector<1x16xf32>,
      %broadcast_in_dim3A_163 = arith.constant 1.000000e+00 : f32
      %broadcast_in_dim3A_164 = vector.broadcast %broadcast_in_dim3A_163 : f32 to vector<16xf32>
      %swap3A_165 = arith.index_cast %scan3A_143 : i32 to index
      %swap3A_166 = arith.constant 48 : index
      %swap3A_167 = tpu.vector_load %arg12[%swap3A_165, %swap3A_166] {strides = array<i32>} : memref<32x128xf32, #tpu.memory_space<vmem>>, vector<1x16xf32>,
      %swap3A_168 = vector.shape_cast %swap3A_167 : vector<1x16xf32> to vector<16xf32>
      %swap3A_169 = vector.shape_cast %broadcast_in_dim3A_164 : vector<16xf32> to vector<1x16xf32>
      tpu.vector_store %arg12[%swap3A_165, %swap3A_166], %swap3A_169 {strides = array<i32>} : memref<32x128xf32, #tpu.memory_space<vmem>>, vector<1x16xf32>,
      %broadcast_in_dim3A_170 = arith.constant 1.000000e+00 : f32
      %broadcast_in_dim3A_171 = vector.broadcast %broadcast_in_dim3A_170 : f32 to vector<16xf32>
      %swap3A_172 = arith.index_cast %scan3A_143 : i32 to index
      %swap3A_173 = arith.constant 64 : index
      %swap3A_174 = tpu.vector_load %arg12[%swap3A_172, %swap3A_173] {strides = array<i32>} : memref<32x128xf32, #tpu.memory_space<vmem>>, vector<1x16xf32>,
      %swap3A_175 = vector.shape_cast %swap3A_174 : vector<1x16xf32> to vector<16xf32>
      %swap3A_176 = vector.shape_cast %broadcast_in_dim3A_171 : vector<16xf32> to vector<1x16xf32>
      tpu.vector_store %arg12[%swap3A_172, %swap3A_173], %swap3A_176 {strides = array<i32>} : memref<32x128xf32, #tpu.memory_space<vmem>>, vector<1x16xf32>,
      %broadcast_in_dim3A_177 = arith.constant 1.000000e+00 : f32
      %broadcast_in_dim3A_178 = vector.broadcast %broadcast_in_dim3A_177 : f32 to vector<16xf32>
      %swap3A_179 = arith.index_cast %scan3A_143 : i32 to index
      %swap3A_180 = arith.constant 80 : index
      %swap3A_181 = tpu.vector_load %arg12[%swap3A_179, %swap3A_180] {strides = array<i32>} : memref<32x128xf32, #tpu.memory_space<vmem>>, vector<1x16xf32>,
      %swap3A_182 = vector.shape_cast %swap3A_181 : vector<1x16xf32> to vector<16xf32>
      %swap3A_183 = vector.shape_cast %broadcast_in_dim3A_178 : vector<16xf32> to vector<1x16xf32>
      tpu.vector_store %arg12[%swap3A_179, %swap3A_180], %swap3A_183 {strides = array<i32>} : memref<32x128xf32, #tpu.memory_space<vmem>>, vector<1x16xf32>,
      %broadcast_in_dim3A_184 = arith.constant 1.000000e+00 : f32
      %broadcast_in_dim3A_185 = vector.broadcast %broadcast_in_dim3A_184 : f32 to vector<16xf32>
      %swap3A_186 = arith.index_cast %scan3A_143 : i32 to index
      %swap3A_187 = arith.constant 96 : index
      %swap3A_188 = tpu.vector_load %arg12[%swap3A_186, %swap3A_187] {strides = array<i32>} : memref<32x128xf32, #tpu.memory_space<vmem>>, vector<1x16xf32>,
      %swap3A_189 = vector.shape_cast %swap3A_188 : vector<1x16xf32> to vector<16xf32>
      %swap3A_190 = vector.shape_cast %broadcast_in_dim3A_185 : vector<16xf32> to vector<1x16xf32>
      tpu.vector_store %arg12[%swap3A_186, %swap3A_187], %swap3A_190 {strides = array<i32>} : memref<32x128xf32, #tpu.memory_space<vmem>>, vector<1x16xf32>,
      %broadcast_in_dim3A_191 = arith.constant 1.000000e+00 : f32
      %broadcast_in_dim3A_192 = vector.broadcast %broadcast_in_dim3A_191 : f32 to vector<16xf32>
      %swap3A_193 = arith.index_cast %scan3A_143 : i32 to index
      %swap3A_194 = arith.constant 112 : index
      %swap3A_195 = tpu.vector_load %arg12[%swap3A_193, %swap3A_194] {strides = array<i32>} : memref<32x128xf32, #tpu.memory_space<vmem>>, vector<1x16xf32>,
      %swap3A_196 = vector.shape_cast %swap3A_195 : vector<1x16xf32> to vector<16xf32>
      %swap3A_197 = vector.shape_cast %broadcast_in_dim3A_192 : vector<16xf32> to vector<1x16xf32>
      tpu.vector_store %arg12[%swap3A_193, %swap3A_194], %swap3A_197 {strides = array<i32>} : memref<32x128xf32, #tpu.memory_space<vmem>>, vector<1x16xf32>,
    }
    %scan3A_97 = arith.constant 16 : i32
    %add3A_98 = arith.constant 4096 : i32
    %add3A_99 = arith.addi %add3A_98, %mul3A_13 : i32
    %add3A_100 = arith.constant 48 : i32
    %add3A_101 = arith.addi %add3A_99, %add3A_100 : i32
    %dma_start3A_102 = arith.constant 0 : i32
    %dma_start3A_103 = arith.constant 0 : i32
    %dma_start3A_104 = tpu.memref_slice %arg12[%dma_start3A_102, %dma_start3A_103] : memref<32x128xf32, #tpu.memory_space<vmem>> -> memref<16x128xf32, #tpu.memory_space<vmem>>
    %dma_start3A_105 = arith.constant 0 : i32
    %dma_start3A_106 = tpu.memref_slice %arg6[%add3A_101, %dma_start3A_105] : memref<6144x128xf32, #tpu.memory_space<hbm>> -> memref<16x128xf32, #tpu.memory_space<hbm>>
    %dma_start3A_107 = arith.constant 0 : i32
    %dma_start3A_108 = tpu.memref_slice %arg6[%add3A_101, %dma_start3A_107] : memref<6144x128xf32, #tpu.memory_space<hbm>> -> memref<16x128xf32, #tpu.memory_space<hbm>>
    %dma_start3A_109 = arith.constant 0 : i32
    %dma_start3A_110 = arith.constant 0 : i32
    %dma_start3A_111 = tpu.memref_slice %arg12[%dma_start3A_109, %dma_start3A_110] : memref<32x128xf32, #tpu.memory_space<vmem>> -> memref<16x128xf32, #tpu.memory_space<vmem>>
    tpu.enqueue_dma source(%dma_start3A_111 : memref<16x128xf32, #tpu.memory_space<vmem>>) target(%dma_start3A_108 : memref<16x128xf32, #tpu.memory_space<hbm>>) target_semaphore(%arg16 : memref<!tpu.dma_semaphore, #tpu.memory_space<semaphore_mem>>)
    %dma_wait3A_112 = arith.constant 0 : i32
    %dma_wait3A_113 = arith.constant 0 : i32
    %dma_wait3A_114 = tpu.memref_slice %arg6[%dma_wait3A_112, %dma_wait3A_113] : memref<6144x128xf32, #tpu.memory_space<hbm>> -> memref<6144x128xf32, #tpu.memory_space<hbm>>
    tpu.wait_indirect_dma semaphore(%arg16 : memref<!tpu.dma_semaphore, #tpu.memory_space<semaphore_mem>>) src(%arg11 : memref<48x128xf32, #tpu.memory_space<vmem>>) dst(%dma_wait3A_114 : memref<6144x128xf32, #tpu.memory_space<hbm>>)
    %dma_wait3A_115 = arith.constant 0 : i32
    %dma_wait3A_116 = tpu.memref_slice %arg5[%add3A_48, %dma_wait3A_115] : memref<6144x1024xf32, #tpu.memory_space<hbm>> -> memref<48x1024xf32, #tpu.memory_space<hbm>>
    %dma_wait3A_117 = arith.constant 0 : i32
    %dma_wait3A_118 = tpu.memref_slice %arg5[%add3A_48, %dma_wait3A_117] : memref<6144x1024xf32, #tpu.memory_space<hbm>> -> memref<48x1024xf32, #tpu.memory_space<hbm>>
    tpu.wait_dma2 semaphore(%arg15 : memref<!tpu.dma_semaphore, #tpu.memory_space<semaphore_mem>>) src(%arg14 : memref<48x1024xf32, #tpu.memory_space<vmem>>) dst(%dma_wait3A_118 : memref<48x1024xf32, #tpu.memory_space<hbm>>)
    %dma_wait3A_119 = arith.constant 0 : i32
    %dma_wait3A_120 = arith.constant 0 : i32
    %dma_wait3A_121 = tpu.memref_slice %arg13[%dma_wait3A_119, %dma_wait3A_120] : memref<48x1024xf32, #tpu.memory_space<vmem>> -> memref<16x1024xf32, #tpu.memory_space<vmem>>
    %dma_wait3A_122 = arith.constant 0 : i32
    %dma_wait3A_123 = tpu.memref_slice %arg5[%add3A_64, %dma_wait3A_122] : memref<6144x1024xf32, #tpu.memory_space<hbm>> -> memref<16x1024xf32, #tpu.memory_space<hbm>>
    %dma_wait3A_124 = arith.constant 0 : i32
    %dma_wait3A_125 = tpu.memref_slice %arg5[%add3A_64, %dma_wait3A_124] : memref<6144x1024xf32, #tpu.memory_space<hbm>> -> memref<16x1024xf32, #tpu.memory_space<hbm>>
    %dma_wait3A_126 = arith.constant 0 : i32
    %dma_wait3A_127 = arith.constant 0 : i32
    %dma_wait3A_128 = tpu.memref_slice %arg13[%dma_wait3A_126, %dma_wait3A_127] : memref<48x1024xf32, #tpu.memory_space<vmem>> -> memref<16x1024xf32, #tpu.memory_space<vmem>>
    tpu.wait_dma2 semaphore(%arg15 : memref<!tpu.dma_semaphore, #tpu.memory_space<semaphore_mem>>) src(%dma_wait3A_128 : memref<16x1024xf32, #tpu.memory_space<vmem>>) dst(%dma_wait3A_125 : memref<16x1024xf32, #tpu.memory_space<hbm>>)
    %dma_wait3A_129 = arith.constant 0 : i32
    %dma_wait3A_130 = tpu.memref_slice %arg6[%add3A_84, %dma_wait3A_129] : memref<6144x128xf32, #tpu.memory_space<hbm>> -> memref<48x128xf32, #tpu.memory_space<hbm>>
    %dma_wait3A_131 = arith.constant 0 : i32
    %dma_wait3A_132 = tpu.memref_slice %arg6[%add3A_84, %dma_wait3A_131] : memref<6144x128xf32, #tpu.memory_space<hbm>> -> memref<48x128xf32, #tpu.memory_space<hbm>>
    tpu.wait_dma2 semaphore(%arg16 : memref<!tpu.dma_semaphore, #tpu.memory_space<semaphore_mem>>) src(%arg10 : memref<48x128xf32, #tpu.memory_space<vmem>>) dst(%dma_wait3A_132 : memref<48x128xf32, #tpu.memory_space<hbm>>)
    %dma_wait3A_133 = arith.constant 0 : i32
    %dma_wait3A_134 = arith.constant 0 : i32
    %dma_wait3A_135 = tpu.memref_slice %arg12[%dma_wait3A_133, %dma_wait3A_134] : memref<32x128xf32, #tpu.memory_space<vmem>> -> memref<16x128xf32, #tpu.memory_space<vmem>>
    %dma_wait3A_136 = arith.constant 0 : i32
    %dma_wait3A_137 = tpu.memref_slice %arg6[%add3A_101, %dma_wait3A_136] : memref<6144x128xf32, #tpu.memory_space<hbm>> -> memref<16x128xf32, #tpu.memory_space<hbm>>
    %dma_wait3A_138 = arith.constant 0 : i32
    %dma_wait3A_139 = tpu.memref_slice %arg6[%add3A_101, %dma_wait3A_138] : memref<6144x128xf32, #tpu.memory_space<hbm>> -> memref<16x128xf32, #tpu.memory_space<hbm>>
    %dma_wait3A_140 = arith.constant 0 : i32
    %dma_wait3A_141 = arith.constant 0 : i32
    %dma_wait3A_142 = tpu.memref_slice %arg12[%dma_wait3A_140, %dma_wait3A_141] : memref<32x128xf32, #tpu.memory_space<vmem>> -> memref<16x128xf32, #tpu.memory_space<vmem>>
    tpu.wait_dma2 semaphore(%arg16 : memref<!tpu.dma_semaphore, #tpu.memory_space<semaphore_mem>>) src(%dma_wait3A_142 : memref<16x128xf32, #tpu.memory_space<vmem>>) dst(%dma_wait3A_139 : memref<16x128xf32, #tpu.memory_space<hbm>>)
    return
  }
}

#map = affine_map<(d0, d1) -> (0, 0)>
#map1 = affine_map<(d0, d1) -> (0)>
module attributes {stable_mosaic.version = 14 : i64} {
  func.func @combine_kernel(%arg0: i32, %arg1: i32, %arg2: memref<6144x1024xf32, #tpu.memory_space<hbm>>, %arg3: memref<4096xi32, #tpu.memory_space<hbm>>, %arg4: memref<2048x1024xf32, #tpu.memory_space<hbm>>, %arg5: memref<16xi32, #tpu.memory_space<vmem>>, %arg6: memref<16xi32, #tpu.memory_space<vmem>>, %arg7: memref<16x1024xf32, #tpu.memory_space<vmem>>, %arg8: memref<16x1024xf32, #tpu.memory_space<vmem>>, %arg9: memref<16x1024xf32, #tpu.memory_space<vmem>>, %arg10: memref<16xi32, #tpu.memory_space<vmem>>, %arg11: memref<16xi32, #tpu.memory_space<vmem>>, %arg12: memref<16x1024xf32, #tpu.memory_space<vmem>>, %arg13: memref<16x1024xf32, #tpu.memory_space<vmem>>, %arg14: memref<16x1024xf32, #tpu.memory_space<vmem>>, %arg15: memref<!tpu.dma_semaphore, #tpu.memory_space<semaphore_mem>>, %arg16: memref<!tpu.dma_semaphore, #tpu.memory_space<semaphore_mem>>, %arg17: memref<!tpu.dma_semaphore, #tpu.memory_space<semaphore_mem>>, %arg18: memref<!tpu.dma_semaphore, #tpu.memory_space<semaphore_mem>>) attributes {dimension_semantics = [#tpu.dimension_semantics<core_parallel>, #tpu.dimension_semantics<subcore_parallel>], iteration_bounds = array<i64: 2, 16>, scalar_prefetch = 0 : i64, scratch_operands = 14 : i64, tpu.core_type = #tpu.core_type<sc_vector_subcore>, window_params = [{transform_indices = #map}, {transform_indices = #map1}, {transform_indices = #map}]} {
    %mul3A = arith.constant 2 : i32
    %mul3A_0 = arith.muli %arg1, %mul3A : i32
    %add3A = arith.addi %mul3A_0, %arg0 : i32
    %mul3A_1 = arith.constant 64 : i32
    %mul3A_2 = arith.muli %add3A, %mul3A_1 : i32
    %add3A_3 = arith.constant 0 : i32
    %add3A_4 = arith.addi %mul3A_2, %add3A_3 : i32
    "tpu.region"() ({
      %run_scoped3A = tpu.sem_alloc : memref<!tpu.dma_semaphore, #tpu.memory_space<semaphore_mem>>
      %dma_start3A_182 = tpu.memref_slice %arg3[%add3A_4] : memref<4096xi32, #tpu.memory_space<hbm>> -> memref<16xi32, #tpu.memory_space<hbm>>
      %dma_start3A_183 = tpu.memref_slice %arg3[%add3A_4] : memref<4096xi32, #tpu.memory_space<hbm>> -> memref<16xi32, #tpu.memory_space<hbm>>
      tpu.enqueue_dma source(%dma_start3A_183 : memref<16xi32, #tpu.memory_space<hbm>>) target(%arg5 : memref<16xi32, #tpu.memory_space<vmem>>) target_semaphore(%run_scoped3A : memref<!tpu.dma_semaphore, #tpu.memory_space<semaphore_mem>>)
      %dma_wait3A_184 = tpu.memref_slice %arg3[%add3A_4] : memref<4096xi32, #tpu.memory_space<hbm>> -> memref<16xi32, #tpu.memory_space<hbm>>
      %dma_wait3A_185 = tpu.memref_slice %arg3[%add3A_4] : memref<4096xi32, #tpu.memory_space<hbm>> -> memref<16xi32, #tpu.memory_space<hbm>>
      tpu.wait_dma2 semaphore(%run_scoped3A : memref<!tpu.dma_semaphore, #tpu.memory_space<semaphore_mem>>) src(%dma_wait3A_185 : memref<16xi32, #tpu.memory_space<hbm>>) dst(%arg5 : memref<16xi32, #tpu.memory_space<vmem>>)
      tpu.yield
    }) : () -> ()
    %add3A_5 = arith.constant 2048 : i32
    %add3A_6 = arith.addi %add3A_5, %add3A_4 : i32
    "tpu.region"() ({
      %run_scoped3A = tpu.sem_alloc : memref<!tpu.dma_semaphore, #tpu.memory_space<semaphore_mem>>
      %dma_start3A_182 = tpu.memref_slice %arg3[%add3A_6] : memref<4096xi32, #tpu.memory_space<hbm>> -> memref<16xi32, #tpu.memory_space<hbm>>
      %dma_start3A_183 = tpu.memref_slice %arg3[%add3A_6] : memref<4096xi32, #tpu.memory_space<hbm>> -> memref<16xi32, #tpu.memory_space<hbm>>
      tpu.enqueue_dma source(%dma_start3A_183 : memref<16xi32, #tpu.memory_space<hbm>>) target(%arg6 : memref<16xi32, #tpu.memory_space<vmem>>) target_semaphore(%run_scoped3A : memref<!tpu.dma_semaphore, #tpu.memory_space<semaphore_mem>>)
      %dma_wait3A_184 = tpu.memref_slice %arg3[%add3A_6] : memref<4096xi32, #tpu.memory_space<hbm>> -> memref<16xi32, #tpu.memory_space<hbm>>
      %dma_wait3A_185 = tpu.memref_slice %arg3[%add3A_6] : memref<4096xi32, #tpu.memory_space<hbm>> -> memref<16xi32, #tpu.memory_space<hbm>>
      tpu.wait_dma2 semaphore(%run_scoped3A : memref<!tpu.dma_semaphore, #tpu.memory_space<semaphore_mem>>) src(%dma_wait3A_185 : memref<16xi32, #tpu.memory_space<hbm>>) dst(%arg6 : memref<16xi32, #tpu.memory_space<vmem>>)
      tpu.yield
    }) : () -> ()
    %dma_start3A = arith.constant 0 : i32
    %dma_start3A_7 = arith.constant 0 : i32
    %dma_start3A_8 = tpu.memref_slice %arg2[%dma_start3A, %dma_start3A_7] : memref<6144x1024xf32, #tpu.memory_space<hbm>> -> memref<6144x1024xf32, #tpu.memory_space<hbm>>
    tpu.enqueue_indirect_dma source(%dma_start3A_8 : memref<6144x1024xf32, #tpu.memory_space<hbm>>) target(%arg7 : memref<16x1024xf32, #tpu.memory_space<vmem>>) offsets(%arg5 : memref<16xi32, #tpu.memory_space<vmem>>) semaphore(%arg15 : memref<!tpu.dma_semaphore, #tpu.memory_space<semaphore_mem>>)
    %dma_start3A_9 = arith.constant 0 : i32
    %dma_start3A_10 = arith.constant 0 : i32
    %dma_start3A_11 = tpu.memref_slice %arg2[%dma_start3A_9, %dma_start3A_10] : memref<6144x1024xf32, #tpu.memory_space<hbm>> -> memref<6144x1024xf32, #tpu.memory_space<hbm>>
    tpu.enqueue_indirect_dma source(%dma_start3A_11 : memref<6144x1024xf32, #tpu.memory_space<hbm>>) target(%arg8 : memref<16x1024xf32, #tpu.memory_space<vmem>>) offsets(%arg6 : memref<16xi32, #tpu.memory_space<vmem>>) semaphore(%arg15 : memref<!tpu.dma_semaphore, #tpu.memory_space<semaphore_mem>>)
    %add3A_12 = arith.constant 4096 : i32
    %add3A_13 = arith.addi %add3A_12, %add3A_4 : i32
    %dma_start3A_14 = arith.constant 0 : i32
    %dma_start3A_15 = tpu.memref_slice %arg2[%add3A_13, %dma_start3A_14] : memref<6144x1024xf32, #tpu.memory_space<hbm>> -> memref<16x1024xf32, #tpu.memory_space<hbm>>
    %dma_start3A_16 = arith.constant 0 : i32
    %dma_start3A_17 = tpu.memref_slice %arg2[%add3A_13, %dma_start3A_16] : memref<6144x1024xf32, #tpu.memory_space<hbm>> -> memref<16x1024xf32, #tpu.memory_space<hbm>>
    tpu.enqueue_dma source(%dma_start3A_17 : memref<16x1024xf32, #tpu.memory_space<hbm>>) target(%arg9 : memref<16x1024xf32, #tpu.memory_space<vmem>>) target_semaphore(%arg15 : memref<!tpu.dma_semaphore, #tpu.memory_space<semaphore_mem>>)
    %mul3A_18 = arith.constant 64 : i32
    %mul3A_19 = arith.muli %add3A, %mul3A_18 : i32
    %add3A_20 = arith.constant 16 : i32
    %add3A_21 = arith.addi %mul3A_19, %add3A_20 : i32
    "tpu.region"() ({
      %run_scoped3A = tpu.sem_alloc : memref<!tpu.dma_semaphore, #tpu.memory_space<semaphore_mem>>
      %dma_start3A_182 = tpu.memref_slice %arg3[%add3A_21] : memref<4096xi32, #tpu.memory_space<hbm>> -> memref<16xi32, #tpu.memory_space<hbm>>
      %dma_start3A_183 = tpu.memref_slice %arg3[%add3A_21] : memref<4096xi32, #tpu.memory_space<hbm>> -> memref<16xi32, #tpu.memory_space<hbm>>
      tpu.enqueue_dma source(%dma_start3A_183 : memref<16xi32, #tpu.memory_space<hbm>>) target(%arg10 : memref<16xi32, #tpu.memory_space<vmem>>) target_semaphore(%run_scoped3A : memref<!tpu.dma_semaphore, #tpu.memory_space<semaphore_mem>>)
      %dma_wait3A_184 = tpu.memref_slice %arg3[%add3A_21] : memref<4096xi32, #tpu.memory_space<hbm>> -> memref<16xi32, #tpu.memory_space<hbm>>
      %dma_wait3A_185 = tpu.memref_slice %arg3[%add3A_21] : memref<4096xi32, #tpu.memory_space<hbm>> -> memref<16xi32, #tpu.memory_space<hbm>>
      tpu.wait_dma2 semaphore(%run_scoped3A : memref<!tpu.dma_semaphore, #tpu.memory_space<semaphore_mem>>) src(%dma_wait3A_185 : memref<16xi32, #tpu.memory_space<hbm>>) dst(%arg10 : memref<16xi32, #tpu.memory_space<vmem>>)
      tpu.yield
    }) : () -> ()
    %add3A_22 = arith.constant 2048 : i32
    %add3A_23 = arith.addi %add3A_22, %add3A_21 : i32
    "tpu.region"() ({
      %run_scoped3A = tpu.sem_alloc : memref<!tpu.dma_semaphore, #tpu.memory_space<semaphore_mem>>
      %dma_start3A_182 = tpu.memref_slice %arg3[%add3A_23] : memref<4096xi32, #tpu.memory_space<hbm>> -> memref<16xi32, #tpu.memory_space<hbm>>
      %dma_start3A_183 = tpu.memref_slice %arg3[%add3A_23] : memref<4096xi32, #tpu.memory_space<hbm>> -> memref<16xi32, #tpu.memory_space<hbm>>
      tpu.enqueue_dma source(%dma_start3A_183 : memref<16xi32, #tpu.memory_space<hbm>>) target(%arg11 : memref<16xi32, #tpu.memory_space<vmem>>) target_semaphore(%run_scoped3A : memref<!tpu.dma_semaphore, #tpu.memory_space<semaphore_mem>>)
      %dma_wait3A_184 = tpu.memref_slice %arg3[%add3A_23] : memref<4096xi32, #tpu.memory_space<hbm>> -> memref<16xi32, #tpu.memory_space<hbm>>
      %dma_wait3A_185 = tpu.memref_slice %arg3[%add3A_23] : memref<4096xi32, #tpu.memory_space<hbm>> -> memref<16xi32, #tpu.memory_space<hbm>>
      tpu.wait_dma2 semaphore(%run_scoped3A : memref<!tpu.dma_semaphore, #tpu.memory_space<semaphore_mem>>) src(%dma_wait3A_185 : memref<16xi32, #tpu.memory_space<hbm>>) dst(%arg11 : memref<16xi32, #tpu.memory_space<vmem>>)
      tpu.yield
    }) : () -> ()
    %dma_start3A_24 = arith.constant 0 : i32
    %dma_start3A_25 = arith.constant 0 : i32
    %dma_start3A_26 = tpu.memref_slice %arg2[%dma_start3A_24, %dma_start3A_25] : memref<6144x1024xf32, #tpu.memory_space<hbm>> -> memref<6144x1024xf32, #tpu.memory_space<hbm>>
    tpu.enqueue_indirect_dma source(%dma_start3A_26 : memref<6144x1024xf32, #tpu.memory_space<hbm>>) target(%arg12 : memref<16x1024xf32, #tpu.memory_space<vmem>>) offsets(%arg10 : memref<16xi32, #tpu.memory_space<vmem>>) semaphore(%arg16 : memref<!tpu.dma_semaphore, #tpu.memory_space<semaphore_mem>>)
    %dma_start3A_27 = arith.constant 0 : i32
    %dma_start3A_28 = arith.constant 0 : i32
    %dma_start3A_29 = tpu.memref_slice %arg2[%dma_start3A_27, %dma_start3A_28] : memref<6144x1024xf32, #tpu.memory_space<hbm>> -> memref<6144x1024xf32, #tpu.memory_space<hbm>>
    tpu.enqueue_indirect_dma source(%dma_start3A_29 : memref<6144x1024xf32, #tpu.memory_space<hbm>>) target(%arg13 : memref<16x1024xf32, #tpu.memory_space<vmem>>) offsets(%arg11 : memref<16xi32, #tpu.memory_space<vmem>>) semaphore(%arg16 : memref<!tpu.dma_semaphore, #tpu.memory_space<semaphore_mem>>)
    %add3A_30 = arith.constant 4096 : i32
    %add3A_31 = arith.addi %add3A_30, %add3A_21 : i32
    %dma_start3A_32 = arith.constant 0 : i32
    %dma_start3A_33 = tpu.memref_slice %arg2[%add3A_31, %dma_start3A_32] : memref<6144x1024xf32, #tpu.memory_space<hbm>> -> memref<16x1024xf32, #tpu.memory_space<hbm>>
    %dma_start3A_34 = arith.constant 0 : i32
    %dma_start3A_35 = tpu.memref_slice %arg2[%add3A_31, %dma_start3A_34] : memref<6144x1024xf32, #tpu.memory_space<hbm>> -> memref<16x1024xf32, #tpu.memory_space<hbm>>
    tpu.enqueue_dma source(%dma_start3A_35 : memref<16x1024xf32, #tpu.memory_space<hbm>>) target(%arg14 : memref<16x1024xf32, #tpu.memory_space<vmem>>) target_semaphore(%arg16 : memref<!tpu.dma_semaphore, #tpu.memory_space<semaphore_mem>>)
    %dma_wait3A = arith.constant 0 : i32
    %dma_wait3A_36 = arith.constant 0 : i32
    %dma_wait3A_37 = tpu.memref_slice %arg2[%dma_wait3A, %dma_wait3A_36] : memref<6144x1024xf32, #tpu.memory_space<hbm>> -> memref<6144x1024xf32, #tpu.memory_space<hbm>>
    tpu.wait_indirect_dma semaphore(%arg15 : memref<!tpu.dma_semaphore, #tpu.memory_space<semaphore_mem>>) src(%dma_wait3A_37 : memref<6144x1024xf32, #tpu.memory_space<hbm>>) dst(%arg7 : memref<16x1024xf32, #tpu.memory_space<vmem>>)
    %dma_wait3A_38 = arith.constant 0 : i32
    %dma_wait3A_39 = arith.constant 0 : i32
    %dma_wait3A_40 = tpu.memref_slice %arg2[%dma_wait3A_38, %dma_wait3A_39] : memref<6144x1024xf32, #tpu.memory_space<hbm>> -> memref<6144x1024xf32, #tpu.memory_space<hbm>>
    tpu.wait_indirect_dma semaphore(%arg15 : memref<!tpu.dma_semaphore, #tpu.memory_space<semaphore_mem>>) src(%dma_wait3A_40 : memref<6144x1024xf32, #tpu.memory_space<hbm>>) dst(%arg8 : memref<16x1024xf32, #tpu.memory_space<vmem>>)
    %dma_wait3A_41 = arith.constant 0 : i32
    %dma_wait3A_42 = tpu.memref_slice %arg2[%add3A_13, %dma_wait3A_41] : memref<6144x1024xf32, #tpu.memory_space<hbm>> -> memref<16x1024xf32, #tpu.memory_space<hbm>>
    %dma_wait3A_43 = arith.constant 0 : i32
    %dma_wait3A_44 = tpu.memref_slice %arg2[%add3A_13, %dma_wait3A_43] : memref<6144x1024xf32, #tpu.memory_space<hbm>> -> memref<16x1024xf32, #tpu.memory_space<hbm>>
    tpu.wait_dma2 semaphore(%arg15 : memref<!tpu.dma_semaphore, #tpu.memory_space<semaphore_mem>>) src(%dma_wait3A_44 : memref<16x1024xf32, #tpu.memory_space<hbm>>) dst(%arg9 : memref<16x1024xf32, #tpu.memory_space<vmem>>)
    %scan3A = arith.constant 0 : i32
    %scan3A_45 = arith.constant 0 : i32
    %scan3A_46 = arith.constant 16 : i32
    %scan3A_47 = arith.addi %scan3A_45, %scan3A_46 : i32
    %scan3A_48 = arith.constant 1 : i32
    scf.for %scan3A_182 = %scan3A_45 to %scan3A_47 step %scan3A_48  : i32 {
      %scan3A_183 = arith.constant 0 : i32
      %scan3A_184 = arith.constant 16 : i32
      %scan3A_185 = arith.addi %scan3A_183, %scan3A_184 : i32
      %scan3A_186 = arith.constant 1 : i32
      scf.for %scan3A_188 = %scan3A_183 to %scan3A_185 step %scan3A_186  : i32 {
        %mul3A_189 = arith.constant 64 : i32
        %mul3A_190 = arith.muli %scan3A_188, %mul3A_189 : i32
        %add3A_191 = arith.constant 0 : i32
        %add3A_192 = arith.addi %mul3A_190, %add3A_191 : i32
        %get3A = arith.index_cast %scan3A_182 : i32 to index
        %get3A_193 = arith.index_cast %add3A_192 : i32 to index
        %get3A_194 = tpu.vector_load %arg7[%get3A, %get3A_193] {strides = array<i32>} : memref<16x1024xf32, #tpu.memory_space<vmem>>, vector<1x16xf32>,
        %get3A_195 = vector.shape_cast %get3A_194 : vector<1x16xf32> to vector<16xf32>
        %get3A_196 = arith.index_cast %scan3A_182 : i32 to index
        %get3A_197 = arith.index_cast %add3A_192 : i32 to index
        %get3A_198 = tpu.vector_load %arg8[%get3A_196, %get3A_197] {strides = array<i32>} : memref<16x1024xf32, #tpu.memory_space<vmem>>, vector<1x16xf32>,
        %get3A_199 = vector.shape_cast %get3A_198 : vector<1x16xf32> to vector<16xf32>
        %add3A_200 = arith.addf %get3A_195, %get3A_199 : vector<16xf32>
        %get3A_201 = arith.index_cast %scan3A_182 : i32 to index
        %get3A_202 = arith.index_cast %add3A_192 : i32 to index
        %get3A_203 = tpu.vector_load %arg9[%get3A_201, %get3A_202] {strides = array<i32>} : memref<16x1024xf32, #tpu.memory_space<vmem>>, vector<1x16xf32>,
        %get3A_204 = vector.shape_cast %get3A_203 : vector<1x16xf32> to vector<16xf32>
        %add3A_205 = arith.addf %add3A_200, %get3A_204 : vector<16xf32>
        %swap3A = arith.index_cast %scan3A_182 : i32 to index
        %swap3A_206 = arith.index_cast %add3A_192 : i32 to index
        %swap3A_207 = tpu.vector_load %arg7[%swap3A, %swap3A_206] {strides = array<i32>} : memref<16x1024xf32, #tpu.memory_space<vmem>>, vector<1x16xf32>,
        %swap3A_208 = vector.shape_cast %swap3A_207 : vector<1x16xf32> to vector<16xf32>
        %swap3A_209 = vector.shape_cast %add3A_205 : vector<16xf32> to vector<1x16xf32>
        tpu.vector_store %arg7[%swap3A, %swap3A_206], %swap3A_209 {strides = array<i32>} : memref<16x1024xf32, #tpu.memory_space<vmem>>, vector<1x16xf32>,
        %mul3A_210 = arith.constant 64 : i32
        %mul3A_211 = arith.muli %scan3A_188, %mul3A_210 : i32
        %add3A_212 = arith.constant 16 : i32
        %add3A_213 = arith.addi %mul3A_211, %add3A_212 : i32
        %get3A_214 = arith.index_cast %scan3A_182 : i32 to index
        %get3A_215 = arith.index_cast %add3A_213 : i32 to index
        %get3A_216 = tpu.vector_load %arg7[%get3A_214, %get3A_215] {strides = array<i32>} : memref<16x1024xf32, #tpu.memory_space<vmem>>, vector<1x16xf32>,
        %get3A_217 = vector.shape_cast %get3A_216 : vector<1x16xf32> to vector<16xf32>
        %get3A_218 = arith.index_cast %scan3A_182 : i32 to index
        %get3A_219 = arith.index_cast %add3A_213 : i32 to index
        %get3A_220 = tpu.vector_load %arg8[%get3A_218, %get3A_219] {strides = array<i32>} : memref<16x1024xf32, #tpu.memory_space<vmem>>, vector<1x16xf32>,
        %get3A_221 = vector.shape_cast %get3A_220 : vector<1x16xf32> to vector<16xf32>
        %add3A_222 = arith.addf %get3A_217, %get3A_221 : vector<16xf32>
        %get3A_223 = arith.index_cast %scan3A_182 : i32 to index
        %get3A_224 = arith.index_cast %add3A_213 : i32 to index
        %get3A_225 = tpu.vector_load %arg9[%get3A_223, %get3A_224] {strides = array<i32>} : memref<16x1024xf32, #tpu.memory_space<vmem>>, vector<1x16xf32>,
        %get3A_226 = vector.shape_cast %get3A_225 : vector<1x16xf32> to vector<16xf32>
        %add3A_227 = arith.addf %add3A_222, %get3A_226 : vector<16xf32>
        %swap3A_228 = arith.index_cast %scan3A_182 : i32 to index
        %swap3A_229 = arith.index_cast %add3A_213 : i32 to index
        %swap3A_230 = tpu.vector_load %arg7[%swap3A_228, %swap3A_229] {strides = array<i32>} : memref<16x1024xf32, #tpu.memory_space<vmem>>, vector<1x16xf32>,
        %swap3A_231 = vector.shape_cast %swap3A_230 : vector<1x16xf32> to vector<16xf32>
        %swap3A_232 = vector.shape_cast %add3A_227 : vector<16xf32> to vector<1x16xf32>
        tpu.vector_store %arg7[%swap3A_228, %swap3A_229], %swap3A_232 {strides = array<i32>} : memref<16x1024xf32, #tpu.memory_space<vmem>>, vector<1x16xf32>,
        %mul3A_233 = arith.constant 64 : i32
        %mul3A_234 = arith.muli %scan3A_188, %mul3A_233 : i32
        %add3A_235 = arith.constant 32 : i32
        %add3A_236 = arith.addi %mul3A_234, %add3A_235 : i32
        %get3A_237 = arith.index_cast %scan3A_182 : i32 to index
        %get3A_238 = arith.index_cast %add3A_236 : i32 to index
        %get3A_239 = tpu.vector_load %arg7[%get3A_237, %get3A_238] {strides = array<i32>} : memref<16x1024xf32, #tpu.memory_space<vmem>>, vector<1x16xf32>,
        %get3A_240 = vector.shape_cast %get3A_239 : vector<1x16xf32> to vector<16xf32>
        %get3A_241 = arith.index_cast %scan3A_182 : i32 to index
        %get3A_242 = arith.index_cast %add3A_236 : i32 to index
        %get3A_243 = tpu.vector_load %arg8[%get3A_241, %get3A_242] {strides = array<i32>} : memref<16x1024xf32, #tpu.memory_space<vmem>>, vector<1x16xf32>,
        %get3A_244 = vector.shape_cast %get3A_243 : vector<1x16xf32> to vector<16xf32>
        %add3A_245 = arith.addf %get3A_240, %get3A_244 : vector<16xf32>
        %get3A_246 = arith.index_cast %scan3A_182 : i32 to index
        %get3A_247 = arith.index_cast %add3A_236 : i32 to index
        %get3A_248 = tpu.vector_load %arg9[%get3A_246, %get3A_247] {strides = array<i32>} : memref<16x1024xf32, #tpu.memory_space<vmem>>, vector<1x16xf32>,
        %get3A_249 = vector.shape_cast %get3A_248 : vector<1x16xf32> to vector<16xf32>
        %add3A_250 = arith.addf %add3A_245, %get3A_249 : vector<16xf32>
        %swap3A_251 = arith.index_cast %scan3A_182 : i32 to index
        %swap3A_252 = arith.index_cast %add3A_236 : i32 to index
        %swap3A_253 = tpu.vector_load %arg7[%swap3A_251, %swap3A_252] {strides = array<i32>} : memref<16x1024xf32, #tpu.memory_space<vmem>>, vector<1x16xf32>,
        %swap3A_254 = vector.shape_cast %swap3A_253 : vector<1x16xf32> to vector<16xf32>
        %swap3A_255 = vector.shape_cast %add3A_250 : vector<16xf32> to vector<1x16xf32>
        tpu.vector_store %arg7[%swap3A_251, %swap3A_252], %swap3A_255 {strides = array<i32>} : memref<16x1024xf32, #tpu.memory_space<vmem>>, vector<1x16xf32>,
        %mul3A_256 = arith.constant 64 : i32
        %mul3A_257 = arith.muli %scan3A_188, %mul3A_256 : i32
        %add3A_258 = arith.constant 48 : i32
        %add3A_259 = arith.addi %mul3A_257, %add3A_258 : i32
        %get3A_260 = arith.index_cast %scan3A_182 : i32 to index
        %get3A_261 = arith.index_cast %add3A_259 : i32 to index
        %get3A_262 = tpu.vector_load %arg7[%get3A_260, %get3A_261] {strides = array<i32>} : memref<16x1024xf32, #tpu.memory_space<vmem>>, vector<1x16xf32>,
        %get3A_263 = vector.shape_cast %get3A_262 : vector<1x16xf32> to vector<16xf32>
        %get3A_264 = arith.index_cast %scan3A_182 : i32 to index
        %get3A_265 = arith.index_cast %add3A_259 : i32 to index
        %get3A_266 = tpu.vector_load %arg8[%get3A_264, %get3A_265] {strides = array<i32>} : memref<16x1024xf32, #tpu.memory_space<vmem>>, vector<1x16xf32>,
        %get3A_267 = vector.shape_cast %get3A_266 : vector<1x16xf32> to vector<16xf32>
        %add3A_268 = arith.addf %get3A_263, %get3A_267 : vector<16xf32>
        %get3A_269 = arith.index_cast %scan3A_182 : i32 to index
        %get3A_270 = arith.index_cast %add3A_259 : i32 to index
        %get3A_271 = tpu.vector_load %arg9[%get3A_269, %get3A_270] {strides = array<i32>} : memref<16x1024xf32, #tpu.memory_space<vmem>>, vector<1x16xf32>,
        %get3A_272 = vector.shape_cast %get3A_271 : vector<1x16xf32> to vector<16xf32>
        %add3A_273 = arith.addf %add3A_268, %get3A_272 : vector<16xf32>
        %swap3A_274 = arith.index_cast %scan3A_182 : i32 to index
        %swap3A_275 = arith.index_cast %add3A_259 : i32 to index
        %swap3A_276 = tpu.vector_load %arg7[%swap3A_274, %swap3A_275] {strides = array<i32>} : memref<16x1024xf32, #tpu.memory_space<vmem>>, vector<1x16xf32>,
        %swap3A_277 = vector.shape_cast %swap3A_276 : vector<1x16xf32> to vector<16xf32>
        %swap3A_278 = vector.shape_cast %add3A_273 : vector<16xf32> to vector<1x16xf32>
        tpu.vector_store %arg7[%swap3A_274, %swap3A_275], %swap3A_278 {strides = array<i32>} : memref<16x1024xf32, #tpu.memory_space<vmem>>, vector<1x16xf32>,
      }
      %scan3A_187 = arith.constant 16 : i32
    }
    %scan3A_49 = arith.constant 16 : i32
    %mul3A_50 = arith.constant 64 : i32
    %mul3A_51 = arith.muli %add3A, %mul3A_50 : i32
    %add3A_52 = arith.constant 0 : i32
    %add3A_53 = arith.addi %mul3A_51, %add3A_52 : i32
    %dma_start3A_54 = arith.constant 0 : i32
    %dma_start3A_55 = tpu.memref_slice %arg4[%add3A_53, %dma_start3A_54] : memref<2048x1024xf32, #tpu.memory_space<hbm>> -> memref<16x1024xf32, #tpu.memory_space<hbm>>
    %dma_start3A_56 = arith.constant 0 : i32
    %dma_start3A_57 = tpu.memref_slice %arg4[%add3A_53, %dma_start3A_56] : memref<2048x1024xf32, #tpu.memory_space<hbm>> -> memref<16x1024xf32, #tpu.memory_space<hbm>>
    tpu.enqueue_dma source(%arg7 : memref<16x1024xf32, #tpu.memory_space<vmem>>) target(%dma_start3A_57 : memref<16x1024xf32, #tpu.memory_space<hbm>>) target_semaphore(%arg17 : memref<!tpu.dma_semaphore, #tpu.memory_space<semaphore_mem>>)
    %dma_wait3A_58 = arith.constant 0 : i32
    %dma_wait3A_59 = tpu.memref_slice %arg4[%add3A_53, %dma_wait3A_58] : memref<2048x1024xf32, #tpu.memory_space<hbm>> -> memref<16x1024xf32, #tpu.memory_space<hbm>>
    %dma_wait3A_60 = arith.constant 0 : i32
    %dma_wait3A_61 = tpu.memref_slice %arg4[%add3A_53, %dma_wait3A_60] : memref<2048x1024xf32, #tpu.memory_space<hbm>> -> memref<16x1024xf32, #tpu.memory_space<hbm>>
    tpu.wait_dma2 semaphore(%arg17 : memref<!tpu.dma_semaphore, #tpu.memory_space<semaphore_mem>>) src(%arg7 : memref<16x1024xf32, #tpu.memory_space<vmem>>) dst(%dma_wait3A_61 : memref<16x1024xf32, #tpu.memory_space<hbm>>)
    %mul3A_62 = arith.constant 64 : i32
    %mul3A_63 = arith.muli %add3A, %mul3A_62 : i32
    %add3A_64 = arith.constant 32 : i32
    %add3A_65 = arith.addi %mul3A_63, %add3A_64 : i32
    "tpu.region"() ({
      %run_scoped3A = tpu.sem_alloc : memref<!tpu.dma_semaphore, #tpu.memory_space<semaphore_mem>>
      %dma_start3A_182 = tpu.memref_slice %arg3[%add3A_65] : memref<4096xi32, #tpu.memory_space<hbm>> -> memref<16xi32, #tpu.memory_space<hbm>>
      %dma_start3A_183 = tpu.memref_slice %arg3[%add3A_65] : memref<4096xi32, #tpu.memory_space<hbm>> -> memref<16xi32, #tpu.memory_space<hbm>>
      tpu.enqueue_dma source(%dma_start3A_183 : memref<16xi32, #tpu.memory_space<hbm>>) target(%arg5 : memref<16xi32, #tpu.memory_space<vmem>>) target_semaphore(%run_scoped3A : memref<!tpu.dma_semaphore, #tpu.memory_space<semaphore_mem>>)
      %dma_wait3A_184 = tpu.memref_slice %arg3[%add3A_65] : memref<4096xi32, #tpu.memory_space<hbm>> -> memref<16xi32, #tpu.memory_space<hbm>>
      %dma_wait3A_185 = tpu.memref_slice %arg3[%add3A_65] : memref<4096xi32, #tpu.memory_space<hbm>> -> memref<16xi32, #tpu.memory_space<hbm>>
      tpu.wait_dma2 semaphore(%run_scoped3A : memref<!tpu.dma_semaphore, #tpu.memory_space<semaphore_mem>>) src(%dma_wait3A_185 : memref<16xi32, #tpu.memory_space<hbm>>) dst(%arg5 : memref<16xi32, #tpu.memory_space<vmem>>)
      tpu.yield
    }) : () -> ()
    %add3A_66 = arith.constant 2048 : i32
    %add3A_67 = arith.addi %add3A_66, %add3A_65 : i32
    "tpu.region"() ({
      %run_scoped3A = tpu.sem_alloc : memref<!tpu.dma_semaphore, #tpu.memory_space<semaphore_mem>>
      %dma_start3A_182 = tpu.memref_slice %arg3[%add3A_67] : memref<4096xi32, #tpu.memory_space<hbm>> -> memref<16xi32, #tpu.memory_space<hbm>>
      %dma_start3A_183 = tpu.memref_slice %arg3[%add3A_67] : memref<4096xi32, #tpu.memory_space<hbm>> -> memref<16xi32, #tpu.memory_space<hbm>>
      tpu.enqueue_dma source(%dma_start3A_183 : memref<16xi32, #tpu.memory_space<hbm>>) target(%arg6 : memref<16xi32, #tpu.memory_space<vmem>>) target_semaphore(%run_scoped3A : memref<!tpu.dma_semaphore, #tpu.memory_space<semaphore_mem>>)
      %dma_wait3A_184 = tpu.memref_slice %arg3[%add3A_67] : memref<4096xi32, #tpu.memory_space<hbm>> -> memref<16xi32, #tpu.memory_space<hbm>>
      %dma_wait3A_185 = tpu.memref_slice %arg3[%add3A_67] : memref<4096xi32, #tpu.memory_space<hbm>> -> memref<16xi32, #tpu.memory_space<hbm>>
      tpu.wait_dma2 semaphore(%run_scoped3A : memref<!tpu.dma_semaphore, #tpu.memory_space<semaphore_mem>>) src(%dma_wait3A_185 : memref<16xi32, #tpu.memory_space<hbm>>) dst(%arg6 : memref<16xi32, #tpu.memory_space<vmem>>)
      tpu.yield
    }) : () -> ()
    %dma_start3A_68 = arith.constant 0 : i32
    %dma_start3A_69 = arith.constant 0 : i32
    %dma_start3A_70 = tpu.memref_slice %arg2[%dma_start3A_68, %dma_start3A_69] : memref<6144x1024xf32, #tpu.memory_space<hbm>> -> memref<6144x1024xf32, #tpu.memory_space<hbm>>
    tpu.enqueue_indirect_dma source(%dma_start3A_70 : memref<6144x1024xf32, #tpu.memory_space<hbm>>) target(%arg7 : memref<16x1024xf32, #tpu.memory_space<vmem>>) offsets(%arg5 : memref<16xi32, #tpu.memory_space<vmem>>) semaphore(%arg15 : memref<!tpu.dma_semaphore, #tpu.memory_space<semaphore_mem>>)
    %dma_start3A_71 = arith.constant 0 : i32
    %dma_start3A_72 = arith.constant 0 : i32
    %dma_start3A_73 = tpu.memref_slice %arg2[%dma_start3A_71, %dma_start3A_72] : memref<6144x1024xf32, #tpu.memory_space<hbm>> -> memref<6144x1024xf32, #tpu.memory_space<hbm>>
    tpu.enqueue_indirect_dma source(%dma_start3A_73 : memref<6144x1024xf32, #tpu.memory_space<hbm>>) target(%arg8 : memref<16x1024xf32, #tpu.memory_space<vmem>>) offsets(%arg6 : memref<16xi32, #tpu.memory_space<vmem>>) semaphore(%arg15 : memref<!tpu.dma_semaphore, #tpu.memory_space<semaphore_mem>>)
    %add3A_74 = arith.constant 4096 : i32
    %add3A_75 = arith.addi %add3A_74, %add3A_65 : i32
    %dma_start3A_76 = arith.constant 0 : i32
    %dma_start3A_77 = tpu.memref_slice %arg2[%add3A_75, %dma_start3A_76] : memref<6144x1024xf32, #tpu.memory_space<hbm>> -> memref<16x1024xf32, #tpu.memory_space<hbm>>
    %dma_start3A_78 = arith.constant 0 : i32
    %dma_start3A_79 = tpu.memref_slice %arg2[%add3A_75, %dma_start3A_78] : memref<6144x1024xf32, #tpu.memory_space<hbm>> -> memref<16x1024xf32, #tpu.memory_space<hbm>>
    tpu.enqueue_dma source(%dma_start3A_79 : memref<16x1024xf32, #tpu.memory_space<hbm>>) target(%arg9 : memref<16x1024xf32, #tpu.memory_space<vmem>>) target_semaphore(%arg15 : memref<!tpu.dma_semaphore, #tpu.memory_space<semaphore_mem>>)
    %dma_wait3A_80 = arith.constant 0 : i32
    %dma_wait3A_81 = arith.constant 0 : i32
    %dma_wait3A_82 = tpu.memref_slice %arg2[%dma_wait3A_80, %dma_wait3A_81] : memref<6144x1024xf32, #tpu.memory_space<hbm>> -> memref<6144x1024xf32, #tpu.memory_space<hbm>>
    tpu.wait_indirect_dma semaphore(%arg16 : memref<!tpu.dma_semaphore, #tpu.memory_space<semaphore_mem>>) src(%dma_wait3A_82 : memref<6144x1024xf32, #tpu.memory_space<hbm>>) dst(%arg12 : memref<16x1024xf32, #tpu.memory_space<vmem>>)
    %dma_wait3A_83 = arith.constant 0 : i32
    %dma_wait3A_84 = arith.constant 0 : i32
    %dma_wait3A_85 = tpu.memref_slice %arg2[%dma_wait3A_83, %dma_wait3A_84] : memref<6144x1024xf32, #tpu.memory_space<hbm>> -> memref<6144x1024xf32, #tpu.memory_space<hbm>>
    tpu.wait_indirect_dma semaphore(%arg16 : memref<!tpu.dma_semaphore, #tpu.memory_space<semaphore_mem>>) src(%dma_wait3A_85 : memref<6144x1024xf32, #tpu.memory_space<hbm>>) dst(%arg13 : memref<16x1024xf32, #tpu.memory_space<vmem>>)
    %dma_wait3A_86 = arith.constant 0 : i32
    %dma_wait3A_87 = tpu.memref_slice %arg2[%add3A_31, %dma_wait3A_86] : memref<6144x1024xf32, #tpu.memory_space<hbm>> -> memref<16x1024xf32, #tpu.memory_space<hbm>>
    %dma_wait3A_88 = arith.constant 0 : i32
    %dma_wait3A_89 = tpu.memref_slice %arg2[%add3A_31, %dma_wait3A_88] : memref<6144x1024xf32, #tpu.memory_space<hbm>> -> memref<16x1024xf32, #tpu.memory_space<hbm>>
    tpu.wait_dma2 semaphore(%arg16 : memref<!tpu.dma_semaphore, #tpu.memory_space<semaphore_mem>>) src(%dma_wait3A_89 : memref<16x1024xf32, #tpu.memory_space<hbm>>) dst(%arg14 : memref<16x1024xf32, #tpu.memory_space<vmem>>)
    %scan3A_90 = arith.constant 0 : i32
    %scan3A_91 = arith.constant 0 : i32
    %scan3A_92 = arith.constant 16 : i32
    %scan3A_93 = arith.addi %scan3A_91, %scan3A_92 : i32
    %scan3A_94 = arith.constant 1 : i32
    scf.for %scan3A_182 = %scan3A_91 to %scan3A_93 step %scan3A_94  : i32 {
      %scan3A_183 = arith.constant 0 : i32
      %scan3A_184 = arith.constant 16 : i32
      %scan3A_185 = arith.addi %scan3A_183, %scan3A_184 : i32
      %scan3A_186 = arith.constant 1 : i32
      scf.for %scan3A_188 = %scan3A_183 to %scan3A_185 step %scan3A_186  : i32 {
        %mul3A_189 = arith.constant 64 : i32
        %mul3A_190 = arith.muli %scan3A_188, %mul3A_189 : i32
        %add3A_191 = arith.constant 0 : i32
        %add3A_192 = arith.addi %mul3A_190, %add3A_191 : i32
        %get3A = arith.index_cast %scan3A_182 : i32 to index
        %get3A_193 = arith.index_cast %add3A_192 : i32 to index
        %get3A_194 = tpu.vector_load %arg12[%get3A, %get3A_193] {strides = array<i32>} : memref<16x1024xf32, #tpu.memory_space<vmem>>, vector<1x16xf32>,
        %get3A_195 = vector.shape_cast %get3A_194 : vector<1x16xf32> to vector<16xf32>
        %get3A_196 = arith.index_cast %scan3A_182 : i32 to index
        %get3A_197 = arith.index_cast %add3A_192 : i32 to index
        %get3A_198 = tpu.vector_load %arg13[%get3A_196, %get3A_197] {strides = array<i32>} : memref<16x1024xf32, #tpu.memory_space<vmem>>, vector<1x16xf32>,
        %get3A_199 = vector.shape_cast %get3A_198 : vector<1x16xf32> to vector<16xf32>
        %add3A_200 = arith.addf %get3A_195, %get3A_199 : vector<16xf32>
        %get3A_201 = arith.index_cast %scan3A_182 : i32 to index
        %get3A_202 = arith.index_cast %add3A_192 : i32 to index
        %get3A_203 = tpu.vector_load %arg14[%get3A_201, %get3A_202] {strides = array<i32>} : memref<16x1024xf32, #tpu.memory_space<vmem>>, vector<1x16xf32>,
        %get3A_204 = vector.shape_cast %get3A_203 : vector<1x16xf32> to vector<16xf32>
        %add3A_205 = arith.addf %add3A_200, %get3A_204 : vector<16xf32>
        %swap3A = arith.index_cast %scan3A_182 : i32 to index
        %swap3A_206 = arith.index_cast %add3A_192 : i32 to index
        %swap3A_207 = tpu.vector_load %arg12[%swap3A, %swap3A_206] {strides = array<i32>} : memref<16x1024xf32, #tpu.memory_space<vmem>>, vector<1x16xf32>,
        %swap3A_208 = vector.shape_cast %swap3A_207 : vector<1x16xf32> to vector<16xf32>
        %swap3A_209 = vector.shape_cast %add3A_205 : vector<16xf32> to vector<1x16xf32>
        tpu.vector_store %arg12[%swap3A, %swap3A_206], %swap3A_209 {strides = array<i32>} : memref<16x1024xf32, #tpu.memory_space<vmem>>, vector<1x16xf32>,
        %mul3A_210 = arith.constant 64 : i32
        %mul3A_211 = arith.muli %scan3A_188, %mul3A_210 : i32
        %add3A_212 = arith.constant 16 : i32
        %add3A_213 = arith.addi %mul3A_211, %add3A_212 : i32
        %get3A_214 = arith.index_cast %scan3A_182 : i32 to index
        %get3A_215 = arith.index_cast %add3A_213 : i32 to index
        %get3A_216 = tpu.vector_load %arg12[%get3A_214, %get3A_215] {strides = array<i32>} : memref<16x1024xf32, #tpu.memory_space<vmem>>, vector<1x16xf32>,
        %get3A_217 = vector.shape_cast %get3A_216 : vector<1x16xf32> to vector<16xf32>
        %get3A_218 = arith.index_cast %scan3A_182 : i32 to index
        %get3A_219 = arith.index_cast %add3A_213 : i32 to index
        %get3A_220 = tpu.vector_load %arg13[%get3A_218, %get3A_219] {strides = array<i32>} : memref<16x1024xf32, #tpu.memory_space<vmem>>, vector<1x16xf32>,
        %get3A_221 = vector.shape_cast %get3A_220 : vector<1x16xf32> to vector<16xf32>
        %add3A_222 = arith.addf %get3A_217, %get3A_221 : vector<16xf32>
        %get3A_223 = arith.index_cast %scan3A_182 : i32 to index
        %get3A_224 = arith.index_cast %add3A_213 : i32 to index
        %get3A_225 = tpu.vector_load %arg14[%get3A_223, %get3A_224] {strides = array<i32>} : memref<16x1024xf32, #tpu.memory_space<vmem>>, vector<1x16xf32>,
        %get3A_226 = vector.shape_cast %get3A_225 : vector<1x16xf32> to vector<16xf32>
        %add3A_227 = arith.addf %add3A_222, %get3A_226 : vector<16xf32>
        %swap3A_228 = arith.index_cast %scan3A_182 : i32 to index
        %swap3A_229 = arith.index_cast %add3A_213 : i32 to index
        %swap3A_230 = tpu.vector_load %arg12[%swap3A_228, %swap3A_229] {strides = array<i32>} : memref<16x1024xf32, #tpu.memory_space<vmem>>, vector<1x16xf32>,
        %swap3A_231 = vector.shape_cast %swap3A_230 : vector<1x16xf32> to vector<16xf32>
        %swap3A_232 = vector.shape_cast %add3A_227 : vector<16xf32> to vector<1x16xf32>
        tpu.vector_store %arg12[%swap3A_228, %swap3A_229], %swap3A_232 {strides = array<i32>} : memref<16x1024xf32, #tpu.memory_space<vmem>>, vector<1x16xf32>,
        %mul3A_233 = arith.constant 64 : i32
        %mul3A_234 = arith.muli %scan3A_188, %mul3A_233 : i32
        %add3A_235 = arith.constant 32 : i32
        %add3A_236 = arith.addi %mul3A_234, %add3A_235 : i32
        %get3A_237 = arith.index_cast %scan3A_182 : i32 to index
        %get3A_238 = arith.index_cast %add3A_236 : i32 to index
        %get3A_239 = tpu.vector_load %arg12[%get3A_237, %get3A_238] {strides = array<i32>} : memref<16x1024xf32, #tpu.memory_space<vmem>>, vector<1x16xf32>,
        %get3A_240 = vector.shape_cast %get3A_239 : vector<1x16xf32> to vector<16xf32>
        %get3A_241 = arith.index_cast %scan3A_182 : i32 to index
        %get3A_242 = arith.index_cast %add3A_236 : i32 to index
        %get3A_243 = tpu.vector_load %arg13[%get3A_241, %get3A_242] {strides = array<i32>} : memref<16x1024xf32, #tpu.memory_space<vmem>>, vector<1x16xf32>,
        %get3A_244 = vector.shape_cast %get3A_243 : vector<1x16xf32> to vector<16xf32>
        %add3A_245 = arith.addf %get3A_240, %get3A_244 : vector<16xf32>
        %get3A_246 = arith.index_cast %scan3A_182 : i32 to index
        %get3A_247 = arith.index_cast %add3A_236 : i32 to index
        %get3A_248 = tpu.vector_load %arg14[%get3A_246, %get3A_247] {strides = array<i32>} : memref<16x1024xf32, #tpu.memory_space<vmem>>, vector<1x16xf32>,
        %get3A_249 = vector.shape_cast %get3A_248 : vector<1x16xf32> to vector<16xf32>
        %add3A_250 = arith.addf %add3A_245, %get3A_249 : vector<16xf32>
        %swap3A_251 = arith.index_cast %scan3A_182 : i32 to index
        %swap3A_252 = arith.index_cast %add3A_236 : i32 to index
        %swap3A_253 = tpu.vector_load %arg12[%swap3A_251, %swap3A_252] {strides = array<i32>} : memref<16x1024xf32, #tpu.memory_space<vmem>>, vector<1x16xf32>,
        %swap3A_254 = vector.shape_cast %swap3A_253 : vector<1x16xf32> to vector<16xf32>
        %swap3A_255 = vector.shape_cast %add3A_250 : vector<16xf32> to vector<1x16xf32>
        tpu.vector_store %arg12[%swap3A_251, %swap3A_252], %swap3A_255 {strides = array<i32>} : memref<16x1024xf32, #tpu.memory_space<vmem>>, vector<1x16xf32>,
        %mul3A_256 = arith.constant 64 : i32
        %mul3A_257 = arith.muli %scan3A_188, %mul3A_256 : i32
        %add3A_258 = arith.constant 48 : i32
        %add3A_259 = arith.addi %mul3A_257, %add3A_258 : i32
        %get3A_260 = arith.index_cast %scan3A_182 : i32 to index
        %get3A_261 = arith.index_cast %add3A_259 : i32 to index
        %get3A_262 = tpu.vector_load %arg12[%get3A_260, %get3A_261] {strides = array<i32>} : memref<16x1024xf32, #tpu.memory_space<vmem>>, vector<1x16xf32>,
        %get3A_263 = vector.shape_cast %get3A_262 : vector<1x16xf32> to vector<16xf32>
        %get3A_264 = arith.index_cast %scan3A_182 : i32 to index
        %get3A_265 = arith.index_cast %add3A_259 : i32 to index
        %get3A_266 = tpu.vector_load %arg13[%get3A_264, %get3A_265] {strides = array<i32>} : memref<16x1024xf32, #tpu.memory_space<vmem>>, vector<1x16xf32>,
        %get3A_267 = vector.shape_cast %get3A_266 : vector<1x16xf32> to vector<16xf32>
        %add3A_268 = arith.addf %get3A_263, %get3A_267 : vector<16xf32>
        %get3A_269 = arith.index_cast %scan3A_182 : i32 to index
        %get3A_270 = arith.index_cast %add3A_259 : i32 to index
        %get3A_271 = tpu.vector_load %arg14[%get3A_269, %get3A_270] {strides = array<i32>} : memref<16x1024xf32, #tpu.memory_space<vmem>>, vector<1x16xf32>,
        %get3A_272 = vector.shape_cast %get3A_271 : vector<1x16xf32> to vector<16xf32>
        %add3A_273 = arith.addf %add3A_268, %get3A_272 : vector<16xf32>
        %swap3A_274 = arith.index_cast %scan3A_182 : i32 to index
        %swap3A_275 = arith.index_cast %add3A_259 : i32 to index
        %swap3A_276 = tpu.vector_load %arg12[%swap3A_274, %swap3A_275] {strides = array<i32>} : memref<16x1024xf32, #tpu.memory_space<vmem>>, vector<1x16xf32>,
        %swap3A_277 = vector.shape_cast %swap3A_276 : vector<1x16xf32> to vector<16xf32>
        %swap3A_278 = vector.shape_cast %add3A_273 : vector<16xf32> to vector<1x16xf32>
        tpu.vector_store %arg12[%swap3A_274, %swap3A_275], %swap3A_278 {strides = array<i32>} : memref<16x1024xf32, #tpu.memory_space<vmem>>, vector<1x16xf32>,
      }
      %scan3A_187 = arith.constant 16 : i32
    }
    %scan3A_95 = arith.constant 16 : i32
    %mul3A_96 = arith.constant 64 : i32
    %mul3A_97 = arith.muli %add3A, %mul3A_96 : i32
    %add3A_98 = arith.constant 16 : i32
    %add3A_99 = arith.addi %mul3A_97, %add3A_98 : i32
    %dma_start3A_100 = arith.constant 0 : i32
    %dma_start3A_101 = tpu.memref_slice %arg4[%add3A_99, %dma_start3A_100] : memref<2048x1024xf32, #tpu.memory_space<hbm>> -> memref<16x1024xf32, #tpu.memory_space<hbm>>
    %dma_start3A_102 = arith.constant 0 : i32
    %dma_start3A_103 = tpu.memref_slice %arg4[%add3A_99, %dma_start3A_102] : memref<2048x1024xf32, #tpu.memory_space<hbm>> -> memref<16x1024xf32, #tpu.memory_space<hbm>>
    tpu.enqueue_dma source(%arg12 : memref<16x1024xf32, #tpu.memory_space<vmem>>) target(%dma_start3A_103 : memref<16x1024xf32, #tpu.memory_space<hbm>>) target_semaphore(%arg18 : memref<!tpu.dma_semaphore, #tpu.memory_space<semaphore_mem>>)
    %dma_wait3A_104 = arith.constant 0 : i32
    %dma_wait3A_105 = tpu.memref_slice %arg4[%add3A_99, %dma_wait3A_104] : memref<2048x1024xf32, #tpu.memory_space<hbm>> -> memref<16x1024xf32, #tpu.memory_space<hbm>>
    %dma_wait3A_106 = arith.constant 0 : i32
    %dma_wait3A_107 = tpu.memref_slice %arg4[%add3A_99, %dma_wait3A_106] : memref<2048x1024xf32, #tpu.memory_space<hbm>> -> memref<16x1024xf32, #tpu.memory_space<hbm>>
    tpu.wait_dma2 semaphore(%arg18 : memref<!tpu.dma_semaphore, #tpu.memory_space<semaphore_mem>>) src(%arg12 : memref<16x1024xf32, #tpu.memory_space<vmem>>) dst(%dma_wait3A_107 : memref<16x1024xf32, #tpu.memory_space<hbm>>)
    %mul3A_108 = arith.constant 64 : i32
    %mul3A_109 = arith.muli %add3A, %mul3A_108 : i32
    %add3A_110 = arith.constant 48 : i32
    %add3A_111 = arith.addi %mul3A_109, %add3A_110 : i32
    "tpu.region"() ({
      %run_scoped3A = tpu.sem_alloc : memref<!tpu.dma_semaphore, #tpu.memory_space<semaphore_mem>>
      %dma_start3A_182 = tpu.memref_slice %arg3[%add3A_111] : memref<4096xi32, #tpu.memory_space<hbm>> -> memref<16xi32, #tpu.memory_space<hbm>>
      %dma_start3A_183 = tpu.memref_slice %arg3[%add3A_111] : memref<4096xi32, #tpu.memory_space<hbm>> -> memref<16xi32, #tpu.memory_space<hbm>>
      tpu.enqueue_dma source(%dma_start3A_183 : memref<16xi32, #tpu.memory_space<hbm>>) target(%arg10 : memref<16xi32, #tpu.memory_space<vmem>>) target_semaphore(%run_scoped3A : memref<!tpu.dma_semaphore, #tpu.memory_space<semaphore_mem>>)
      %dma_wait3A_184 = tpu.memref_slice %arg3[%add3A_111] : memref<4096xi32, #tpu.memory_space<hbm>> -> memref<16xi32, #tpu.memory_space<hbm>>
      %dma_wait3A_185 = tpu.memref_slice %arg3[%add3A_111] : memref<4096xi32, #tpu.memory_space<hbm>> -> memref<16xi32, #tpu.memory_space<hbm>>
      tpu.wait_dma2 semaphore(%run_scoped3A : memref<!tpu.dma_semaphore, #tpu.memory_space<semaphore_mem>>) src(%dma_wait3A_185 : memref<16xi32, #tpu.memory_space<hbm>>) dst(%arg10 : memref<16xi32, #tpu.memory_space<vmem>>)
      tpu.yield
    }) : () -> ()
    %add3A_112 = arith.constant 2048 : i32
    %add3A_113 = arith.addi %add3A_112, %add3A_111 : i32
    "tpu.region"() ({
      %run_scoped3A = tpu.sem_alloc : memref<!tpu.dma_semaphore, #tpu.memory_space<semaphore_mem>>
      %dma_start3A_182 = tpu.memref_slice %arg3[%add3A_113] : memref<4096xi32, #tpu.memory_space<hbm>> -> memref<16xi32, #tpu.memory_space<hbm>>
      %dma_start3A_183 = tpu.memref_slice %arg3[%add3A_113] : memref<4096xi32, #tpu.memory_space<hbm>> -> memref<16xi32, #tpu.memory_space<hbm>>
      tpu.enqueue_dma source(%dma_start3A_183 : memref<16xi32, #tpu.memory_space<hbm>>) target(%arg11 : memref<16xi32, #tpu.memory_space<vmem>>) target_semaphore(%run_scoped3A : memref<!tpu.dma_semaphore, #tpu.memory_space<semaphore_mem>>)
      %dma_wait3A_184 = tpu.memref_slice %arg3[%add3A_113] : memref<4096xi32, #tpu.memory_space<hbm>> -> memref<16xi32, #tpu.memory_space<hbm>>
      %dma_wait3A_185 = tpu.memref_slice %arg3[%add3A_113] : memref<4096xi32, #tpu.memory_space<hbm>> -> memref<16xi32, #tpu.memory_space<hbm>>
      tpu.wait_dma2 semaphore(%run_scoped3A : memref<!tpu.dma_semaphore, #tpu.memory_space<semaphore_mem>>) src(%dma_wait3A_185 : memref<16xi32, #tpu.memory_space<hbm>>) dst(%arg11 : memref<16xi32, #tpu.memory_space<vmem>>)
      tpu.yield
    }) : () -> ()
    %dma_start3A_114 = arith.constant 0 : i32
    %dma_start3A_115 = arith.constant 0 : i32
    %dma_start3A_116 = tpu.memref_slice %arg2[%dma_start3A_114, %dma_start3A_115] : memref<6144x1024xf32, #tpu.memory_space<hbm>> -> memref<6144x1024xf32, #tpu.memory_space<hbm>>
    tpu.enqueue_indirect_dma source(%dma_start3A_116 : memref<6144x1024xf32, #tpu.memory_space<hbm>>) target(%arg12 : memref<16x1024xf32, #tpu.memory_space<vmem>>) offsets(%arg10 : memref<16xi32, #tpu.memory_space<vmem>>) semaphore(%arg16 : memref<!tpu.dma_semaphore, #tpu.memory_space<semaphore_mem>>)
    %dma_start3A_117 = arith.constant 0 : i32
    %dma_start3A_118 = arith.constant 0 : i32
    %dma_start3A_119 = tpu.memref_slice %arg2[%dma_start3A_117, %dma_start3A_118] : memref<6144x1024xf32, #tpu.memory_space<hbm>> -> memref<6144x1024xf32, #tpu.memory_space<hbm>>
    tpu.enqueue_indirect_dma source(%dma_start3A_119 : memref<6144x1024xf32, #tpu.memory_space<hbm>>) target(%arg13 : memref<16x1024xf32, #tpu.memory_space<vmem>>) offsets(%arg11 : memref<16xi32, #tpu.memory_space<vmem>>) semaphore(%arg16 : memref<!tpu.dma_semaphore, #tpu.memory_space<semaphore_mem>>)
    %add3A_120 = arith.constant 4096 : i32
    %add3A_121 = arith.addi %add3A_120, %add3A_111 : i32
    %dma_start3A_122 = arith.constant 0 : i32
    %dma_start3A_123 = tpu.memref_slice %arg2[%add3A_121, %dma_start3A_122] : memref<6144x1024xf32, #tpu.memory_space<hbm>> -> memref<16x1024xf32, #tpu.memory_space<hbm>>
    %dma_start3A_124 = arith.constant 0 : i32
    %dma_start3A_125 = tpu.memref_slice %arg2[%add3A_121, %dma_start3A_124] : memref<6144x1024xf32, #tpu.memory_space<hbm>> -> memref<16x1024xf32, #tpu.memory_space<hbm>>
    tpu.enqueue_dma source(%dma_start3A_125 : memref<16x1024xf32, #tpu.memory_space<hbm>>) target(%arg14 : memref<16x1024xf32, #tpu.memory_space<vmem>>) target_semaphore(%arg16 : memref<!tpu.dma_semaphore, #tpu.memory_space<semaphore_mem>>)
    %dma_wait3A_126 = arith.constant 0 : i32
    %dma_wait3A_127 = arith.constant 0 : i32
    %dma_wait3A_128 = tpu.memref_slice %arg2[%dma_wait3A_126, %dma_wait3A_127] : memref<6144x1024xf32, #tpu.memory_space<hbm>> -> memref<6144x1024xf32, #tpu.memory_space<hbm>>
    tpu.wait_indirect_dma semaphore(%arg15 : memref<!tpu.dma_semaphore, #tpu.memory_space<semaphore_mem>>) src(%dma_wait3A_128 : memref<6144x1024xf32, #tpu.memory_space<hbm>>) dst(%arg7 : memref<16x1024xf32, #tpu.memory_space<vmem>>)
    %dma_wait3A_129 = arith.constant 0 : i32
    %dma_wait3A_130 = arith.constant 0 : i32
    %dma_wait3A_131 = tpu.memref_slice %arg2[%dma_wait3A_129, %dma_wait3A_130] : memref<6144x1024xf32, #tpu.memory_space<hbm>> -> memref<6144x1024xf32, #tpu.memory_space<hbm>>
    tpu.wait_indirect_dma semaphore(%arg15 : memref<!tpu.dma_semaphore, #tpu.memory_space<semaphore_mem>>) src(%dma_wait3A_131 : memref<6144x1024xf32, #tpu.memory_space<hbm>>) dst(%arg8 : memref<16x1024xf32, #tpu.memory_space<vmem>>)
    %dma_wait3A_132 = arith.constant 0 : i32
    %dma_wait3A_133 = tpu.memref_slice %arg2[%add3A_75, %dma_wait3A_132] : memref<6144x1024xf32, #tpu.memory_space<hbm>> -> memref<16x1024xf32, #tpu.memory_space<hbm>>
    %dma_wait3A_134 = arith.constant 0 : i32
    %dma_wait3A_135 = tpu.memref_slice %arg2[%add3A_75, %dma_wait3A_134] : memref<6144x1024xf32, #tpu.memory_space<hbm>> -> memref<16x1024xf32, #tpu.memory_space<hbm>>
    tpu.wait_dma2 semaphore(%arg15 : memref<!tpu.dma_semaphore, #tpu.memory_space<semaphore_mem>>) src(%dma_wait3A_135 : memref<16x1024xf32, #tpu.memory_space<hbm>>) dst(%arg9 : memref<16x1024xf32, #tpu.memory_space<vmem>>)
    %scan3A_136 = arith.constant 0 : i32
    %scan3A_137 = arith.constant 0 : i32
    %scan3A_138 = arith.constant 16 : i32
    %scan3A_139 = arith.addi %scan3A_137, %scan3A_138 : i32
    %scan3A_140 = arith.constant 1 : i32
    scf.for %scan3A_182 = %scan3A_137 to %scan3A_139 step %scan3A_140  : i32 {
      %scan3A_183 = arith.constant 0 : i32
      %scan3A_184 = arith.constant 16 : i32
      %scan3A_185 = arith.addi %scan3A_183, %scan3A_184 : i32
      %scan3A_186 = arith.constant 1 : i32
      scf.for %scan3A_188 = %scan3A_183 to %scan3A_185 step %scan3A_186  : i32 {
        %mul3A_189 = arith.constant 64 : i32
        %mul3A_190 = arith.muli %scan3A_188, %mul3A_189 : i32
        %add3A_191 = arith.constant 0 : i32
        %add3A_192 = arith.addi %mul3A_190, %add3A_191 : i32
        %get3A = arith.index_cast %scan3A_182 : i32 to index
        %get3A_193 = arith.index_cast %add3A_192 : i32 to index
        %get3A_194 = tpu.vector_load %arg7[%get3A, %get3A_193] {strides = array<i32>} : memref<16x1024xf32, #tpu.memory_space<vmem>>, vector<1x16xf32>,
        %get3A_195 = vector.shape_cast %get3A_194 : vector<1x16xf32> to vector<16xf32>
        %get3A_196 = arith.index_cast %scan3A_182 : i32 to index
        %get3A_197 = arith.index_cast %add3A_192 : i32 to index
        %get3A_198 = tpu.vector_load %arg8[%get3A_196, %get3A_197] {strides = array<i32>} : memref<16x1024xf32, #tpu.memory_space<vmem>>, vector<1x16xf32>,
        %get3A_199 = vector.shape_cast %get3A_198 : vector<1x16xf32> to vector<16xf32>
        %add3A_200 = arith.addf %get3A_195, %get3A_199 : vector<16xf32>
        %get3A_201 = arith.index_cast %scan3A_182 : i32 to index
        %get3A_202 = arith.index_cast %add3A_192 : i32 to index
        %get3A_203 = tpu.vector_load %arg9[%get3A_201, %get3A_202] {strides = array<i32>} : memref<16x1024xf32, #tpu.memory_space<vmem>>, vector<1x16xf32>,
        %get3A_204 = vector.shape_cast %get3A_203 : vector<1x16xf32> to vector<16xf32>
        %add3A_205 = arith.addf %add3A_200, %get3A_204 : vector<16xf32>
        %swap3A = arith.index_cast %scan3A_182 : i32 to index
        %swap3A_206 = arith.index_cast %add3A_192 : i32 to index
        %swap3A_207 = tpu.vector_load %arg7[%swap3A, %swap3A_206] {strides = array<i32>} : memref<16x1024xf32, #tpu.memory_space<vmem>>, vector<1x16xf32>,
        %swap3A_208 = vector.shape_cast %swap3A_207 : vector<1x16xf32> to vector<16xf32>
        %swap3A_209 = vector.shape_cast %add3A_205 : vector<16xf32> to vector<1x16xf32>
        tpu.vector_store %arg7[%swap3A, %swap3A_206], %swap3A_209 {strides = array<i32>} : memref<16x1024xf32, #tpu.memory_space<vmem>>, vector<1x16xf32>,
        %mul3A_210 = arith.constant 64 : i32
        %mul3A_211 = arith.muli %scan3A_188, %mul3A_210 : i32
        %add3A_212 = arith.constant 16 : i32
        %add3A_213 = arith.addi %mul3A_211, %add3A_212 : i32
        %get3A_214 = arith.index_cast %scan3A_182 : i32 to index
        %get3A_215 = arith.index_cast %add3A_213 : i32 to index
        %get3A_216 = tpu.vector_load %arg7[%get3A_214, %get3A_215] {strides = array<i32>} : memref<16x1024xf32, #tpu.memory_space<vmem>>, vector<1x16xf32>,
        %get3A_217 = vector.shape_cast %get3A_216 : vector<1x16xf32> to vector<16xf32>
        %get3A_218 = arith.index_cast %scan3A_182 : i32 to index
        %get3A_219 = arith.index_cast %add3A_213 : i32 to index
        %get3A_220 = tpu.vector_load %arg8[%get3A_218, %get3A_219] {strides = array<i32>} : memref<16x1024xf32, #tpu.memory_space<vmem>>, vector<1x16xf32>,
        %get3A_221 = vector.shape_cast %get3A_220 : vector<1x16xf32> to vector<16xf32>
        %add3A_222 = arith.addf %get3A_217, %get3A_221 : vector<16xf32>
        %get3A_223 = arith.index_cast %scan3A_182 : i32 to index
        %get3A_224 = arith.index_cast %add3A_213 : i32 to index
        %get3A_225 = tpu.vector_load %arg9[%get3A_223, %get3A_224] {strides = array<i32>} : memref<16x1024xf32, #tpu.memory_space<vmem>>, vector<1x16xf32>,
        %get3A_226 = vector.shape_cast %get3A_225 : vector<1x16xf32> to vector<16xf32>
        %add3A_227 = arith.addf %add3A_222, %get3A_226 : vector<16xf32>
        %swap3A_228 = arith.index_cast %scan3A_182 : i32 to index
        %swap3A_229 = arith.index_cast %add3A_213 : i32 to index
        %swap3A_230 = tpu.vector_load %arg7[%swap3A_228, %swap3A_229] {strides = array<i32>} : memref<16x1024xf32, #tpu.memory_space<vmem>>, vector<1x16xf32>,
        %swap3A_231 = vector.shape_cast %swap3A_230 : vector<1x16xf32> to vector<16xf32>
        %swap3A_232 = vector.shape_cast %add3A_227 : vector<16xf32> to vector<1x16xf32>
        tpu.vector_store %arg7[%swap3A_228, %swap3A_229], %swap3A_232 {strides = array<i32>} : memref<16x1024xf32, #tpu.memory_space<vmem>>, vector<1x16xf32>,
        %mul3A_233 = arith.constant 64 : i32
        %mul3A_234 = arith.muli %scan3A_188, %mul3A_233 : i32
        %add3A_235 = arith.constant 32 : i32
        %add3A_236 = arith.addi %mul3A_234, %add3A_235 : i32
        %get3A_237 = arith.index_cast %scan3A_182 : i32 to index
        %get3A_238 = arith.index_cast %add3A_236 : i32 to index
        %get3A_239 = tpu.vector_load %arg7[%get3A_237, %get3A_238] {strides = array<i32>} : memref<16x1024xf32, #tpu.memory_space<vmem>>, vector<1x16xf32>,
        %get3A_240 = vector.shape_cast %get3A_239 : vector<1x16xf32> to vector<16xf32>
        %get3A_241 = arith.index_cast %scan3A_182 : i32 to index
        %get3A_242 = arith.index_cast %add3A_236 : i32 to index
        %get3A_243 = tpu.vector_load %arg8[%get3A_241, %get3A_242] {strides = array<i32>} : memref<16x1024xf32, #tpu.memory_space<vmem>>, vector<1x16xf32>,
        %get3A_244 = vector.shape_cast %get3A_243 : vector<1x16xf32> to vector<16xf32>
        %add3A_245 = arith.addf %get3A_240, %get3A_244 : vector<16xf32>
        %get3A_246 = arith.index_cast %scan3A_182 : i32 to index
        %get3A_247 = arith.index_cast %add3A_236 : i32 to index
        %get3A_248 = tpu.vector_load %arg9[%get3A_246, %get3A_247] {strides = array<i32>} : memref<16x1024xf32, #tpu.memory_space<vmem>>, vector<1x16xf32>,
        %get3A_249 = vector.shape_cast %get3A_248 : vector<1x16xf32> to vector<16xf32>
        %add3A_250 = arith.addf %add3A_245, %get3A_249 : vector<16xf32>
        %swap3A_251 = arith.index_cast %scan3A_182 : i32 to index
        %swap3A_252 = arith.index_cast %add3A_236 : i32 to index
        %swap3A_253 = tpu.vector_load %arg7[%swap3A_251, %swap3A_252] {strides = array<i32>} : memref<16x1024xf32, #tpu.memory_space<vmem>>, vector<1x16xf32>,
        %swap3A_254 = vector.shape_cast %swap3A_253 : vector<1x16xf32> to vector<16xf32>
        %swap3A_255 = vector.shape_cast %add3A_250 : vector<16xf32> to vector<1x16xf32>
        tpu.vector_store %arg7[%swap3A_251, %swap3A_252], %swap3A_255 {strides = array<i32>} : memref<16x1024xf32, #tpu.memory_space<vmem>>, vector<1x16xf32>,
        %mul3A_256 = arith.constant 64 : i32
        %mul3A_257 = arith.muli %scan3A_188, %mul3A_256 : i32
        %add3A_258 = arith.constant 48 : i32
        %add3A_259 = arith.addi %mul3A_257, %add3A_258 : i32
        %get3A_260 = arith.index_cast %scan3A_182 : i32 to index
        %get3A_261 = arith.index_cast %add3A_259 : i32 to index
        %get3A_262 = tpu.vector_load %arg7[%get3A_260, %get3A_261] {strides = array<i32>} : memref<16x1024xf32, #tpu.memory_space<vmem>>, vector<1x16xf32>,
        %get3A_263 = vector.shape_cast %get3A_262 : vector<1x16xf32> to vector<16xf32>
        %get3A_264 = arith.index_cast %scan3A_182 : i32 to index
        %get3A_265 = arith.index_cast %add3A_259 : i32 to index
        %get3A_266 = tpu.vector_load %arg8[%get3A_264, %get3A_265] {strides = array<i32>} : memref<16x1024xf32, #tpu.memory_space<vmem>>, vector<1x16xf32>,
        %get3A_267 = vector.shape_cast %get3A_266 : vector<1x16xf32> to vector<16xf32>
        %add3A_268 = arith.addf %get3A_263, %get3A_267 : vector<16xf32>
        %get3A_269 = arith.index_cast %scan3A_182 : i32 to index
        %get3A_270 = arith.index_cast %add3A_259 : i32 to index
        %get3A_271 = tpu.vector_load %arg9[%get3A_269, %get3A_270] {strides = array<i32>} : memref<16x1024xf32, #tpu.memory_space<vmem>>, vector<1x16xf32>,
        %get3A_272 = vector.shape_cast %get3A_271 : vector<1x16xf32> to vector<16xf32>
        %add3A_273 = arith.addf %add3A_268, %get3A_272 : vector<16xf32>
        %swap3A_274 = arith.index_cast %scan3A_182 : i32 to index
        %swap3A_275 = arith.index_cast %add3A_259 : i32 to index
        %swap3A_276 = tpu.vector_load %arg7[%swap3A_274, %swap3A_275] {strides = array<i32>} : memref<16x1024xf32, #tpu.memory_space<vmem>>, vector<1x16xf32>,
        %swap3A_277 = vector.shape_cast %swap3A_276 : vector<1x16xf32> to vector<16xf32>
        %swap3A_278 = vector.shape_cast %add3A_273 : vector<16xf32> to vector<1x16xf32>
        tpu.vector_store %arg7[%swap3A_274, %swap3A_275], %swap3A_278 {strides = array<i32>} : memref<16x1024xf32, #tpu.memory_space<vmem>>, vector<1x16xf32>,
      }
      %scan3A_187 = arith.constant 16 : i32
    }
    %scan3A_141 = arith.constant 16 : i32
    %mul3A_142 = arith.constant 64 : i32
    %mul3A_143 = arith.muli %add3A, %mul3A_142 : i32
    %add3A_144 = arith.constant 32 : i32
    %add3A_145 = arith.addi %mul3A_143, %add3A_144 : i32
    %dma_start3A_146 = arith.constant 0 : i32
    %dma_start3A_147 = tpu.memref_slice %arg4[%add3A_145, %dma_start3A_146] : memref<2048x1024xf32, #tpu.memory_space<hbm>> -> memref<16x1024xf32, #tpu.memory_space<hbm>>
    %dma_start3A_148 = arith.constant 0 : i32
    %dma_start3A_149 = tpu.memref_slice %arg4[%add3A_145, %dma_start3A_148] : memref<2048x1024xf32, #tpu.memory_space<hbm>> -> memref<16x1024xf32, #tpu.memory_space<hbm>>
    tpu.enqueue_dma source(%arg7 : memref<16x1024xf32, #tpu.memory_space<vmem>>) target(%dma_start3A_149 : memref<16x1024xf32, #tpu.memory_space<hbm>>) target_semaphore(%arg17 : memref<!tpu.dma_semaphore, #tpu.memory_space<semaphore_mem>>)
    %dma_wait3A_150 = arith.constant 0 : i32
    %dma_wait3A_151 = arith.constant 0 : i32
    %dma_wait3A_152 = tpu.memref_slice %arg2[%dma_wait3A_150, %dma_wait3A_151] : memref<6144x1024xf32, #tpu.memory_space<hbm>> -> memref<6144x1024xf32, #tpu.memory_space<hbm>>
    tpu.wait_indirect_dma semaphore(%arg16 : memref<!tpu.dma_semaphore, #tpu.memory_space<semaphore_mem>>) src(%dma_wait3A_152 : memref<6144x1024xf32, #tpu.memory_space<hbm>>) dst(%arg12 : memref<16x1024xf32, #tpu.memory_space<vmem>>)
    %dma_wait3A_153 = arith.constant 0 : i32
    %dma_wait3A_154 = arith.constant 0 : i32
    %dma_wait3A_155 = tpu.memref_slice %arg2[%dma_wait3A_153, %dma_wait3A_154] : memref<6144x1024xf32, #tpu.memory_space<hbm>> -> memref<6144x1024xf32, #tpu.memory_space<hbm>>
    tpu.wait_indirect_dma semaphore(%arg16 : memref<!tpu.dma_semaphore, #tpu.memory_space<semaphore_mem>>) src(%dma_wait3A_155 : memref<6144x1024xf32, #tpu.memory_space<hbm>>) dst(%arg13 : memref<16x1024xf32, #tpu.memory_space<vmem>>)
    %dma_wait3A_156 = arith.constant 0 : i32
    %dma_wait3A_157 = tpu.memref_slice %arg2[%add3A_121, %dma_wait3A_156] : memref<6144x1024xf32, #tpu.memory_space<hbm>> -> memref<16x1024xf32, #tpu.memory_space<hbm>>
    %dma_wait3A_158 = arith.constant 0 : i32
    %dma_wait3A_159 = tpu.memref_slice %arg2[%add3A_121, %dma_wait3A_158] : memref<6144x1024xf32, #tpu.memory_space<hbm>> -> memref<16x1024xf32, #tpu.memory_space<hbm>>
    tpu.wait_dma2 semaphore(%arg16 : memref<!tpu.dma_semaphore, #tpu.memory_space<semaphore_mem>>) src(%dma_wait3A_159 : memref<16x1024xf32, #tpu.memory_space<hbm>>) dst(%arg14 : memref<16x1024xf32, #tpu.memory_space<vmem>>)
    %scan3A_160 = arith.constant 0 : i32
    %scan3A_161 = arith.constant 0 : i32
    %scan3A_162 = arith.constant 16 : i32
    %scan3A_163 = arith.addi %scan3A_161, %scan3A_162 : i32
    %scan3A_164 = arith.constant 1 : i32
    scf.for %scan3A_182 = %scan3A_161 to %scan3A_163 step %scan3A_164  : i32 {
      %scan3A_183 = arith.constant 0 : i32
      %scan3A_184 = arith.constant 16 : i32
      %scan3A_185 = arith.addi %scan3A_183, %scan3A_184 : i32
      %scan3A_186 = arith.constant 1 : i32
      scf.for %scan3A_188 = %scan3A_183 to %scan3A_185 step %scan3A_186  : i32 {
        %mul3A_189 = arith.constant 64 : i32
        %mul3A_190 = arith.muli %scan3A_188, %mul3A_189 : i32
        %add3A_191 = arith.constant 0 : i32
        %add3A_192 = arith.addi %mul3A_190, %add3A_191 : i32
        %get3A = arith.index_cast %scan3A_182 : i32 to index
        %get3A_193 = arith.index_cast %add3A_192 : i32 to index
        %get3A_194 = tpu.vector_load %arg12[%get3A, %get3A_193] {strides = array<i32>} : memref<16x1024xf32, #tpu.memory_space<vmem>>, vector<1x16xf32>,
        %get3A_195 = vector.shape_cast %get3A_194 : vector<1x16xf32> to vector<16xf32>
        %get3A_196 = arith.index_cast %scan3A_182 : i32 to index
        %get3A_197 = arith.index_cast %add3A_192 : i32 to index
        %get3A_198 = tpu.vector_load %arg13[%get3A_196, %get3A_197] {strides = array<i32>} : memref<16x1024xf32, #tpu.memory_space<vmem>>, vector<1x16xf32>,
        %get3A_199 = vector.shape_cast %get3A_198 : vector<1x16xf32> to vector<16xf32>
        %add3A_200 = arith.addf %get3A_195, %get3A_199 : vector<16xf32>
        %get3A_201 = arith.index_cast %scan3A_182 : i32 to index
        %get3A_202 = arith.index_cast %add3A_192 : i32 to index
        %get3A_203 = tpu.vector_load %arg14[%get3A_201, %get3A_202] {strides = array<i32>} : memref<16x1024xf32, #tpu.memory_space<vmem>>, vector<1x16xf32>,
        %get3A_204 = vector.shape_cast %get3A_203 : vector<1x16xf32> to vector<16xf32>
        %add3A_205 = arith.addf %add3A_200, %get3A_204 : vector<16xf32>
        %swap3A = arith.index_cast %scan3A_182 : i32 to index
        %swap3A_206 = arith.index_cast %add3A_192 : i32 to index
        %swap3A_207 = tpu.vector_load %arg12[%swap3A, %swap3A_206] {strides = array<i32>} : memref<16x1024xf32, #tpu.memory_space<vmem>>, vector<1x16xf32>,
        %swap3A_208 = vector.shape_cast %swap3A_207 : vector<1x16xf32> to vector<16xf32>
        %swap3A_209 = vector.shape_cast %add3A_205 : vector<16xf32> to vector<1x16xf32>
        tpu.vector_store %arg12[%swap3A, %swap3A_206], %swap3A_209 {strides = array<i32>} : memref<16x1024xf32, #tpu.memory_space<vmem>>, vector<1x16xf32>,
        %mul3A_210 = arith.constant 64 : i32
        %mul3A_211 = arith.muli %scan3A_188, %mul3A_210 : i32
        %add3A_212 = arith.constant 16 : i32
        %add3A_213 = arith.addi %mul3A_211, %add3A_212 : i32
        %get3A_214 = arith.index_cast %scan3A_182 : i32 to index
        %get3A_215 = arith.index_cast %add3A_213 : i32 to index
        %get3A_216 = tpu.vector_load %arg12[%get3A_214, %get3A_215] {strides = array<i32>} : memref<16x1024xf32, #tpu.memory_space<vmem>>, vector<1x16xf32>,
        %get3A_217 = vector.shape_cast %get3A_216 : vector<1x16xf32> to vector<16xf32>
        %get3A_218 = arith.index_cast %scan3A_182 : i32 to index
        %get3A_219 = arith.index_cast %add3A_213 : i32 to index
        %get3A_220 = tpu.vector_load %arg13[%get3A_218, %get3A_219] {strides = array<i32>} : memref<16x1024xf32, #tpu.memory_space<vmem>>, vector<1x16xf32>,
        %get3A_221 = vector.shape_cast %get3A_220 : vector<1x16xf32> to vector<16xf32>
        %add3A_222 = arith.addf %get3A_217, %get3A_221 : vector<16xf32>
        %get3A_223 = arith.index_cast %scan3A_182 : i32 to index
        %get3A_224 = arith.index_cast %add3A_213 : i32 to index
        %get3A_225 = tpu.vector_load %arg14[%get3A_223, %get3A_224] {strides = array<i32>} : memref<16x1024xf32, #tpu.memory_space<vmem>>, vector<1x16xf32>,
        %get3A_226 = vector.shape_cast %get3A_225 : vector<1x16xf32> to vector<16xf32>
        %add3A_227 = arith.addf %add3A_222, %get3A_226 : vector<16xf32>
        %swap3A_228 = arith.index_cast %scan3A_182 : i32 to index
        %swap3A_229 = arith.index_cast %add3A_213 : i32 to index
        %swap3A_230 = tpu.vector_load %arg12[%swap3A_228, %swap3A_229] {strides = array<i32>} : memref<16x1024xf32, #tpu.memory_space<vmem>>, vector<1x16xf32>,
        %swap3A_231 = vector.shape_cast %swap3A_230 : vector<1x16xf32> to vector<16xf32>
        %swap3A_232 = vector.shape_cast %add3A_227 : vector<16xf32> to vector<1x16xf32>
        tpu.vector_store %arg12[%swap3A_228, %swap3A_229], %swap3A_232 {strides = array<i32>} : memref<16x1024xf32, #tpu.memory_space<vmem>>, vector<1x16xf32>,
        %mul3A_233 = arith.constant 64 : i32
        %mul3A_234 = arith.muli %scan3A_188, %mul3A_233 : i32
        %add3A_235 = arith.constant 32 : i32
        %add3A_236 = arith.addi %mul3A_234, %add3A_235 : i32
        %get3A_237 = arith.index_cast %scan3A_182 : i32 to index
        %get3A_238 = arith.index_cast %add3A_236 : i32 to index
        %get3A_239 = tpu.vector_load %arg12[%get3A_237, %get3A_238] {strides = array<i32>} : memref<16x1024xf32, #tpu.memory_space<vmem>>, vector<1x16xf32>,
        %get3A_240 = vector.shape_cast %get3A_239 : vector<1x16xf32> to vector<16xf32>
        %get3A_241 = arith.index_cast %scan3A_182 : i32 to index
        %get3A_242 = arith.index_cast %add3A_236 : i32 to index
        %get3A_243 = tpu.vector_load %arg13[%get3A_241, %get3A_242] {strides = array<i32>} : memref<16x1024xf32, #tpu.memory_space<vmem>>, vector<1x16xf32>,
        %get3A_244 = vector.shape_cast %get3A_243 : vector<1x16xf32> to vector<16xf32>
        %add3A_245 = arith.addf %get3A_240, %get3A_244 : vector<16xf32>
        %get3A_246 = arith.index_cast %scan3A_182 : i32 to index
        %get3A_247 = arith.index_cast %add3A_236 : i32 to index
        %get3A_248 = tpu.vector_load %arg14[%get3A_246, %get3A_247] {strides = array<i32>} : memref<16x1024xf32, #tpu.memory_space<vmem>>, vector<1x16xf32>,
        %get3A_249 = vector.shape_cast %get3A_248 : vector<1x16xf32> to vector<16xf32>
        %add3A_250 = arith.addf %add3A_245, %get3A_249 : vector<16xf32>
        %swap3A_251 = arith.index_cast %scan3A_182 : i32 to index
        %swap3A_252 = arith.index_cast %add3A_236 : i32 to index
        %swap3A_253 = tpu.vector_load %arg12[%swap3A_251, %swap3A_252] {strides = array<i32>} : memref<16x1024xf32, #tpu.memory_space<vmem>>, vector<1x16xf32>,
        %swap3A_254 = vector.shape_cast %swap3A_253 : vector<1x16xf32> to vector<16xf32>
        %swap3A_255 = vector.shape_cast %add3A_250 : vector<16xf32> to vector<1x16xf32>
        tpu.vector_store %arg12[%swap3A_251, %swap3A_252], %swap3A_255 {strides = array<i32>} : memref<16x1024xf32, #tpu.memory_space<vmem>>, vector<1x16xf32>,
        %mul3A_256 = arith.constant 64 : i32
        %mul3A_257 = arith.muli %scan3A_188, %mul3A_256 : i32
        %add3A_258 = arith.constant 48 : i32
        %add3A_259 = arith.addi %mul3A_257, %add3A_258 : i32
        %get3A_260 = arith.index_cast %scan3A_182 : i32 to index
        %get3A_261 = arith.index_cast %add3A_259 : i32 to index
        %get3A_262 = tpu.vector_load %arg12[%get3A_260, %get3A_261] {strides = array<i32>} : memref<16x1024xf32, #tpu.memory_space<vmem>>, vector<1x16xf32>,
        %get3A_263 = vector.shape_cast %get3A_262 : vector<1x16xf32> to vector<16xf32>
        %get3A_264 = arith.index_cast %scan3A_182 : i32 to index
        %get3A_265 = arith.index_cast %add3A_259 : i32 to index
        %get3A_266 = tpu.vector_load %arg13[%get3A_264, %get3A_265] {strides = array<i32>} : memref<16x1024xf32, #tpu.memory_space<vmem>>, vector<1x16xf32>,
        %get3A_267 = vector.shape_cast %get3A_266 : vector<1x16xf32> to vector<16xf32>
        %add3A_268 = arith.addf %get3A_263, %get3A_267 : vector<16xf32>
        %get3A_269 = arith.index_cast %scan3A_182 : i32 to index
        %get3A_270 = arith.index_cast %add3A_259 : i32 to index
        %get3A_271 = tpu.vector_load %arg14[%get3A_269, %get3A_270] {strides = array<i32>} : memref<16x1024xf32, #tpu.memory_space<vmem>>, vector<1x16xf32>,
        %get3A_272 = vector.shape_cast %get3A_271 : vector<1x16xf32> to vector<16xf32>
        %add3A_273 = arith.addf %add3A_268, %get3A_272 : vector<16xf32>
        %swap3A_274 = arith.index_cast %scan3A_182 : i32 to index
        %swap3A_275 = arith.index_cast %add3A_259 : i32 to index
        %swap3A_276 = tpu.vector_load %arg12[%swap3A_274, %swap3A_275] {strides = array<i32>} : memref<16x1024xf32, #tpu.memory_space<vmem>>, vector<1x16xf32>,
        %swap3A_277 = vector.shape_cast %swap3A_276 : vector<1x16xf32> to vector<16xf32>
        %swap3A_278 = vector.shape_cast %add3A_273 : vector<16xf32> to vector<1x16xf32>
        tpu.vector_store %arg12[%swap3A_274, %swap3A_275], %swap3A_278 {strides = array<i32>} : memref<16x1024xf32, #tpu.memory_space<vmem>>, vector<1x16xf32>,
      }
      %scan3A_187 = arith.constant 16 : i32
    }
    %scan3A_165 = arith.constant 16 : i32
    %mul3A_166 = arith.constant 64 : i32
    %mul3A_167 = arith.muli %add3A, %mul3A_166 : i32
    %add3A_168 = arith.constant 48 : i32
    %add3A_169 = arith.addi %mul3A_167, %add3A_168 : i32
    %dma_start3A_170 = arith.constant 0 : i32
    %dma_start3A_171 = tpu.memref_slice %arg4[%add3A_169, %dma_start3A_170] : memref<2048x1024xf32, #tpu.memory_space<hbm>> -> memref<16x1024xf32, #tpu.memory_space<hbm>>
    %dma_start3A_172 = arith.constant 0 : i32
    %dma_start3A_173 = tpu.memref_slice %arg4[%add3A_169, %dma_start3A_172] : memref<2048x1024xf32, #tpu.memory_space<hbm>> -> memref<16x1024xf32, #tpu.memory_space<hbm>>
    tpu.enqueue_dma source(%arg12 : memref<16x1024xf32, #tpu.memory_space<vmem>>) target(%dma_start3A_173 : memref<16x1024xf32, #tpu.memory_space<hbm>>) target_semaphore(%arg18 : memref<!tpu.dma_semaphore, #tpu.memory_space<semaphore_mem>>)
    %dma_wait3A_174 = arith.constant 0 : i32
    %dma_wait3A_175 = tpu.memref_slice %arg4[%add3A_145, %dma_wait3A_174] : memref<2048x1024xf32, #tpu.memory_space<hbm>> -> memref<16x1024xf32, #tpu.memory_space<hbm>>
    %dma_wait3A_176 = arith.constant 0 : i32
    %dma_wait3A_177 = tpu.memref_slice %arg4[%add3A_145, %dma_wait3A_176] : memref<2048x1024xf32, #tpu.memory_space<hbm>> -> memref<16x1024xf32, #tpu.memory_space<hbm>>
    tpu.wait_dma2 semaphore(%arg17 : memref<!tpu.dma_semaphore, #tpu.memory_space<semaphore_mem>>) src(%arg7 : memref<16x1024xf32, #tpu.memory_space<vmem>>) dst(%dma_wait3A_177 : memref<16x1024xf32, #tpu.memory_space<hbm>>)
    %dma_wait3A_178 = arith.constant 0 : i32
    %dma_wait3A_179 = tpu.memref_slice %arg4[%add3A_169, %dma_wait3A_178] : memref<2048x1024xf32, #tpu.memory_space<hbm>> -> memref<16x1024xf32, #tpu.memory_space<hbm>>
    %dma_wait3A_180 = arith.constant 0 : i32
    %dma_wait3A_181 = tpu.memref_slice %arg4[%add3A_169, %dma_wait3A_180] : memref<2048x1024xf32, #tpu.memory_space<hbm>> -> memref<16x1024xf32, #tpu.memory_space<hbm>>
    tpu.wait_dma2 semaphore(%arg18 : memref<!tpu.dma_semaphore, #tpu.memory_space<semaphore_mem>>) src(%arg12 : memref<16x1024xf32, #tpu.memory_space<vmem>>) dst(%dma_wait3A_181 : memref<16x1024xf32, #tpu.memory_space<hbm>>)
    return
  }
}

module attributes {stable_mosaic.version = 14 : i64} {
  func.func @_router_body(%arg0: memref<2048x64xf32, #tpu.memory_space<vmem>>, %arg1: memref<4096x1xi32, #tpu.memory_space<vmem>>, %arg2: memref<4096x128xf32, #tpu.memory_space<vmem>>, %arg3: memref<88x1xi32, #tpu.memory_space<vmem>>, %arg4: memref<88x1xi32, #tpu.memory_space<vmem>>, %arg5: memref<88x1xi32, #tpu.memory_space<vmem>>, %arg6: memref<88x1xi32, #tpu.memory_space<vmem>>, %arg7: memref<88x1xi32, #tpu.memory_space<vmem>>) attributes {dimension_semantics = [], scalar_prefetch = 0 : i64, scratch_operands = 0 : i64, tpu.core_type = #tpu.core_type<tc>} {
    %get3A = arith.constant 0 : index
    %get3A_0 = arith.constant 0 : index
    %get3A_1 = vector.load %arg0[%get3A, %get3A_0] : memref<2048x64xf32, #tpu.memory_space<vmem>>, vector<2048x64xf32>
    %iota3A = tpu.iota {dimensions = array<i32: 1>} : vector<2048x64xi32>
    %reduce_max3A = arith.constant dense<0xFF800000> : vector<2048xf32>
    %reduce_max3A_2 = vector.multi_reduction <maximumf>, %get3A_1, %reduce_max3A [1] : vector<2048x64xf32> to vector<2048xf32>
    %broadcast_in_dim3A = vector.shape_cast %reduce_max3A_2 : vector<2048xf32> to vector<2048x1xf32>
    %eq3A = vector.broadcast %broadcast_in_dim3A : vector<2048x1xf32> to vector<2048x64xf32>
    %eq3A_3 = arith.cmpf oeq, %get3A_1, %eq3A : vector<2048x64xf32>
    %jit3A = arith.constant 1048576 : i32
    %broadcast_in_dim3A_4 = vector.broadcast %jit3A : i32 to vector<2048x64xi32>
    %select_n3A = arith.select %eq3A_3, %iota3A, %broadcast_in_dim3A_4 : vector<2048x64xi1>, vector<2048x64xi32>
    %reduce_min3A = arith.constant dense<2147483647> : vector<2048xi32>
    %reduce_min3A_5 = vector.multi_reduction <minsi>, %select_n3A, %reduce_min3A [1] : vector<2048x64xi32> to vector<2048xi32>
    %broadcast_in_dim3A_6 = vector.shape_cast %reduce_min3A_5 : vector<2048xi32> to vector<2048x1xi32>
    %eq3A_7 = vector.broadcast %broadcast_in_dim3A_6 : vector<2048x1xi32> to vector<2048x64xi32>
    %eq3A_8 = arith.cmpi eq, %iota3A, %eq3A_7 : vector<2048x64xi32>
    %jit3A_9 = arith.constant -1.000000e+00 : f32
    %broadcast_in_dim3A_10 = vector.broadcast %jit3A_9 : f32 to vector<2048x64xf32>
    %select_n3A_11 = arith.select %eq3A_8, %broadcast_in_dim3A_10, %get3A_1 : vector<2048x64xi1>, vector<2048x64xf32>
    %reduce_max3A_12 = arith.constant dense<0xFF800000> : vector<2048xf32>
    %reduce_max3A_13 = vector.multi_reduction <maximumf>, %select_n3A_11, %reduce_max3A_12 [1] : vector<2048x64xf32> to vector<2048xf32>
    %broadcast_in_dim3A_14 = vector.shape_cast %reduce_max3A_13 : vector<2048xf32> to vector<2048x1xf32>
    %eq3A_15 = vector.broadcast %broadcast_in_dim3A_14 : vector<2048x1xf32> to vector<2048x64xf32>
    %eq3A_16 = arith.cmpf oeq, %select_n3A_11, %eq3A_15 : vector<2048x64xf32>
    %jit3A_17 = arith.constant 1048576 : i32
    %broadcast_in_dim3A_18 = vector.broadcast %jit3A_17 : i32 to vector<2048x64xi32>
    %select_n3A_19 = arith.select %eq3A_16, %iota3A, %broadcast_in_dim3A_18 : vector<2048x64xi1>, vector<2048x64xi32>
    %reduce_min3A_20 = arith.constant dense<2147483647> : vector<2048xi32>
    %reduce_min3A_21 = vector.multi_reduction <minsi>, %select_n3A_19, %reduce_min3A_20 [1] : vector<2048x64xi32> to vector<2048xi32>
    %broadcast_in_dim3A_22 = vector.shape_cast %reduce_min3A_21 : vector<2048xi32> to vector<2048x1xi32>
    %add3A = arith.addf %broadcast_in_dim3A, %broadcast_in_dim3A_14 : vector<2048x1xf32>
    %eq3A_23 = vector.broadcast %broadcast_in_dim3A_6 : vector<2048x1xi32> to vector<2048x64xi32>
    %eq3A_24 = arith.cmpi eq, %iota3A, %eq3A_23 : vector<2048x64xi32>
    %convert_element_type3A = arith.extui %eq3A_24 : vector<2048x64xi1> to vector<2048x64xi32>
    %convert_element_type3A_25 = arith.sitofp %convert_element_type3A : vector<2048x64xi32> to vector<2048x64xf32>
    %convert_element_type3A_26 = arith.truncf %convert_element_type3A_25 : vector<2048x64xf32> to vector<2048x64xbf16>
    %eq3A_27 = vector.broadcast %broadcast_in_dim3A_22 : vector<2048x1xi32> to vector<2048x64xi32>
    %eq3A_28 = arith.cmpi eq, %iota3A, %eq3A_27 : vector<2048x64xi32>
    %convert_element_type3A_29 = arith.extui %eq3A_28 : vector<2048x64xi1> to vector<2048x64xi32>
    %convert_element_type3A_30 = arith.sitofp %convert_element_type3A_29 : vector<2048x64xi32> to vector<2048x64xf32>
    %convert_element_type3A_31 = arith.truncf %convert_element_type3A_30 : vector<2048x64xf32> to vector<2048x64xbf16>
    %iota3A_32 = tpu.iota {dimensions = array<i32: 0>} : vector<2048x2048xi32>
    %iota3A_33 = tpu.iota {dimensions = array<i32: 1>} : vector<2048x2048xi32>
    %ge3A = arith.cmpi sge, %iota3A_32, %iota3A_33 : vector<2048x2048xi32>
    %convert_element_type3A_34 = arith.extui %ge3A : vector<2048x2048xi1> to vector<2048x2048xi32>
    %convert_element_type3A_35 = arith.sitofp %convert_element_type3A_34 : vector<2048x2048xi32> to vector<2048x2048xf32>
    %convert_element_type3A_36 = arith.truncf %convert_element_type3A_35 : vector<2048x2048xf32> to vector<2048x2048xbf16>
    %dot_general3A = arith.constant dense<0.000000e+00> : vector<2048x64xf32>
    %dot_general3A_37 = tpu.matmul %convert_element_type3A_36, %convert_element_type3A_26, %dot_general3A {dimension_numbers = #tpu.dot_dimension_numbers<[1], [0], [0], [1], [0, 0, 1, 1], [], []>, transpose_lhs_hint = false} : vector<2048x2048xbf16>, vector<2048x64xbf16>, vector<2048x64xf32> -> vector<2048x64xf32>
    %dot_general3A_38 = arith.constant dense<0.000000e+00> : vector<2048x64xf32>
    %dot_general3A_39 = tpu.matmul %convert_element_type3A_36, %convert_element_type3A_31, %dot_general3A_38 {dimension_numbers = #tpu.dot_dimension_numbers<[1], [0], [0], [1], [0, 0, 1, 1], [], []>, transpose_lhs_hint = false} : vector<2048x2048xbf16>, vector<2048x64xbf16>, vector<2048x64xf32> -> vector<2048x64xf32>
    %slice3A = vector.extract_strided_slice %dot_general3A_37 {offsets = [2047, 0], sizes = [1, 64], strides = [1, 1]} : vector<2048x64xf32> to vector<1x64xf32>
    %slice3A_40 = vector.extract_strided_slice %dot_general3A_39 {offsets = [2047, 0], sizes = [1, 64], strides = [1, 1]} : vector<2048x64xf32> to vector<1x64xf32>
    %add3A_41 = arith.addf %slice3A, %slice3A_40 : vector<1x64xf32>
    %lt3A = vector.broadcast %broadcast_in_dim3A_6 : vector<2048x1xi32> to vector<2048x64xi32>
    %lt3A_42 = arith.cmpi slt, %lt3A, %iota3A : vector<2048x64xi32>
    %convert_element_type3A_43 = arith.extui %lt3A_42 : vector<2048x64xi1> to vector<2048x64xi32>
    %convert_element_type3A_44 = arith.sitofp %convert_element_type3A_43 : vector<2048x64xi32> to vector<2048x64xf32>
    %convert_element_type3A_45 = arith.truncf %convert_element_type3A_44 : vector<2048x64xf32> to vector<2048x64xbf16>
    %lt3A_46 = vector.broadcast %broadcast_in_dim3A_22 : vector<2048x1xi32> to vector<2048x64xi32>
    %lt3A_47 = arith.cmpi slt, %lt3A_46, %iota3A : vector<2048x64xi32>
    %convert_element_type3A_48 = arith.extui %lt3A_47 : vector<2048x64xi1> to vector<2048x64xi32>
    %convert_element_type3A_49 = arith.sitofp %convert_element_type3A_48 : vector<2048x64xi32> to vector<2048x64xf32>
    %convert_element_type3A_50 = arith.truncf %convert_element_type3A_49 : vector<2048x64xf32> to vector<2048x64xbf16>
    %add3A_51 = arith.addf %convert_element_type3A_45, %convert_element_type3A_50 : vector<2048x64xbf16>
    %broadcast_in_dim3A_52 = arith.constant 1.000000e+00 : bf16
    %broadcast_in_dim3A_53 = vector.broadcast %broadcast_in_dim3A_52 : bf16 to vector<1x2048xbf16>
    %dot_general3A_54 = arith.constant dense<0.000000e+00> : vector<1x64xf32>
    %dot_general3A_55 = tpu.matmul %broadcast_in_dim3A_53, %add3A_51, %dot_general3A_54 {dimension_numbers = #tpu.dot_dimension_numbers<[1], [0], [0], [1], [0, 0, 1, 1], [], []>, transpose_lhs_hint = false} : vector<1x2048xbf16>, vector<2048x64xbf16>, vector<1x64xf32> -> vector<1x64xf32>
    %convert_element_type3A_56 = arith.extf %convert_element_type3A_26 : vector<2048x64xbf16> to vector<2048x64xf32>
    %convert_element_type3A_57 = arith.extf %convert_element_type3A_31 : vector<2048x64xbf16> to vector<2048x64xf32>
    %add3A_58 = vector.broadcast %dot_general3A_55 : vector<1x64xf32> to vector<2048x64xf32>
    %add3A_59 = arith.addf %add3A_58, %dot_general3A_37 : vector<2048x64xf32>
    %sub3A = arith.constant 1.000000e+00 : f32
    %sub3A_60 = vector.broadcast %sub3A : f32 to vector<2048x64xf32>
    %sub3A_61 = arith.subf %add3A_59, %sub3A_60 : vector<2048x64xf32>
    %mul3A = arith.mulf %convert_element_type3A_56, %sub3A_61 : vector<2048x64xf32>
    %reduce_sum3A = arith.constant dense<0.000000e+00> : vector<2048xf32>
    %reduce_sum3A_62 = vector.multi_reduction <add>, %mul3A, %reduce_sum3A [1] : vector<2048x64xf32> to vector<2048xf32>
    %broadcast_in_dim3A_63 = vector.shape_cast %reduce_sum3A_62 : vector<2048xf32> to vector<2048x1xf32>
    %add3A_64 = arith.addf %dot_general3A_55, %slice3A : vector<1x64xf32>
    %add3A_65 = vector.broadcast %add3A_64 : vector<1x64xf32> to vector<2048x64xf32>
    %add3A_66 = arith.addf %add3A_65, %dot_general3A_39 : vector<2048x64xf32>
    %sub3A_67 = arith.constant 1.000000e+00 : f32
    %sub3A_68 = vector.broadcast %sub3A_67 : f32 to vector<2048x64xf32>
    %sub3A_69 = arith.subf %add3A_66, %sub3A_68 : vector<2048x64xf32>
    %mul3A_70 = arith.mulf %convert_element_type3A_57, %sub3A_69 : vector<2048x64xf32>
    %reduce_sum3A_71 = arith.constant dense<0.000000e+00> : vector<2048xf32>
    %reduce_sum3A_72 = vector.multi_reduction <add>, %mul3A_70, %reduce_sum3A_71 [1] : vector<2048x64xf32> to vector<2048xf32>
    %broadcast_in_dim3A_73 = vector.shape_cast %reduce_sum3A_72 : vector<2048xf32> to vector<2048x1xf32>
    %convert_element_type3A_74 = arith.fptosi %broadcast_in_dim3A_63 : vector<2048x1xf32> to vector<2048x1xi32>
    %swap3A = arith.constant 0 : index
    %swap3A_75 = arith.constant 0 : index
    %swap3A_76 = vector.load %arg1[%swap3A, %swap3A_75] : memref<4096x1xi32, #tpu.memory_space<vmem>>, vector<2048x1xi32>
    tpu.vector_store %arg1[%swap3A, %swap3A_75], %convert_element_type3A_74 {strides = array<i32>} : memref<4096x1xi32, #tpu.memory_space<vmem>>, vector<2048x1xi32>,
    %convert_element_type3A_77 = arith.fptosi %broadcast_in_dim3A_73 : vector<2048x1xf32> to vector<2048x1xi32>
    %swap3A_78 = arith.constant 2048 : index
    %swap3A_79 = arith.constant 0 : index
    %swap3A_80 = vector.load %arg1[%swap3A_78, %swap3A_79] : memref<4096x1xi32, #tpu.memory_space<vmem>>, vector<2048x1xi32>
    tpu.vector_store %arg1[%swap3A_78, %swap3A_79], %convert_element_type3A_77 {strides = array<i32>} : memref<4096x1xi32, #tpu.memory_space<vmem>>, vector<2048x1xi32>,
    %div3A = arith.divf %broadcast_in_dim3A, %add3A : vector<2048x1xf32>
    %broadcast_in_dim3A_81 = vector.shape_cast %div3A : vector<2048x1xf32> to vector<2048x1xf32>
    %broadcast_in_dim3A_82 = vector.broadcast %broadcast_in_dim3A_81 : vector<2048x1xf32> to vector<2048x128xf32>
    %swap3A_83 = arith.constant 0 : index
    %swap3A_84 = arith.constant 0 : index
    %swap3A_85 = vector.load %arg2[%swap3A_83, %swap3A_84] : memref<4096x128xf32, #tpu.memory_space<vmem>>, vector<2048x128xf32>
    tpu.vector_store %arg2[%swap3A_83, %swap3A_84], %broadcast_in_dim3A_82 {strides = array<i32>} : memref<4096x128xf32, #tpu.memory_space<vmem>>, vector<2048x128xf32>,
    %div3A_86 = arith.divf %broadcast_in_dim3A_14, %add3A : vector<2048x1xf32>
    %broadcast_in_dim3A_87 = vector.shape_cast %div3A_86 : vector<2048x1xf32> to vector<2048x1xf32>
    %broadcast_in_dim3A_88 = vector.broadcast %broadcast_in_dim3A_87 : vector<2048x1xf32> to vector<2048x128xf32>
    %swap3A_89 = arith.constant 2048 : index
    %swap3A_90 = arith.constant 0 : index
    %swap3A_91 = vector.load %arg2[%swap3A_89, %swap3A_90] : memref<4096x128xf32, #tpu.memory_space<vmem>>, vector<2048x128xf32>
    tpu.vector_store %arg2[%swap3A_89, %swap3A_90], %broadcast_in_dim3A_88 {strides = array<i32>} : memref<4096x128xf32, #tpu.memory_space<vmem>>, vector<2048x128xf32>,
    %iota3A_92 = tpu.iota {dimensions = array<i32: 1>} : vector<1x64xi32>
    %convert_element_type3A_93 = arith.sitofp %iota3A_92 : vector<1x64xi32> to vector<1x64xf32>
    %eq3A_94 = arith.constant 6.300000e+01 : f32
    %eq3A_95 = vector.broadcast %eq3A_94 : f32 to vector<1x64xf32>
    %eq3A_96 = arith.cmpf oeq, %convert_element_type3A_93, %eq3A_95 : vector<1x64xf32>
    %jit3A_97 = arith.constant 4.096000e+03 : f32
    %broadcast_in_dim3A_98 = vector.broadcast %jit3A_97 : f32 to vector<1x64xf32>
    %select_n3A_99 = arith.select %eq3A_96, %broadcast_in_dim3A_98, %dot_general3A_55 : vector<1x64xi1>, vector<1x64xf32>
    %eq3A_100 = arith.constant 6.300000e+01 : f32
    %eq3A_101 = vector.broadcast %eq3A_100 : f32 to vector<1x64xf32>
    %eq3A_102 = arith.cmpf oeq, %convert_element_type3A_93, %eq3A_101 : vector<1x64xf32>
    %add3A_103 = arith.addf %dot_general3A_55, %add3A_41 : vector<1x64xf32>
    %jit3A_104 = arith.constant 6.144000e+03 : f32
    %broadcast_in_dim3A_105 = vector.broadcast %jit3A_104 : f32 to vector<1x64xf32>
    %select_n3A_106 = arith.select %eq3A_102, %broadcast_in_dim3A_105, %add3A_103 : vector<1x64xi1>, vector<1x64xf32>
    %broadcast_in_dim3A_107 = arith.constant 1.000000e+00 : bf16
    %broadcast_in_dim3A_108 = vector.broadcast %broadcast_in_dim3A_107 : bf16 to vector<2048x1xbf16>
    %dot_general3A_109 = arith.constant dense<0.000000e+00> : vector<64x1xf32>
    %dot_general3A_110 = tpu.matmul %add3A_51, %broadcast_in_dim3A_108, %dot_general3A_109 {dimension_numbers = #tpu.dot_dimension_numbers<[0], [0], [1], [1], [0, 1, 1, 1], [], []>, transpose_lhs_hint = false} : vector<2048x64xbf16>, vector<2048x1xbf16>, vector<64x1xf32> -> vector<64x1xf32>
    %add3A_111 = arith.addf %convert_element_type3A_26, %convert_element_type3A_31 : vector<2048x64xbf16>
    %dot_general3A_112 = arith.constant dense<0.000000e+00> : vector<64x1xf32>
    %dot_general3A_113 = tpu.matmul %add3A_111, %broadcast_in_dim3A_108, %dot_general3A_112 {dimension_numbers = #tpu.dot_dimension_numbers<[0], [0], [1], [1], [0, 1, 1, 1], [], []>, transpose_lhs_hint = false} : vector<2048x64xbf16>, vector<2048x1xbf16>, vector<64x1xf32> -> vector<64x1xf32>
    %iota3A_114 = tpu.iota {dimensions = array<i32: 0>} : vector<64x24xi32>
    %convert_element_type3A_115 = arith.sitofp %iota3A_114 : vector<64x24xi32> to vector<64x24xf32>
    %iota3A_116 = tpu.iota {dimensions = array<i32: 1>} : vector<64x24xi32>
    %convert_element_type3A_117 = arith.sitofp %iota3A_116 : vector<64x24xi32> to vector<64x24xf32>
    %eq3A_118 = arith.constant 6.300000e+01 : f32
    %eq3A_119 = vector.broadcast %eq3A_118 : f32 to vector<64x24xf32>
    %eq3A_120 = arith.cmpf oeq, %convert_element_type3A_115, %eq3A_119 : vector<64x24xf32>
    %broadcast_in_dim3A_121 = vector.shape_cast %dot_general3A_110 : vector<64x1xf32> to vector<64x1xf32>
    %broadcast_in_dim3A_122 = vector.broadcast %broadcast_in_dim3A_121 : vector<64x1xf32> to vector<64x24xf32>
    %jit3A_123 = arith.constant 4.096000e+03 : f32
    %broadcast_in_dim3A_124 = vector.broadcast %jit3A_123 : f32 to vector<64x24xf32>
    %select_n3A_125 = arith.select %eq3A_120, %broadcast_in_dim3A_124, %broadcast_in_dim3A_122 : vector<64x24xi1>, vector<64x24xf32>
    %eq3A_126 = arith.constant 6.300000e+01 : f32
    %eq3A_127 = vector.broadcast %eq3A_126 : f32 to vector<64x24xf32>
    %eq3A_128 = arith.cmpf oeq, %convert_element_type3A_115, %eq3A_127 : vector<64x24xf32>
    %add3A_129 = arith.addf %dot_general3A_110, %dot_general3A_113 : vector<64x1xf32>
    %broadcast_in_dim3A_130 = vector.shape_cast %add3A_129 : vector<64x1xf32> to vector<64x1xf32>
    %broadcast_in_dim3A_131 = vector.broadcast %broadcast_in_dim3A_130 : vector<64x1xf32> to vector<64x24xf32>
    %jit3A_132 = arith.constant 6.144000e+03 : f32
    %broadcast_in_dim3A_133 = vector.broadcast %jit3A_132 : f32 to vector<64x24xf32>
    %select_n3A_134 = arith.select %eq3A_128, %broadcast_in_dim3A_133, %broadcast_in_dim3A_131 : vector<64x24xi1>, vector<64x24xf32>
    %add3A_135 = arith.constant 1.000000e+00 : f32
    %add3A_136 = vector.broadcast %add3A_135 : f32 to vector<64x24xf32>
    %add3A_137 = arith.addf %convert_element_type3A_117, %add3A_136 : vector<64x24xf32>
    %mul3A_138 = arith.constant 2.560000e+02 : f32
    %mul3A_139 = vector.broadcast %mul3A_138 : f32 to vector<64x24xf32>
    %mul3A_140 = arith.mulf %add3A_137, %mul3A_139 : vector<64x24xf32>
    %lt3A_141 = arith.cmpf olt, %select_n3A_125, %mul3A_140 : vector<64x24xf32>
    %mul3A_142 = arith.constant 2.560000e+02 : f32
    %mul3A_143 = vector.broadcast %mul3A_142 : f32 to vector<64x24xf32>
    %mul3A_144 = arith.mulf %convert_element_type3A_117, %mul3A_143 : vector<64x24xf32>
    %gt3A = arith.cmpf ogt, %select_n3A_134, %mul3A_144 : vector<64x24xf32>
    %and3A = arith.andi %lt3A_141, %gt3A : vector<64x24xi1>
    %gt3A_145 = arith.cmpf ogt, %select_n3A_134, %select_n3A_125 : vector<64x24xf32>
    %and3A_146 = arith.andi %and3A, %gt3A_145 : vector<64x24xi1>
    %convert_element_type3A_147 = arith.extui %and3A_146 : vector<64x24xi1> to vector<64x24xi32>
    %convert_element_type3A_148 = arith.sitofp %convert_element_type3A_147 : vector<64x24xi32> to vector<64x24xf32>
    %convert_element_type3A_149 = arith.truncf %convert_element_type3A_148 : vector<64x24xf32> to vector<64x24xbf16>
    %broadcast_in_dim3A_150 = arith.constant 1.000000e+00 : bf16
    %broadcast_in_dim3A_151 = vector.broadcast %broadcast_in_dim3A_150 : bf16 to vector<1x64xbf16>
    %dot_general3A_152 = arith.constant dense<0.000000e+00> : vector<1x24xf32>
    %dot_general3A_153 = tpu.matmul %broadcast_in_dim3A_151, %convert_element_type3A_149, %dot_general3A_152 {dimension_numbers = #tpu.dot_dimension_numbers<[1], [0], [0], [1], [0, 0, 1, 1], [], []>, transpose_lhs_hint = false} : vector<1x64xbf16>, vector<64x24xbf16>, vector<1x24xf32> -> vector<1x24xf32>
    %iota3A_154 = tpu.iota {dimensions = array<i32: 0>} : vector<24x24xi32>
    %convert_element_type3A_155 = arith.sitofp %iota3A_154 : vector<24x24xi32> to vector<24x24xf32>
    %iota3A_156 = tpu.iota {dimensions = array<i32: 1>} : vector<24x24xi32>
    %convert_element_type3A_157 = arith.sitofp %iota3A_156 : vector<24x24xi32> to vector<24x24xf32>
    %convert_element_type3A_158 = arith.truncf %dot_general3A_153 : vector<1x24xf32> to vector<1x24xbf16>
    %le3A = arith.cmpf ole, %convert_element_type3A_155, %convert_element_type3A_157 : vector<24x24xf32>
    %convert_element_type3A_159 = arith.extui %le3A : vector<24x24xi1> to vector<24x24xi32>
    %convert_element_type3A_160 = arith.sitofp %convert_element_type3A_159 : vector<24x24xi32> to vector<24x24xf32>
    %convert_element_type3A_161 = arith.truncf %convert_element_type3A_160 : vector<24x24xf32> to vector<24x24xbf16>
    %dot_general3A_162 = arith.constant dense<0.000000e+00> : vector<1x24xf32>
    %dot_general3A_163 = tpu.matmul %convert_element_type3A_158, %convert_element_type3A_161, %dot_general3A_162 {dimension_numbers = #tpu.dot_dimension_numbers<[1], [0], [0], [1], [0, 0, 1, 1], [], []>, transpose_lhs_hint = false} : vector<1x24xbf16>, vector<24x24xbf16>, vector<1x24xf32> -> vector<1x24xf32>
    %sub3A_164 = arith.subf %dot_general3A_163, %dot_general3A_153 : vector<1x24xf32>
    %iota3A_165 = tpu.iota {dimensions = array<i32: 0>} : vector<88x1xi32>
    %convert_element_type3A_166 = arith.sitofp %iota3A_165 : vector<88x1xi32> to vector<88x1xf32>
    %iota3A_167 = tpu.iota {dimensions = array<i32: 1>} : vector<88x24xi32>
    %convert_element_type3A_168 = arith.sitofp %iota3A_167 : vector<88x24xi32> to vector<88x24xf32>
    %ge3A_169 = vector.broadcast %convert_element_type3A_166 : vector<88x1xf32> to vector<88x24xf32>
    %ge3A_170 = vector.broadcast %dot_general3A_163 : vector<1x24xf32> to vector<88x24xf32>
    %ge3A_171 = arith.cmpf oge, %ge3A_169, %ge3A_170 : vector<88x24xf32>
    %convert_element_type3A_172 = arith.extui %ge3A_171 : vector<88x24xi1> to vector<88x24xi32>
    %convert_element_type3A_173 = arith.sitofp %convert_element_type3A_172 : vector<88x24xi32> to vector<88x24xf32>
    %reduce_sum3A_174 = arith.constant dense<0.000000e+00> : vector<88xf32>
    %reduce_sum3A_175 = vector.multi_reduction <add>, %convert_element_type3A_173, %reduce_sum3A_174 [1] : vector<88x24xf32> to vector<88xf32>
    %broadcast_in_dim3A_176 = vector.shape_cast %reduce_sum3A_175 : vector<88xf32> to vector<88x1xf32>
    %ge3A_177 = arith.constant 2.400000e+01 : f32
    %ge3A_178 = vector.broadcast %ge3A_177 : f32 to vector<88x1xf32>
    %ge3A_179 = arith.cmpf oge, %broadcast_in_dim3A_176, %ge3A_178 : vector<88x1xf32>
    %jit3A_180 = arith.constant 2.300000e+01 : f32
    %broadcast_in_dim3A_181 = vector.broadcast %jit3A_180 : f32 to vector<88x1xf32>
    %select_n3A_182 = arith.select %ge3A_179, %broadcast_in_dim3A_181, %broadcast_in_dim3A_176 : vector<88x1xi1>, vector<88x1xf32>
    %broadcast_in_dim3A_183 = vector.shape_cast %select_n3A_182 : vector<88x1xf32> to vector<88x1xf32>
    %broadcast_in_dim3A_184 = vector.broadcast %broadcast_in_dim3A_183 : vector<88x1xf32> to vector<88x24xf32>
    %eq3A_185 = arith.cmpf oeq, %convert_element_type3A_168, %broadcast_in_dim3A_184 : vector<88x24xf32>
    %convert_element_type3A_186 = arith.extui %eq3A_185 : vector<88x24xi1> to vector<88x24xi32>
    %convert_element_type3A_187 = arith.sitofp %convert_element_type3A_186 : vector<88x24xi32> to vector<88x24xf32>
    %mul3A_188 = vector.broadcast %sub3A_164 : vector<1x24xf32> to vector<88x24xf32>
    %mul3A_189 = arith.mulf %convert_element_type3A_187, %mul3A_188 : vector<88x24xf32>
    %reduce_sum3A_190 = arith.constant dense<0.000000e+00> : vector<88xf32>
    %reduce_sum3A_191 = vector.multi_reduction <add>, %mul3A_189, %reduce_sum3A_190 [1] : vector<88x24xf32> to vector<88xf32>
    %broadcast_in_dim3A_192 = vector.shape_cast %reduce_sum3A_191 : vector<88xf32> to vector<88x1xf32>
    %sub3A_193 = arith.subf %convert_element_type3A_166, %broadcast_in_dim3A_192 : vector<88x1xf32>
    %iota3A_194 = tpu.iota {dimensions = array<i32: 0>} : vector<64x64xi32>
    %convert_element_type3A_195 = arith.sitofp %iota3A_194 : vector<64x64xi32> to vector<64x64xf32>
    %iota3A_196 = tpu.iota {dimensions = array<i32: 1>} : vector<64x64xi32>
    %convert_element_type3A_197 = arith.sitofp %iota3A_196 : vector<64x64xi32> to vector<64x64xf32>
    %lt3A_198 = arith.cmpf olt, %convert_element_type3A_197, %convert_element_type3A_195 : vector<64x64xf32>
    %convert_element_type3A_199 = arith.extui %lt3A_198 : vector<64x64xi1> to vector<64x64xi32>
    %convert_element_type3A_200 = arith.sitofp %convert_element_type3A_199 : vector<64x64xi32> to vector<64x64xf32>
    %convert_element_type3A_201 = arith.truncf %convert_element_type3A_200 : vector<64x64xf32> to vector<64x64xbf16>
    %dot_general3A_202 = arith.constant dense<0.000000e+00> : vector<64x24xf32>
    %dot_general3A_203 = tpu.matmul %convert_element_type3A_201, %convert_element_type3A_149, %dot_general3A_202 {dimension_numbers = #tpu.dot_dimension_numbers<[1], [0], [0], [1], [0, 0, 1, 1], [], []>, transpose_lhs_hint = false} : vector<64x64xbf16>, vector<64x24xbf16>, vector<64x24xf32> -> vector<64x24xf32>
    %convert_element_type3A_204 = arith.truncf %convert_element_type3A_187 : vector<88x24xf32> to vector<88x24xbf16>
    %dot_general3A_205 = arith.constant dense<0.000000e+00> : vector<88x64xf32>
    %dot_general3A_206 = tpu.matmul %convert_element_type3A_204, %convert_element_type3A_149, %dot_general3A_205 {dimension_numbers = #tpu.dot_dimension_numbers<[1], [1], [0], [0], [0, 0, 1, 0], [], []>, transpose_lhs_hint = false} : vector<88x24xbf16>, vector<64x24xbf16>, vector<88x64xf32> -> vector<88x64xf32>
    %convert_element_type3A_207 = arith.truncf %dot_general3A_203 : vector<64x24xf32> to vector<64x24xbf16>
    %dot_general3A_208 = arith.constant dense<0.000000e+00> : vector<88x64xf32>
    %dot_general3A_209 = tpu.matmul %convert_element_type3A_204, %convert_element_type3A_207, %dot_general3A_208 {dimension_numbers = #tpu.dot_dimension_numbers<[1], [1], [0], [0], [0, 0, 1, 0], [], []>, transpose_lhs_hint = false} : vector<88x24xbf16>, vector<64x24xbf16>, vector<88x64xf32> -> vector<88x64xf32>
    %iota3A_210 = tpu.iota {dimensions = array<i32: 1>} : vector<88x64xi32>
    %convert_element_type3A_211 = arith.sitofp %iota3A_210 : vector<88x64xi32> to vector<88x64xf32>
    %broadcast_in_dim3A_212 = vector.shape_cast %sub3A_193 : vector<88x1xf32> to vector<88x1xf32>
    %broadcast_in_dim3A_213 = vector.broadcast %broadcast_in_dim3A_212 : vector<88x1xf32> to vector<88x64xf32>
    %eq3A_214 = arith.cmpf oeq, %dot_general3A_209, %broadcast_in_dim3A_213 : vector<88x64xf32>
    %convert_element_type3A_215 = arith.extui %eq3A_214 : vector<88x64xi1> to vector<88x64xi32>
    %convert_element_type3A_216 = arith.sitofp %convert_element_type3A_215 : vector<88x64xi32> to vector<88x64xf32>
    %mul3A_217 = arith.mulf %dot_general3A_206, %convert_element_type3A_216 : vector<88x64xf32>
    %mul3A_218 = arith.mulf %mul3A_217, %convert_element_type3A_211 : vector<88x64xf32>
    %reduce_sum3A_219 = arith.constant dense<0.000000e+00> : vector<88xf32>
    %reduce_sum3A_220 = vector.multi_reduction <add>, %mul3A_218, %reduce_sum3A_219 [1] : vector<88x64xf32> to vector<88xf32>
    %broadcast_in_dim3A_221 = vector.shape_cast %reduce_sum3A_220 : vector<88xf32> to vector<88x1xf32>
    %jit3A_222 = arith.constant 6.300000e+01 : f32
    %broadcast_in_dim3A_223 = vector.broadcast %jit3A_222 : f32 to vector<88x1xf32>
    %select_n3A_224 = arith.select %ge3A_179, %broadcast_in_dim3A_223, %broadcast_in_dim3A_221 : vector<88x1xi1>, vector<88x1xf32>
    %broadcast_in_dim3A_225 = vector.shape_cast %select_n3A_224 : vector<88x1xf32> to vector<88x1xf32>
    %broadcast_in_dim3A_226 = vector.broadcast %broadcast_in_dim3A_225 : vector<88x1xf32> to vector<88x64xf32>
    %eq3A_227 = arith.cmpf oeq, %convert_element_type3A_211, %broadcast_in_dim3A_226 : vector<88x64xf32>
    %convert_element_type3A_228 = arith.extui %eq3A_227 : vector<88x64xi1> to vector<88x64xi32>
    %convert_element_type3A_229 = arith.sitofp %convert_element_type3A_228 : vector<88x64xi32> to vector<88x64xf32>
    %mul3A_230 = vector.broadcast %select_n3A_99 : vector<1x64xf32> to vector<88x64xf32>
    %mul3A_231 = arith.mulf %convert_element_type3A_229, %mul3A_230 : vector<88x64xf32>
    %reduce_sum3A_232 = arith.constant dense<0.000000e+00> : vector<88xf32>
    %reduce_sum3A_233 = vector.multi_reduction <add>, %mul3A_231, %reduce_sum3A_232 [1] : vector<88x64xf32> to vector<88xf32>
    %broadcast_in_dim3A_234 = vector.shape_cast %reduce_sum3A_233 : vector<88xf32> to vector<88x1xf32>
    %mul3A_235 = vector.broadcast %select_n3A_106 : vector<1x64xf32> to vector<88x64xf32>
    %mul3A_236 = arith.mulf %convert_element_type3A_229, %mul3A_235 : vector<88x64xf32>
    %reduce_sum3A_237 = arith.constant dense<0.000000e+00> : vector<88xf32>
    %reduce_sum3A_238 = vector.multi_reduction <add>, %mul3A_236, %reduce_sum3A_237 [1] : vector<88x64xf32> to vector<88xf32>
    %broadcast_in_dim3A_239 = vector.shape_cast %reduce_sum3A_238 : vector<88xf32> to vector<88x1xf32>
    %mul3A_240 = arith.constant 2.560000e+02 : f32
    %mul3A_241 = vector.broadcast %mul3A_240 : f32 to vector<88x1xf32>
    %mul3A_242 = arith.mulf %select_n3A_182, %mul3A_241 : vector<88x1xf32>
    %max3A = arith.maximumf %broadcast_in_dim3A_234, %mul3A_242 : vector<88x1xf32>
    %jit3A_243 = arith.constant 0.000000e+00 : f32
    %broadcast_in_dim3A_244 = vector.broadcast %jit3A_243 : f32 to vector<88x1xf32>
    %select_n3A_245 = arith.select %ge3A_179, %broadcast_in_dim3A_244, %max3A : vector<88x1xi1>, vector<88x1xf32>
    %add3A_246 = arith.constant 1.000000e+00 : f32
    %add3A_247 = vector.broadcast %add3A_246 : f32 to vector<88x1xf32>
    %add3A_248 = arith.addf %select_n3A_182, %add3A_247 : vector<88x1xf32>
    %mul3A_249 = arith.constant 2.560000e+02 : f32
    %mul3A_250 = vector.broadcast %mul3A_249 : f32 to vector<88x1xf32>
    %mul3A_251 = arith.mulf %add3A_248, %mul3A_250 : vector<88x1xf32>
    %min3A = arith.minimumf %broadcast_in_dim3A_239, %mul3A_251 : vector<88x1xf32>
    %jit3A_252 = arith.constant 0.000000e+00 : f32
    %broadcast_in_dim3A_253 = vector.broadcast %jit3A_252 : f32 to vector<88x1xf32>
    %select_n3A_254 = arith.select %ge3A_179, %broadcast_in_dim3A_253, %min3A : vector<88x1xi1>, vector<88x1xf32>
    %eq3A_255 = arith.constant 0.000000e+00 : f32
    %eq3A_256 = vector.broadcast %eq3A_255 : f32 to vector<88x1xf32>
    %eq3A_257 = arith.cmpf oeq, %sub3A_193, %eq3A_256 : vector<88x1xf32>
    %convert_element_type3A_258 = arith.extui %eq3A_257 : vector<88x1xi1> to vector<88x1xi32>
    %convert_element_type3A_259 = arith.sitofp %convert_element_type3A_258 : vector<88x1xi32> to vector<88x1xf32>
    %jit3A_260 = arith.constant 0.000000e+00 : f32
    %broadcast_in_dim3A_261 = vector.broadcast %jit3A_260 : f32 to vector<88x1xf32>
    %select_n3A_262 = arith.select %ge3A_179, %broadcast_in_dim3A_261, %convert_element_type3A_259 : vector<88x1xi1>, vector<88x1xf32>
    %convert_element_type3A_263 = arith.fptosi %select_n3A_182 : vector<88x1xf32> to vector<88x1xi32>
    %swap3A_264 = arith.constant 0 : index
    %swap3A_265 = arith.constant 0 : index
    %swap3A_266 = vector.load %arg3[%swap3A_264, %swap3A_265] : memref<88x1xi32, #tpu.memory_space<vmem>>, vector<88x1xi32>
    tpu.vector_store %arg3[%swap3A_264, %swap3A_265], %convert_element_type3A_263 {strides = array<i32>} : memref<88x1xi32, #tpu.memory_space<vmem>>, vector<88x1xi32>,
    %convert_element_type3A_267 = arith.fptosi %select_n3A_224 : vector<88x1xf32> to vector<88x1xi32>
    %swap3A_268 = arith.constant 0 : index
    %swap3A_269 = arith.constant 0 : index
    %swap3A_270 = vector.load %arg4[%swap3A_268, %swap3A_269] : memref<88x1xi32, #tpu.memory_space<vmem>>, vector<88x1xi32>
    tpu.vector_store %arg4[%swap3A_268, %swap3A_269], %convert_element_type3A_267 {strides = array<i32>} : memref<88x1xi32, #tpu.memory_space<vmem>>, vector<88x1xi32>,
    %convert_element_type3A_271 = arith.fptosi %select_n3A_262 : vector<88x1xf32> to vector<88x1xi32>
    %swap3A_272 = arith.constant 0 : index
    %swap3A_273 = arith.constant 0 : index
    %swap3A_274 = vector.load %arg5[%swap3A_272, %swap3A_273] : memref<88x1xi32, #tpu.memory_space<vmem>>, vector<88x1xi32>
    tpu.vector_store %arg5[%swap3A_272, %swap3A_273], %convert_element_type3A_271 {strides = array<i32>} : memref<88x1xi32, #tpu.memory_space<vmem>>, vector<88x1xi32>,
    %convert_element_type3A_275 = arith.fptosi %select_n3A_245 : vector<88x1xf32> to vector<88x1xi32>
    %swap3A_276 = arith.constant 0 : index
    %swap3A_277 = arith.constant 0 : index
    %swap3A_278 = vector.load %arg6[%swap3A_276, %swap3A_277] : memref<88x1xi32, #tpu.memory_space<vmem>>, vector<88x1xi32>
    tpu.vector_store %arg6[%swap3A_276, %swap3A_277], %convert_element_type3A_275 {strides = array<i32>} : memref<88x1xi32, #tpu.memory_space<vmem>>, vector<88x1xi32>,
    %convert_element_type3A_279 = arith.fptosi %select_n3A_254 : vector<88x1xf32> to vector<88x1xi32>
    %swap3A_280 = arith.constant 0 : index
    %swap3A_281 = arith.constant 0 : index
    %swap3A_282 = vector.load %arg7[%swap3A_280, %swap3A_281] : memref<88x1xi32, #tpu.memory_space<vmem>>, vector<88x1xi32>
    tpu.vector_store %arg7[%swap3A_280, %swap3A_281], %convert_element_type3A_279 {strides = array<i32>} : memref<88x1xi32, #tpu.memory_space<vmem>>, vector<88x1xi32>,
    return
  }
}

module attributes {stable_mosaic.version = 14 : i64} {
  func.func @_gmm_body(%arg0: i32, %arg1: memref<88xi32, #tpu.memory_space<smem>>, %arg2: memref<88xi32, #tpu.memory_space<smem>>, %arg3: memref<88xi32, #tpu.memory_space<smem>>, %arg4: memref<88xi32, #tpu.memory_space<smem>>, %arg5: memref<88xi32, #tpu.memory_space<smem>>, %arg6: memref<256x1024xf32, #tpu.memory_space<vmem>>, %arg7: memref<256x128xf32, #tpu.memory_space<vmem>>, %arg8: memref<1x512x1024xf32, #tpu.memory_space<vmem>>, %arg9: memref<1x512x1024xf32, #tpu.memory_space<vmem>>, %arg10: memref<1x1024x512xf32, #tpu.memory_space<vmem>>, %arg11: memref<1x512x1024xf32, #tpu.memory_space<vmem>>, %arg12: memref<1x512x1024xf32, #tpu.memory_space<vmem>>, %arg13: memref<1x1024x512xf32, #tpu.memory_space<vmem>>, %arg14: memref<256x1024xf32, #tpu.memory_space<vmem>>) attributes {dimension_semantics = [#tpu.dimension_semantics<arbitrary>], iteration_bounds = array<i64: 88>, scalar_prefetch = 5 : i64, scratch_operands = 0 : i64, tpu.core_type = #tpu.core_type<tc>, window_params = [{transform_indices = @transform_0, window_bounds = array<i64: 256, 1024>}, {transform_indices = @transform_1, window_bounds = array<i64: 256, 128>}, {transform_indices = @transform_2, window_bounds = array<i64: 1, 512, 1024>}, {transform_indices = @transform_3, window_bounds = array<i64: 1, 512, 1024>}, {transform_indices = @transform_4, window_bounds = array<i64: 1, 1024, 512>}, {pipeline_mode = #tpu.pipeline_mode<synchronous>, transform_indices = @transform_5, window_bounds = array<i64: 1, 512, 1024>}, {pipeline_mode = #tpu.pipeline_mode<synchronous>, transform_indices = @transform_6, window_bounds = array<i64: 1, 512, 1024>}, {pipeline_mode = #tpu.pipeline_mode<synchronous>, transform_indices = @transform_7, window_bounds = array<i64: 1, 1024, 512>}, {transform_indices = @transform_8, window_bounds = array<i64: 256, 1024>}]} {
    %get3A = arith.index_cast %arg0 : i32 to index
    %get3A_0 = memref.load %arg3[%get3A] : memref<88xi32, #tpu.memory_space<smem>>
    %eq3A = arith.constant 1 : i32
    %eq3A_1 = arith.cmpi eq, %get3A_0, %eq3A : i32
    %convert_element_type3A = arith.extui %eq3A_1 : i1 to i32
    %cond3A = arith.constant 0 : i32
    %cond3A_2 = arith.cmpi ne, %convert_element_type3A, %cond3A : i32
    scf.if %cond3A_2 {
      %broadcast_in_dim3A = arith.constant 0.000000e+00 : f32
      %broadcast_in_dim3A_39 = vector.broadcast %broadcast_in_dim3A : f32 to vector<256x1024xf32>
      %swap3A = arith.constant 0 : index
      %swap3A_40 = arith.constant 0 : index
      %swap3A_41 = vector.load %arg14[%swap3A, %swap3A_40] : memref<256x1024xf32, #tpu.memory_space<vmem>>, vector<256x1024xf32>
      tpu.vector_store %arg14[%swap3A, %swap3A_40], %broadcast_in_dim3A_39 {strides = array<i32>} : memref<256x1024xf32, #tpu.memory_space<vmem>>, vector<256x1024xf32>,
    } else {
    }
    %get3A_3 = arith.constant 0 : index
    %get3A_4 = arith.constant 0 : index
    %get3A_5 = vector.load %arg6[%get3A_3, %get3A_4] : memref<256x1024xf32, #tpu.memory_space<vmem>>, vector<256x1024xf32>
    %get3A_6 = arith.index_cast %arg0 : i32 to index
    %get3A_7 = memref.load %arg1[%get3A_6] : memref<88xi32, #tpu.memory_space<smem>>
    %mul3A = arith.constant 256 : i32
    %mul3A_8 = arith.muli %get3A_7, %mul3A : i32
    %iota3A = tpu.iota {dimensions = array<i32: 0>} : vector<256x1024xi32>
    %add3A = vector.broadcast %mul3A_8 : i32 to vector<256x1024xi32>
    %add3A_9 = arith.addi %add3A, %iota3A : vector<256x1024xi32>
    %get3A_10 = arith.index_cast %arg0 : i32 to index
    %get3A_11 = memref.load %arg4[%get3A_10] : memref<88xi32, #tpu.memory_space<smem>>
    %ge3A = vector.broadcast %get3A_11 : i32 to vector<256x1024xi32>
    %ge3A_12 = arith.cmpi sge, %add3A_9, %ge3A : vector<256x1024xi32>
    %get3A_13 = arith.index_cast %arg0 : i32 to index
    %get3A_14 = memref.load %arg5[%get3A_13] : memref<88xi32, #tpu.memory_space<smem>>
    %lt3A = vector.broadcast %get3A_14 : i32 to vector<256x1024xi32>
    %lt3A_15 = arith.cmpi slt, %add3A_9, %lt3A : vector<256x1024xi32>
    %and3A = arith.andi %ge3A_12, %lt3A_15 : vector<256x1024xi1>
    %get3A_16 = arith.constant 0 : index
    %get3A_17 = arith.constant 0 : index
    %get3A_18 = vector.load %arg7[%get3A_16, %get3A_17] : memref<256x128xf32, #tpu.memory_space<vmem>>, vector<256x128xf32>
    %slice3A = vector.extract_strided_slice %get3A_18 {offsets = [0, 0], sizes = [256, 1], strides = [1, 1]} : vector<256x128xf32> to vector<256x1xf32>
    %get3A_19 = arith.index_cast %arg0 : i32 to index
    %get3A_20 = memref.load %arg5[%get3A_19] : memref<88xi32, #tpu.memory_space<smem>>
    %get3A_21 = arith.index_cast %arg0 : i32 to index
    %get3A_22 = memref.load %arg4[%get3A_21] : memref<88xi32, #tpu.memory_space<smem>>
    %gt3A = arith.cmpi sgt, %get3A_20, %get3A_22 : i32
    %get3A_23 = arith.index_cast %arg0 : i32 to index
    %get3A_24 = memref.load %arg2[%get3A_23] : memref<88xi32, #tpu.memory_space<smem>>
    %ge3A_25 = arith.constant 63 : i32
    %ge3A_26 = arith.cmpi sge, %get3A_24, %ge3A_25 : i32
    %and3A_27 = arith.andi %ge3A_26, %gt3A : i1
    %convert_element_type3A_28 = arith.extui %and3A_27 : i1 to i32
    %cond3A_29 = arith.constant 0 : i32
    %cond3A_30 = arith.cmpi ne, %convert_element_type3A_28, %cond3A_29 : i32
    scf.if %cond3A_30 {
      %get3A_39 = arith.constant 0 : index
      %get3A_40 = arith.constant 0 : index
      %get3A_41 = arith.constant 0 : index
      %get3A_42 = vector.load %arg11[%get3A_39, %get3A_40, %get3A_41] : memref<1x512x1024xf32, #tpu.memory_space<vmem>>, vector<1x512x1024xf32>
      %get3A_43 = vector.shape_cast %get3A_42 : vector<1x512x1024xf32> to vector<512x1024xf32>
      %get3A_44 = arith.constant 0 : index
      %get3A_45 = arith.constant 0 : index
      %get3A_46 = arith.constant 0 : index
      %get3A_47 = vector.load %arg12[%get3A_44, %get3A_45, %get3A_46] : memref<1x512x1024xf32, #tpu.memory_space<vmem>>, vector<1x512x1024xf32>
      %get3A_48 = vector.shape_cast %get3A_47 : vector<1x512x1024xf32> to vector<512x1024xf32>
      %get3A_49 = arith.constant 0 : index
      %get3A_50 = arith.constant 0 : index
      %get3A_51 = arith.constant 0 : index
      %get3A_52 = vector.load %arg13[%get3A_49, %get3A_50, %get3A_51] : memref<1x1024x512xf32, #tpu.memory_space<vmem>>, vector<1x1024x512xf32>
      %get3A_53 = vector.shape_cast %get3A_52 : vector<1x1024x512xf32> to vector<1024x512xf32>
      %dot_general3A = arith.constant dense<0.000000e+00> : vector<256x512xf32>
      %dot_general3A_54 = tpu.matmul %get3A_5, %get3A_43, %dot_general3A {dimension_numbers = #tpu.dot_dimension_numbers<[1], [1], [0], [0], [0, 0, 1, 0], [], []>, transpose_lhs_hint = false} : vector<256x1024xf32>, vector<512x1024xf32>, vector<256x512xf32> -> vector<256x512xf32>
      %dot_general3A_55 = arith.constant dense<0.000000e+00> : vector<256x512xf32>
      %dot_general3A_56 = tpu.matmul %get3A_5, %get3A_48, %dot_general3A_55 {dimension_numbers = #tpu.dot_dimension_numbers<[1], [1], [0], [0], [0, 0, 1, 0], [], []>, transpose_lhs_hint = false} : vector<256x1024xf32>, vector<512x1024xf32>, vector<256x512xf32> -> vector<256x512xf32>
      %logistic3A = arith.negf %dot_general3A_54 : vector<256x512xf32>
      %logistic3A_57 = math.exp %logistic3A : vector<256x512xf32>
      %logistic3A_58 = arith.constant 1.000000e+00 : f32
      %logistic3A_59 = vector.broadcast %logistic3A_58 : f32 to vector<256x512xf32>
      %logistic3A_60 = arith.addf %logistic3A_59, %logistic3A_57 : vector<256x512xf32>
      %logistic3A_61 = arith.divf %logistic3A_59, %logistic3A_60 : vector<256x512xf32>
      %mul3A_62 = arith.mulf %dot_general3A_54, %logistic3A_61 : vector<256x512xf32>
      %mul3A_63 = arith.mulf %mul3A_62, %dot_general3A_56 : vector<256x512xf32>
      %dot_general3A_64 = arith.constant dense<0.000000e+00> : vector<256x1024xf32>
      %dot_general3A_65 = tpu.matmul %mul3A_63, %get3A_53, %dot_general3A_64 {dimension_numbers = #tpu.dot_dimension_numbers<[1], [1], [0], [0], [0, 0, 1, 0], [], []>, transpose_lhs_hint = false} : vector<256x512xf32>, vector<1024x512xf32>, vector<256x1024xf32> -> vector<256x1024xf32>
      %get3A_66 = arith.constant 0 : index
      %get3A_67 = arith.constant 0 : index
      %get3A_68 = vector.load %arg14[%get3A_66, %get3A_67] : memref<256x1024xf32, #tpu.memory_space<vmem>>, vector<256x1024xf32>
      %mul3A_69 = vector.broadcast %slice3A : vector<256x1xf32> to vector<256x1024xf32>
      %mul3A_70 = arith.mulf %dot_general3A_65, %mul3A_69 : vector<256x1024xf32>
      %jit3A = arith.constant 0.000000e+00 : f32
      %broadcast_in_dim3A = vector.broadcast %jit3A : f32 to vector<256x1024xf32>
      %select_n3A = arith.select %and3A, %mul3A_70, %broadcast_in_dim3A : vector<256x1024xi1>, vector<256x1024xf32>
      %add3A_71 = arith.addf %get3A_68, %select_n3A : vector<256x1024xf32>
      %swap3A = arith.constant 0 : index
      %swap3A_72 = arith.constant 0 : index
      %swap3A_73 = vector.load %arg14[%swap3A, %swap3A_72] : memref<256x1024xf32, #tpu.memory_space<vmem>>, vector<256x1024xf32>
      tpu.vector_store %arg14[%swap3A, %swap3A_72], %add3A_71 {strides = array<i32>} : memref<256x1024xf32, #tpu.memory_space<vmem>>, vector<256x1024xf32>,
    } else {
    }
    %get3A_31 = arith.index_cast %arg0 : i32 to index
    %get3A_32 = memref.load %arg2[%get3A_31] : memref<88xi32, #tpu.memory_space<smem>>
    %lt3A_33 = arith.constant 63 : i32
    %lt3A_34 = arith.cmpi slt, %get3A_32, %lt3A_33 : i32
    %and3A_35 = arith.andi %lt3A_34, %gt3A : i1
    %convert_element_type3A_36 = arith.extui %and3A_35 : i1 to i32
    %cond3A_37 = arith.constant 0 : i32
    %cond3A_38 = arith.cmpi ne, %convert_element_type3A_36, %cond3A_37 : i32
    scf.if %cond3A_38 {
      %get3A_39 = arith.constant 0 : index
      %get3A_40 = arith.constant 0 : index
      %get3A_41 = arith.constant 0 : index
      %get3A_42 = vector.load %arg8[%get3A_39, %get3A_40, %get3A_41] : memref<1x512x1024xf32, #tpu.memory_space<vmem>>, vector<1x512x1024xf32>
      %get3A_43 = vector.shape_cast %get3A_42 : vector<1x512x1024xf32> to vector<512x1024xf32>
      %get3A_44 = arith.constant 0 : index
      %get3A_45 = arith.constant 0 : index
      %get3A_46 = arith.constant 0 : index
      %get3A_47 = vector.load %arg9[%get3A_44, %get3A_45, %get3A_46] : memref<1x512x1024xf32, #tpu.memory_space<vmem>>, vector<1x512x1024xf32>
      %get3A_48 = vector.shape_cast %get3A_47 : vector<1x512x1024xf32> to vector<512x1024xf32>
      %get3A_49 = arith.constant 0 : index
      %get3A_50 = arith.constant 0 : index
      %get3A_51 = arith.constant 0 : index
      %get3A_52 = vector.load %arg10[%get3A_49, %get3A_50, %get3A_51] : memref<1x1024x512xf32, #tpu.memory_space<vmem>>, vector<1x1024x512xf32>
      %get3A_53 = vector.shape_cast %get3A_52 : vector<1x1024x512xf32> to vector<1024x512xf32>
      %dot_general3A = arith.constant dense<0.000000e+00> : vector<256x512xf32>
      %dot_general3A_54 = tpu.matmul %get3A_5, %get3A_43, %dot_general3A {dimension_numbers = #tpu.dot_dimension_numbers<[1], [1], [0], [0], [0, 0, 1, 0], [], []>, transpose_lhs_hint = false} : vector<256x1024xf32>, vector<512x1024xf32>, vector<256x512xf32> -> vector<256x512xf32>
      %dot_general3A_55 = arith.constant dense<0.000000e+00> : vector<256x512xf32>
      %dot_general3A_56 = tpu.matmul %get3A_5, %get3A_48, %dot_general3A_55 {dimension_numbers = #tpu.dot_dimension_numbers<[1], [1], [0], [0], [0, 0, 1, 0], [], []>, transpose_lhs_hint = false} : vector<256x1024xf32>, vector<512x1024xf32>, vector<256x512xf32> -> vector<256x512xf32>
      %logistic3A = arith.negf %dot_general3A_54 : vector<256x512xf32>
      %logistic3A_57 = math.exp %logistic3A : vector<256x512xf32>
      %logistic3A_58 = arith.constant 1.000000e+00 : f32
      %logistic3A_59 = vector.broadcast %logistic3A_58 : f32 to vector<256x512xf32>
      %logistic3A_60 = arith.addf %logistic3A_59, %logistic3A_57 : vector<256x512xf32>
      %logistic3A_61 = arith.divf %logistic3A_59, %logistic3A_60 : vector<256x512xf32>
      %mul3A_62 = arith.mulf %dot_general3A_54, %logistic3A_61 : vector<256x512xf32>
      %mul3A_63 = arith.mulf %mul3A_62, %dot_general3A_56 : vector<256x512xf32>
      %dot_general3A_64 = arith.constant dense<0.000000e+00> : vector<256x1024xf32>
      %dot_general3A_65 = tpu.matmul %mul3A_63, %get3A_53, %dot_general3A_64 {dimension_numbers = #tpu.dot_dimension_numbers<[1], [1], [0], [0], [0, 0, 1, 0], [], []>, transpose_lhs_hint = false} : vector<256x512xf32>, vector<1024x512xf32>, vector<256x1024xf32> -> vector<256x1024xf32>
      %get3A_66 = arith.constant 0 : index
      %get3A_67 = arith.constant 0 : index
      %get3A_68 = vector.load %arg14[%get3A_66, %get3A_67] : memref<256x1024xf32, #tpu.memory_space<vmem>>, vector<256x1024xf32>
      %mul3A_69 = vector.broadcast %slice3A : vector<256x1xf32> to vector<256x1024xf32>
      %mul3A_70 = arith.mulf %dot_general3A_65, %mul3A_69 : vector<256x1024xf32>
      %jit3A = arith.constant 0.000000e+00 : f32
      %broadcast_in_dim3A = vector.broadcast %jit3A : f32 to vector<256x1024xf32>
      %select_n3A = arith.select %and3A, %mul3A_70, %broadcast_in_dim3A : vector<256x1024xi1>, vector<256x1024xf32>
      %add3A_71 = arith.addf %get3A_68, %select_n3A : vector<256x1024xf32>
      %swap3A = arith.constant 0 : index
      %swap3A_72 = arith.constant 0 : index
      %swap3A_73 = vector.load %arg14[%swap3A, %swap3A_72] : memref<256x1024xf32, #tpu.memory_space<vmem>>, vector<256x1024xf32>
      tpu.vector_store %arg14[%swap3A, %swap3A_72], %add3A_71 {strides = array<i32>} : memref<256x1024xf32, #tpu.memory_space<vmem>>, vector<256x1024xf32>,
    } else {
    }
    return
  }
  func.func @transform_0(%arg0: i32, %arg1: memref<88xi32, #tpu.memory_space<smem>>, %arg2: memref<88xi32, #tpu.memory_space<smem>>, %arg3: memref<88xi32, #tpu.memory_space<smem>>, %arg4: memref<88xi32, #tpu.memory_space<smem>>, %arg5: memref<88xi32, #tpu.memory_space<smem>>) -> (i32, i32) {
    %get3A = arith.index_cast %arg0 : i32 to index
    %get3A_0 = memref.load %arg1[%get3A] : memref<88xi32, #tpu.memory_space<smem>>
    %c0_i32 = arith.constant 0 : i32
    %c0_i32_1 = arith.constant 0 : i32
    return %get3A_0, %c0_i32 : i32, i32
  }
  func.func @transform_1(%arg0: i32, %arg1: memref<88xi32, #tpu.memory_space<smem>>, %arg2: memref<88xi32, #tpu.memory_space<smem>>, %arg3: memref<88xi32, #tpu.memory_space<smem>>, %arg4: memref<88xi32, #tpu.memory_space<smem>>, %arg5: memref<88xi32, #tpu.memory_space<smem>>) -> (i32, i32) {
    %get3A = arith.index_cast %arg0 : i32 to index
    %get3A_0 = memref.load %arg1[%get3A] : memref<88xi32, #tpu.memory_space<smem>>
    %c0_i32 = arith.constant 0 : i32
    %c0_i32_1 = arith.constant 0 : i32
    return %get3A_0, %c0_i32 : i32, i32
  }
  func.func @transform_2(%arg0: i32, %arg1: memref<88xi32, #tpu.memory_space<smem>>, %arg2: memref<88xi32, #tpu.memory_space<smem>>, %arg3: memref<88xi32, #tpu.memory_space<smem>>, %arg4: memref<88xi32, #tpu.memory_space<smem>>, %arg5: memref<88xi32, #tpu.memory_space<smem>>) -> (i32, i32, i32) {
    %get3A = arith.index_cast %arg0 : i32 to index
    %get3A_0 = memref.load %arg2[%get3A] : memref<88xi32, #tpu.memory_space<smem>>
    %min3A = arith.constant 62 : i32
    %min3A_1 = arith.minsi %get3A_0, %min3A : i32
    %c0_i32 = arith.constant 0 : i32
    %c0_i32_2 = arith.constant 0 : i32
    %c0_i32_3 = arith.constant 0 : i32
    return %min3A_1, %c0_i32, %c0_i32_2 : i32, i32, i32
  }
  func.func @transform_3(%arg0: i32, %arg1: memref<88xi32, #tpu.memory_space<smem>>, %arg2: memref<88xi32, #tpu.memory_space<smem>>, %arg3: memref<88xi32, #tpu.memory_space<smem>>, %arg4: memref<88xi32, #tpu.memory_space<smem>>, %arg5: memref<88xi32, #tpu.memory_space<smem>>) -> (i32, i32, i32) {
    %get3A = arith.index_cast %arg0 : i32 to index
    %get3A_0 = memref.load %arg2[%get3A] : memref<88xi32, #tpu.memory_space<smem>>
    %min3A = arith.constant 62 : i32
    %min3A_1 = arith.minsi %get3A_0, %min3A : i32
    %c0_i32 = arith.constant 0 : i32
    %c0_i32_2 = arith.constant 0 : i32
    %c0_i32_3 = arith.constant 0 : i32
    return %min3A_1, %c0_i32, %c0_i32_2 : i32, i32, i32
  }
  func.func @transform_4(%arg0: i32, %arg1: memref<88xi32, #tpu.memory_space<smem>>, %arg2: memref<88xi32, #tpu.memory_space<smem>>, %arg3: memref<88xi32, #tpu.memory_space<smem>>, %arg4: memref<88xi32, #tpu.memory_space<smem>>, %arg5: memref<88xi32, #tpu.memory_space<smem>>) -> (i32, i32, i32) {
    %get3A = arith.index_cast %arg0 : i32 to index
    %get3A_0 = memref.load %arg2[%get3A] : memref<88xi32, #tpu.memory_space<smem>>
    %min3A = arith.constant 62 : i32
    %min3A_1 = arith.minsi %get3A_0, %min3A : i32
    %c0_i32 = arith.constant 0 : i32
    %c0_i32_2 = arith.constant 0 : i32
    %c0_i32_3 = arith.constant 0 : i32
    return %min3A_1, %c0_i32, %c0_i32_2 : i32, i32, i32
  }
  func.func @transform_5(%arg0: i32, %arg1: memref<88xi32, #tpu.memory_space<smem>>, %arg2: memref<88xi32, #tpu.memory_space<smem>>, %arg3: memref<88xi32, #tpu.memory_space<smem>>, %arg4: memref<88xi32, #tpu.memory_space<smem>>, %arg5: memref<88xi32, #tpu.memory_space<smem>>) -> (i32, i32, i32) {
    %c0_i32 = arith.constant 0 : i32
    %c0_i32_0 = arith.constant 0 : i32
    %c0_i32_1 = arith.constant 0 : i32
    %c0_i32_2 = arith.constant 0 : i32
    return %c0_i32, %c0_i32_0, %c0_i32_1 : i32, i32, i32
  }
  func.func @transform_6(%arg0: i32, %arg1: memref<88xi32, #tpu.memory_space<smem>>, %arg2: memref<88xi32, #tpu.memory_space<smem>>, %arg3: memref<88xi32, #tpu.memory_space<smem>>, %arg4: memref<88xi32, #tpu.memory_space<smem>>, %arg5: memref<88xi32, #tpu.memory_space<smem>>) -> (i32, i32, i32) {
    %c0_i32 = arith.constant 0 : i32
    %c0_i32_0 = arith.constant 0 : i32
    %c0_i32_1 = arith.constant 0 : i32
    %c0_i32_2 = arith.constant 0 : i32
    return %c0_i32, %c0_i32_0, %c0_i32_1 : i32, i32, i32
  }
  func.func @transform_7(%arg0: i32, %arg1: memref<88xi32, #tpu.memory_space<smem>>, %arg2: memref<88xi32, #tpu.memory_space<smem>>, %arg3: memref<88xi32, #tpu.memory_space<smem>>, %arg4: memref<88xi32, #tpu.memory_space<smem>>, %arg5: memref<88xi32, #tpu.memory_space<smem>>) -> (i32, i32, i32) {
    %c0_i32 = arith.constant 0 : i32
    %c0_i32_0 = arith.constant 0 : i32
    %c0_i32_1 = arith.constant 0 : i32
    %c0_i32_2 = arith.constant 0 : i32
    return %c0_i32, %c0_i32_0, %c0_i32_1 : i32, i32, i32
  }
  func.func @transform_8(%arg0: i32, %arg1: memref<88xi32, #tpu.memory_space<smem>>, %arg2: memref<88xi32, #tpu.memory_space<smem>>, %arg3: memref<88xi32, #tpu.memory_space<smem>>, %arg4: memref<88xi32, #tpu.memory_space<smem>>, %arg5: memref<88xi32, #tpu.memory_space<smem>>) -> (i32, i32) {
    %get3A = arith.index_cast %arg0 : i32 to index
    %get3A_0 = memref.load %arg1[%get3A] : memref<88xi32, #tpu.memory_space<smem>>
    %c0_i32 = arith.constant 0 : i32
    %c0_i32_1 = arith.constant 0 : i32
    return %get3A_0, %c0_i32 : i32, i32
  }
}

</mosaic_0001>

<sc_bundles>
// kernel: kernel.6.cloned.1.call-start
scs
__scs_entry_jumppad:
0x0: {  	(pc) =	sbr.rel $0x88, $3  }
0x1: {  	(tag) =	ssettag $0x0;
	lr =	simm.s32 $0x1  }
0x2: {  	[smem:$0x3F97] =	sst lr;
	_ =	strace $0xD0000000  }
0x3: {  	_ = 	snop  }
0x4: {  	_ = 	snop  }
0x5: {  	_ = 	snop  }
0x6: {  	_ = 	snop  }
0x7: {  	_ = 	snop  }
__scs_overlays_trampoline_lowered:
0x8: {  	[smem:$0x3FA6] =	sst s0  }
0x9: {  	[smem:$0x3FA7] =	sst s1  }
0xa: {  	[smem:$0x3FA8] =	sst s2  }
0xb: {  	[smem:$0x3FA9] =	sst s3  }
0xc: {  	[smem:$0x3FAA] =	sst s4  }
0xd: {  	[smem:$0x3FAB] =	sst s5  }
0xe: {  	[smem:$0x3FAC] =	sst s6  }
0xf: {  	[smem:$0x3FAD] =	sst s7  }
0x10: {  	[smem:$0x3FAE] =	sst s8  }
0x11: {  	[smem:$0x3FAF] =	sst s9;
	s0 =	simm.s32 @!p0 $0x0  }
0x12: {  	s1 =	sld [smem:$0x3F95];
	s0 =	simm.s32 @p0 $0x1  }
0x13: {  	[smem:$0x3FB0] =	sst s0;
	s0 =	simm.s32 @!p1 $0x0  }
0x14: {  	s2 =	sld [smem:$0x3F94];
	s0 =	simm.s32 @p1 $0x1  }
0x15: {  	[smem:$0x3FB1] =	sst s0;
	s0 =	simm.s32 @!p2 $0x0  }
0x16: {  	s3 =	sld [smem:$0x3FDB];
	s0 =	simm.s32 @p2 $0x1  }
0x17: {  	s4 =	simm.s32 $0x1BF5;
	[smem:$0x3FB3] =	sst s0  }
0x18: {  	s0 =	sld [smem:$0x3F96];
	_ =	swait.ge [sflag:s4], $0x0  }
0x19: {  	s7 =	sld [smem:$0x3F97]  }
0x1a: {  	s8 =	sadd.s32 $0xFFFFE003, lr  }
0x1b: {  	s9 =	sadd.s32 $0xFFFFFEF7, lr;
	s5 =	simm.s32 $0xFFFFFFFF;
	p2 =	slt.u32 s8, $0xFFFFF086  }
0x1c: {  	p1 =	slt.u32 s9, $0xF7A;
	s5 =	simm.s32 @!p2 $0x0  }
0x1d: {  	s5 =	simm.s32 @p1 $0x1;
	p0 =	seq.s32 s7, s2  }
0x1e: {  	s7 =	smul.u32 @!p0 $0xF7A, s2;
	p2 =	seq.s32 @!p0 s5, $0x0  }
0x1f: {  	s9 =	smul.u32 $0xF7A, s1;
	s8 =	simm.s32 @!p0 $0x1BF5;
	p2 =	por !p2, p0  }
0x20: {  	[sflag:s8] =	ssyncset.s32 @!p0 $0xFFFFF086;
	s6 =	sadd.s32 @!p0 s3, s7;
	s7 =	simm.s32 @!p0 $0x108  }
0x21: {  	s3 =	sadd.s32 s3, s9;
	s6 =	sadd.s32 @!p0 $0x88, s6;
	s7 =	simm.s32 @p2 $0x1082  }
0x22: {  	[simem:s7], [sflag:s8] =	dma.local @!p0 [hbm:s6], $0xF7A  }
0x23: {  	s9 =	sor.u32 $0xD0000000, s2;
	s6 =	simm.s32 $0x108;
	_ =	swait.ge @!p0 [sflag:s8], $0x0  }
0x24: {  	s3 =	sadd.s32 $0x88, s3;
	s6 =	simm.s32 @!p1 $0x1082;
	[sflag:s4] =	ssyncset.s32 $0xFFFFF086  }
0x25: {  	[simem:s6], [sflag:s4] =	dma.local [hbm:s3], $0xF7A  }
0x26: {  	[smem:$0x3F97] =	sst s1;
	(tag) =	ssettag s2;
	_ =	strace s9  }
0x27: {  	s1 =	sld [smem:$0x3FA7]  }
0x28: {  	s2 =	sld [smem:$0x3FA8]  }
0x29: {  	s4 =	sld [smem:$0x3FAA]  }
0x2a: {  	p0 =	seq.s32 s5, $0x0;
	s5 =	sld [smem:$0x3FAB]  }
0x2b: {  	s6 =	sld [smem:$0x3FAC]  }
0x2c: {  	s7 =	sld [smem:$0x3FAD]  }
0x2d: {  	s3 =	simm.s32 $0x108;
	s8 =	sld [smem:$0x3FAE]  }
0x2e: {  	s3 =	simm.s32 @!p0 $0x1082;
	s9 =	sld [smem:$0x3FAF]  }
0x2f: {  	lr =	sadd.s32 s0, s3;
	s0 =	sld [smem:$0x3FA6]  }
0x30: {  	s3 =	sld [smem:$0x3FA9]  }
0x31: {  	[smem:$0x3FB2] =	sst s10  }
0x32: {  	s10 =	sld [smem:$0x3FB0];
	_ =	sdelay $0x3  }
0x33: {  	p0 =	seq.s32 s10, $0x1;
	s10 =	sld [smem:$0x3FB2];
	_ =	sdelay $0x3  }
0x34: {  	[smem:$0x3FB2] =	sst s10  }
0x35: {  	s10 =	sld [smem:$0x3FB1];
	_ =	sdelay $0x3  }
0x36: {  	p1 =	seq.s32 s10, $0x1;
	s10 =	sld [smem:$0x3FB2];
	_ =	sdelay $0x3  }
0x37: {  	[smem:$0x3FB2] =	sst s10  }
0x38: {  	s10 =	sld [smem:$0x3FB3]  }
0x39: {  	_ = 	snop;
	(pc) =	sbr.ind lr, $3  }
0x3a: {  	_ = 	snop  }
0x3b: {  	_ = 	snop  }
0x3c: {  	p2 =	seq.s32 s10, $0x1;
	s10 =	sld [smem:$0x3FB2]  }
0x3d: {  	_ =	shalt  }
0x3e: {  	_ =	shalt  }
0x3f: {  	_ =	shalt  }
0x40: {  	_ =	shalt  }
0x41: {  	_ =	shalt  }
0x42: {  	_ =	shalt  }
0x43: {  	_ =	shalt  }
0x44: {  	_ =	shalt  }
0x45: {  	_ =	shalt  }
0x46: {  	_ =	shalt  }
0x47: {  	_ =	shalt  }
0x48: {  	_ =	shalt  }
0x49: {  	_ =	shalt  }
0x4a: {  	_ =	shalt  }
0x4b: {  	_ =	shalt  }
0x4c: {  	_ =	shalt  }
0x4d: {  	_ =	shalt  }
0x4e: {  	_ =	shalt  }
0x4f: {  	_ =	shalt  }
0x50: {  	_ =	shalt  }
0x51: {  	_ =	shalt  }
0x52: {  	_ =	shalt  }
0x53: {  	_ =	shalt  }
0x54: {  	_ =	shalt  }
0x55: {  	_ =	shalt  }
0x56: {  	_ =	shalt  }
0x57: {  	_ =	shalt  }
0x58: {  	_ =	shalt  }
0x59: {  	_ =	shalt  }
0x5a: {  	_ =	shalt  }
0x5b: {  	_ =	shalt  }
0x5c: {  	_ =	shalt  }
0x5d: {  	_ =	shalt  }
0x5e: {  	_ =	shalt  }
0x5f: {  	_ =	shalt  }
0x60: {  	_ =	shalt  }
0x61: {  	_ =	shalt  }
0x62: {  	_ =	shalt  }
0x63: {  	_ =	shalt  }
0x64: {  	_ =	shalt  }
0x65: {  	_ =	shalt  }
0x66: {  	_ =	shalt  }
0x67: {  	_ =	shalt  }
0x68: {  	_ =	shalt  }
0x69: {  	_ =	shalt  }
0x6a: {  	_ =	shalt  }
0x6b: {  	_ =	shalt  }
0x6c: {  	_ =	shalt  }
0x6d: {  	_ =	shalt  }
0x6e: {  	_ =	shalt  }
0x6f: {  	_ =	shalt  }
0x70: {  	_ =	shalt  }
0x71: {  	_ =	shalt  }
0x72: {  	_ =	shalt  }
0x73: {  	_ =	shalt  }
0x74: {  	_ =	shalt  }
0x75: {  	_ =	shalt  }
0x76: {  	_ =	shalt  }
0x77: {  	_ =	shalt  }
0x78: {  	_ =	shalt  }
0x79: {  	_ =	shalt  }
0x7a: {  	_ =	shalt  }
0x7b: {  	_ =	shalt  }
0x7c: {  	_ =	shalt  }
0x7d: {  	_ =	shalt  }
0x7e: {  	_ =	shalt  }
0x7f: {  	_ =	shalt  }
0x80: {  	_ =	shalt  }
0x81: {  	_ =	shalt  }
0x82: {  	_ =	shalt  }
0x83: {  	_ =	shalt  }
0x84: {  	_ =	shalt  }
0x85: {  	_ =	shalt  }
0x86: {  	_ =	shalt  }
0x87: {  	_ =	shalt  }
.Lfunc_end0:
.L_simem_size_0:
called_computation_lowered:
.L_overlay_start_0:
0x88: {  	s2 =	sld [smem:$0x3FD9]  }
0x89: {  	s3 =	sld [smem:$0x3FFE];
	_ =	sdelay $0x1  }
0x8a: {  	s1 =	srdreg.scid  }
0x8b: {  	s0 =	sand.u32 $0x1, s1  }
0x8c: {  	s17 =	sshll.u32 s0, $0xA;
	s2 =	sadd.s32 s3, s2  }
0x8d: {  	s2 =	sadd.s32 s2, s17  }
0x8e: {  	[smem:$0x3FBE] =	sst s2  }
0x8f: {  	_ = 	snop  }
0x90: {  	s2 =	sld [smem:$0x3FC9]  }
0x91: {  	s18 =	sld [smem:$0x3FD0];
	(tm) =	ssettm $0x1  }
0x92: {  	s4 =	sld [smem:$0x3FFB];
	_ =	sdelay $0x3  }
0x93: {  	_ =	strace s4  }
0x94: {  	s4 =	sld [smem:$0x3FFC];
	_ =	sdelay $0x3  }
0x95: {  	_ =	strace s4  }
0x96: {  	s4 =	sld [smem:$0x3FFD];
	_ =	sdelay $0x3  }
0x97: {  	_ =	strace s4  }
0x98: {  	_ =	strace $0x8FFFFFFF  }
0x99: {  	s19 =	sld [smem:$0x3FDB];
	_ =	sdelay $0x1  }
0x9a: {  	s5 =	simm.s32 $_scs_section_size  }
0x9b: {  	s6 =	simm.s32 $_size__tile_overlayer_lowered;
	s7 =	simm.s32 $_tile_overlayer_lowered  }
0x9c: {  	s22 =	simm.s32 $0x1BFF;
	s21 =	sshll.u32 s7, $0x1;
	s4 =	sadd.s32 s5, s19  }
0x9d: {  	s8 =	simm.s32 $0x0;
	s20 =	sshll.u32 s6, $0x1;
	s6 =	sadd.s32 s21, s4  }
0x9e: {  	[timem:s8], [sflag:s22] =	dma.local [hbm:s6], s20  }
0x9f: {  	_ =	swait.ge [sflag:s22], s20  }
0xa0: {  	s5 =	ssub.s32 $0x0, s20;
	[sflag:s22] =	ssyncset.done $0x0  }
0xa1: {  	[sflag:s22] =	ssyncadd.s32 s5;
	_ =	sdelay $0x1  }
0xa2: {  	s23 =	simm.s32 $0x1B8B  }
0xa3: {  	_ =	swait.ge [sflag:s23], $0x1  }
0xa4: {  	[sflag:s23] =	ssyncset.done $0x0  }
0xa5: {  	s25 =	simm.s32 $0x1B8E;
	s24 =	sld [smem:$0x3FFE];
	[sflag:s23] =	ssyncadd.s32 $0xFFFFFFFF  }
0xa6: {  	s26 =	simm.s32 $execute0_lowered;
	[smem:$0x3FD2] =	sst s25  }
0xa7: {  	s6 =	sshll.u32 s26, $0x1;
	_ =	strace $0x80000046;
	[dreg:$0x1] =	wrdreg $0xFFFFFFFF  }
0xa8: {  	s28 =	simm.s32 $_size_execute0_lowered;
	s4 =	sadd.s32 s4, s6;
	[dreg:$0x0] =	wrdreg $0x0  }
0xa9: {  	s6 =	sshll.u32 s28, $0x1;
	[dreg:$0x2] =	wrdreg s4  }
0xaa: {  	[dreg:$0x3] =	wrdreg s6  }
0xab: {  	[dreg:$0x4] =	wrdreg $0xC0  }
0xac: {  	_ =	task [dreg:s8], $0x5FFFF  }
0xad: {  	[dreg:$0x1] =	wrdreg $0xFFFFFFFF  }
0xae: {  	[dreg:$0x0] =	wrdreg $0x60  }
0xaf: {  	[dreg:$0x2] =	wrdreg s2  }
0xb0: {  	[dreg:$0x3] =	wrdreg s24  }
0xb1: {  	[dreg:$0x4] =	wrdreg s18  }
0xb2: {  	[dreg:$0x5] =	wrdreg $0x9  }
0xb3: {  	_ =	task.clear_ibuf [dreg:s8], $0x6FFFF;
	_ =	strace $0x90000046  }
0xb4: {  	s29 =	simm.s32 $0x9;
	_ =	strace $0x80000048  }
0xb5: {  	_ =	swait.ge [sflag:s29], $0x1  }
0xb6: {  	[sflag:s29] =	ssyncadd.s32 $0xFFFFFFFF  }
0xb7: {  	_ =	strace $0x90000048  }
0xb8: {  	_ =	sfence  }
0xb9: {  	s30 =	sld [smem:$0x0];
	_ =	sdelay $0x2  }
0xba: {  	s31 =	sshll.u32 s1, $0xD;
	s1 =	sshrl.u32 s1, $0x2  }
0xbb: {  	s3 =	sand.u32 $0x4000, s31;
	s1 =	sadd.s32 s1, s30  }
0xbc: {  	s0 =	sor.u32 s3, s0;
	s1 =	sshll.u32 s1, $0x11  }
0xbd: {  	s0 =	sor.u32 s1, s0  }
0xbe: {  	s0 =	sadd.s32 $0x8F2B, s0  }
0xbf: {  	[sflag:s0] =	ssyncadd.remote.s32 $0x1  }
0xc0: {  	_ =	sfence.sel $0xFFFF  }
0xc1: {  	[dreg:$0x0] =	wrdreg $0xFFFFFFFF;
	(pc) =	sbr.abs _section_cstart, $3  }
0xc2: {  	[dreg:$0x1] =	wrdreg $0xFFFFFFFF  }
0xc3: {  	_ =	task.clear_ibuf [dreg:s8], $0x2FFFF;
	_ =	strace $0x9FFFFFFF  }
0xc4: {  	(tm) =	ssettm $0x7FFFFFFF  }
0xc5: {  	_ =	shalt  }
tec
execute0_lowered:
.L_overlay_start_1:
0x0: {  	(tag) =	ssettag $0x1  }
0x1: {  	s0 =	rddreg [dreg:$0x0]  }
0x2: {  	s1 =	rddreg [dreg:$0x1]  }
0x3: {  	s2 =	rddreg [dreg:$0x2];
	s3 =	simm.s32 $0x0;
	s4 =	srdreg.scid  }
0x4: {  	s5 =	stileid.u32;
	s28 =	simm.s32 $0x180;
	s30 =	simm.s32 $0x3180  }
0x5: {  	s29 =	simm.s32 $0x2;
	[smem:$0x7FF] =	sst s3;
	s4 =	sand.u32 $0x1, s4  }
0x6: {  	s5 =	sshll.u32 s5, $0x1;
	s7 =	sadd.s32 $0x10000, s1;
	_ =	strace $0x80000047  }
0x7: {  	s6 =	ssub.s32 $0x2, s4;
	s5 =	sor.u32 s4, s5;
	s4 =	sadd.s32 $0x10200, s1  }
0x8: {  	s8 =	sshrl.u32 s6, $0x1;
	s9 =	sshll.u32 s5, $0x7;
	s10 =	sshll.u32 s5, $0x6  }
0x9: {  	s11 =	sshll.u32 s5, $0x4;
	s13 =	sshll.u32 s5, $0xE;
	s6 =	ssub.s32 s6, s8  }
0xa: {  	s26 =	sor.u32 $0x30, s9;
	s9 =	sor.u32 $0x60, s9;
	s11 =	sadd.s32 s7, s11  }
0xb: {  	s19 =	sor.u32 $0x1000, s10;
	s23 =	sor.u32 $0x1030, s10;
	s8 =	simm.s32 $0x6980  }
0xc: {  	s10 =	simm.s32 $0x7980;
	[dreg:$0x4] =	wrdreg s11;
	s31 =	sshrl.u32 s26, $0x3  }
0xd: {  	s12 =	sshrl.u32 s9, $0x3;
	s14 =	sshll.u32 s9, $0x4;
	s16 =	sshll.u32 s26, $0x7  }
0xe: {  	s18 =	sshll.u32 s9, $0x7;
	s21 =	sshll.u32 s19, $0x7;
	s24 =	sshll.u32 s23, $0x7  }
0xf: {  	s25 =	sshll.u32 s19, $0x4;
	s9 =	simm.s32 $0x7180;
	s19 =	simm.s32 $0xA180  }
0x10: {  	s11 =	sadd.s32 s7, s31;
	s7 =	sadd.s32 s7, s12;
	s12 =	sshll.u32 s26, $0x4  }
0x11: {  	s26 =	sadd.s32 s2, s25;
	s31 =	smax.u32 s6, $0x1;
	[dreg:$0x5] =	wrdreg s11  }
0x12: {  	s6 =	simm.s32 $0x5980;
	s25 =	simm.s32 $0xA980;
	[dreg:$0x6] =	wrdreg s7  }
0x13: {  	s11 =	sshll.u32 s5, $0xB;
	s5 =	sshll.u32 s5, $0xD;
	[dreg:$0x11] =	wrdreg s26  }
0x14: {  	[dreg:$0x13] =	wrdreg s31;
	s26 =	simm.s32 $0xB980;
	s7 =	sadd.s32 s1, s11  }
0x15: {  	s11 =	sand.u32 $0x3C000, s13;
	s13 =	sadd.s32 $0x10400, s1;
	s20 =	sadd.s32 s0, s5  }
0x16: {  	[dreg:$0x7] =	wrdreg s7;
	s7 =	sadd.s32 s1, s12;
	s15 =	sadd.s32 s0, s11  }
0x17: {  	s12 =	sadd.s32 $0x10300, s1;
	[dreg:$0xd] =	wrdreg s20;
	s22 =	sadd.s32 $0x1800, s20  }
0x18: {  	s11 =	simm.s32 $0x8180;
	s20 =	simm.s32 $0xB180;
	[dreg:$0x8] =	wrdreg s7  }
0x19: {  	s7 =	sadd.s32 s1, s14;
	[dreg:$0xa] =	wrdreg s15;
	s14 =	sadd.s32 $0x10500, s1  }
0x1a: {  	s1 =	sand.u32 $0x3F000, s18;
	[dreg:$0xf] =	wrdreg s22;
	s15 =	simm.s32 $0x8980  }
0x1b: {  	s18 =	simm.s32 $0x9980;
	s22 =	simm.s32 $0x1;
	[dreg:$0x9] =	wrdreg s7  }
0x1c: {  	s7 =	sand.u32 $0x3D800, s16;
	s1 =	sadd.s32 s0, s1;
	s16 =	simm.s32 $0x9180  }
0x1d: {  	s17 =	sadd.s32 s0, s7;
	[dreg:$0xc] =	wrdreg s1;
	s0 =	sadd.s32 s4, s21  }
0x1e: {  	s1 =	sadd.s32 s4, s24;
	s24 =	simm.s32 $0x3;
	[dreg:$0xb] =	wrdreg s17  }
0x1f: {  	v2 =	vlaneseq.u32;
	s7 =	simm.s32 $0x6180;
	[dreg:$0xe] =	wrdreg s0;
	s0 =	sshll.u32 s23, $0x4  }
0x20: {  	vm0 =	vmmov $0xffff;
	v3 =	vimm.f32 $1.000000000e+00;
	v1 =	vshrl.u32 v2, $0x3;
	s21 =	simm.s32 $0x10180;
	[dreg:$0x10] =	wrdreg s1;
	s0 =	sadd.s32 s2, s0  }
0x21: {  	v0 =	vand.u32 $0x7, v2;
	v2 =	vor.u32 $0x8, v2;
	v1 =	vmul.u32 $0x8, v1;
	s1 =	simm.s32 $0x4180;
	s23 =	simm.s32 $0x0;
	[dreg:$0x12] =	wrdreg s0  }
.LBB2_1:
0x22: {  	s17 =	rddreg [dreg:$0x4]  }
0x23: {  	[tilespmem:s3], [sflag:$0x3] =	stream.linear.gather [hbm4b:s17+s3], $0x30, $0x38;
	[tilespmem:$0x1C180] =	vst v63  }
0x24: {  	_ =	swait.ge [sflag:s24], $0x30  }
0x25: {  	[sflag:s24] =	ssyncset.done $0x0  }
0x26: {  	s31 =	simm.s32 $0x80;
	s0 =	rddreg [dreg:$0x5];
	[sflag:s24] =	ssyncadd.s32 $0xFFFFFFD0  }
0x27: {  	[tilespmem:s31], [sflag:$0x3] =	stream.linear.gather [hbm4b:s0+s3], $0x30, $0x38;
	[tilespmem:$0x1C180] =	vst v63  }
0x28: {  	_ =	swait.ge [sflag:s24], $0x30  }
0x29: {  	[sflag:s24] =	ssyncset.done $0x0  }
0x2a: {  	s0 =	simm.s32 $0x100;
	s5 =	rddreg [dreg:$0x6];
	[sflag:s24] =	ssyncadd.s32 $0xFFFFFFD0  }
0x2b: {  	[tilespmem:s0], [sflag:$0x3] =	stream.linear.gather [hbm4b:s5+s3], $0x20, $0x38;
	[tilespmem:$0x1C180] =	vst v63  }
0x2c: {  	_ =	swait.ge [sflag:s24], $0x20  }
0x2d: {  	[sflag:s24] =	ssyncset.done $0x0  }
0x2e: {  	s5 =	rddreg [dreg:$0x7];
	[sflag:s24] =	ssyncadd.s32 $0xFFFFFFE0  }
0x2f: {  	[tilespmem:s28], [sflag:$0x3] =	stream.linear.gather [hbm4b:s5+s3], $0x1800, $0x38;
	[tilespmem:$0x1C180] =	vst v63  }
0x30: {  	_ =	swait.ge [sflag:s24], $0x1800  }
0x31: {  	[sflag:s24] =	ssyncset.done $0x0  }
0x32: {  	s5 =	simm.s32 $0x1980;
	s17 =	rddreg [dreg:$0x8];
	[sflag:s24] =	ssyncadd.s32 $0xFFFFE800  }
0x33: {  	[tilespmem:s5], [sflag:$0x3] =	stream.linear.gather [hbm4b:s17+s3], $0x1800, $0x38;
	[tilespmem:$0x1C180] =	vst v63  }
0x34: {  	_ =	swait.ge [sflag:s24], $0x1800  }
0x35: {  	[sflag:s24] =	ssyncset.done $0x0  }
0x36: {  	s17 =	rddreg [dreg:$0x9];
	[sflag:s24] =	ssyncadd.s32 $0xFFFFE800  }
0x37: {  	[tilespmem:s30], [sflag:$0x3] =	stream.linear.gather [hbm4b:s17+s3], $0x1000, $0x38;
	[tilespmem:$0x1C180] =	vst v63  }
0x38: {  	_ =	swait.ge [sflag:s24], $0x1000  }
0x39: {  	[sflag:s24] =	ssyncset.done $0x0  }
0x3a: {  	s17 =	simm.s32 $0x30;
	[sflag:s24] =	ssyncadd.s32 $0xFFFFF000  }
0x3b: {  	[hbm4b:s2+s17] =	stream.indirect.scatter [tilespmem:s28], [sflag:$0x2], $0x80, s3, s17, $0xb8;
	[tilespmem:$0x1C180] =	vst v63  }
0x3c: {  	_ = 	snop  }
0x3d: {  	[hbm4b:s2+s17] =	stream.indirect.scatter [tilespmem:s5], [sflag:$0x2], $0x80, s31, s17, $0xb8;
	[tilespmem:$0x1C180] =	vst v63  }
0x3e: {  	s17 =	simm.s32 $0x20  }
0x3f: {  	[hbm4b:s2+s17] =	stream.indirect.scatter [tilespmem:s30], [sflag:$0x2], $0x80, s0, s17, $0xb8;
	[tilespmem:$0x1C180] =	vst v63  }
0x40: {  	s5 =	rddreg [dreg:$0xa]  }
0x41: {  	[tilespmem:s1], [sflag:$0x3] =	stream.linear.gather [hbm4b:s5+s3], $0xC000, $0x38;
	[tilespmem:$0x1C180] =	vst v63  }
0x42: {  	_ =	swait.ge [sflag:s24], $0xC000  }
0x43: {  	[sflag:s24] =	ssyncset.done $0x0  }
0x44: {  	[sflag:s24] =	ssyncadd.s32 $0xFFFF4000  }
0x45: {  	v4 =	vld [tilespmem:$0x0];
	_ =	sdelay $0x4  }
0x46: {  	v5 =	vshll.u32 v4, $0x3  }
0x47: {  	v4 =	vand.u32 $0x7, v4;
	v5 =	vand.u32 $0xFFFFFFC0, v5  }
0x48: {  	v4 =	vor.u32 v4, v5  }
0x49: {  	v5 =	vperm.xlane v4, v0;
	_ =	sdelay $0x1  }
0x4a: {  	v5 =	vadd.s32 v1, v5;
	_ =	sdelay $0x4  }
0x4b: {  	[hbm4b:s4+s3] =	stream.indirect_vreg.scatter [tilespmem:s1], [sflag:$0x1], $0x80, v5, vm0, $0xb8;
	[tilespmem:$0x1C180] =	vst v63  }
0x4c: {  	s0 =	simm.s32 $0x4980;
	v4 =	vperm.xlane v4, v2  }
0x4d: {  	[hbm4b:s12+s3] =	stream.indirect_vreg.scatter [tilespmem:s0], [sflag:$0x1], $0x80, v5, vm0, $0xb8;
	[tilespmem:$0x1C180] =	vst v63  }
0x4e: {  	s5 =	simm.s32 $0x5180;
	v4 =	vadd.s32 v1, v4  }
0x4f: {  	[hbm4b:s13+s3] =	stream.indirect_vreg.scatter [tilespmem:s5], [sflag:$0x1], $0x80, v5, vm0, $0xb8;
	[tilespmem:$0x1C180] =	vst v63  }
0x50: {  	_ = 	snop  }
0x51: {  	[hbm4b:s14+s3] =	stream.indirect_vreg.scatter [tilespmem:s6], [sflag:$0x1], $0x80, v5, vm0, $0xb8;
	[tilespmem:$0x1C180] =	vst v63  }
0x52: {  	_ = 	snop  }
0x53: {  	[hbm4b:s4+s3] =	stream.indirect_vreg.scatter [tilespmem:s7], [sflag:$0x1], $0x80, v4, vm0, $0xb8;
	[tilespmem:$0x1C180] =	vst v63  }
0x54: {  	_ = 	snop  }
0x55: {  	[hbm4b:s12+s3] =	stream.indirect_vreg.scatter [tilespmem:s8], [sflag:$0x1], $0x80, v4, vm0, $0xb8;
	[tilespmem:$0x1C180] =	vst v63  }
0x56: {  	_ = 	snop  }
0x57: {  	[hbm4b:s13+s3] =	stream.indirect_vreg.scatter [tilespmem:s9], [sflag:$0x1], $0x80, v4, vm0, $0xb8;
	[tilespmem:$0x1C180] =	vst v63  }
0x58: {  	_ = 	snop  }
0x59: {  	[hbm4b:s14+s3] =	stream.indirect_vreg.scatter [tilespmem:s10], [sflag:$0x1], $0x80, v4, vm0, $0xb8;
	[tilespmem:$0x1C180] =	vst v63  }
0x5a: {  	v4 =	vld [tilespmem:$0x10];
	_ =	sdelay $0x4  }
0x5b: {  	v5 =	vshll.u32 v4, $0x3  }
0x5c: {  	v4 =	vand.u32 $0x7, v4;
	v5 =	vand.u32 $0xFFFFFFC0, v5  }
0x5d: {  	v4 =	vor.u32 v4, v5  }
0x5e: {  	v5 =	vperm.xlane v4, v0;
	_ =	sdelay $0x1  }
0x5f: {  	v5 =	vadd.s32 v1, v5;
	_ =	sdelay $0x4  }
0x60: {  	[hbm4b:s4+s3] =	stream.indirect_vreg.scatter [tilespmem:s11], [sflag:$0x1], $0x80, v5, vm0, $0xb8;
	[tilespmem:$0x1C180] =	vst v63  }
0x61: {  	v4 =	vperm.xlane v4, v2  }
0x62: {  	[hbm4b:s12+s3] =	stream.indirect_vreg.scatter [tilespmem:s15], [sflag:$0x1], $0x80, v5, vm0, $0xb8;
	[tilespmem:$0x1C180] =	vst v63  }
0x63: {  	v4 =	vadd.s32 v1, v4  }
0x64: {  	[hbm4b:s13+s3] =	stream.indirect_vreg.scatter [tilespmem:s16], [sflag:$0x1], $0x80, v5, vm0, $0xb8;
	[tilespmem:$0x1C180] =	vst v63  }
0x65: {  	_ = 	snop  }
0x66: {  	[hbm4b:s14+s3] =	stream.indirect_vreg.scatter [tilespmem:s18], [sflag:$0x1], $0x80, v5, vm0, $0xb8;
	[tilespmem:$0x1C180] =	vst v63  }
0x67: {  	_ = 	snop  }
0x68: {  	[hbm4b:s4+s3] =	stream.indirect_vreg.scatter [tilespmem:s19], [sflag:$0x1], $0x80, v4, vm0, $0xb8;
	[tilespmem:$0x1C180] =	vst v63  }
0x69: {  	_ = 	snop  }
0x6a: {  	[hbm4b:s12+s3] =	stream.indirect_vreg.scatter [tilespmem:s25], [sflag:$0x1], $0x80, v4, vm0, $0xb8;
	[tilespmem:$0x1C180] =	vst v63  }
0x6b: {  	_ = 	snop  }
0x6c: {  	[hbm4b:s13+s3] =	stream.indirect_vreg.scatter [tilespmem:s20], [sflag:$0x1], $0x80, v4, vm0, $0xb8;
	[tilespmem:$0x1C180] =	vst v63  }
0x6d: {  	_ = 	snop  }
0x6e: {  	[hbm4b:s14+s3] =	stream.indirect_vreg.scatter [tilespmem:s26], [sflag:$0x1], $0x80, v4, vm0, $0xb8;
	[tilespmem:$0x1C180] =	vst v63  }
0x6f: {  	v4 =	vld [tilespmem:$0x20];
	_ =	sdelay $0x4  }
0x70: {  	v5 =	vshll.u32 v4, $0x3  }
0x71: {  	v4 =	vand.u32 $0x7, v4;
	v5 =	vand.u32 $0xFFFFFFC0, v5  }
0x72: {  	v4 =	vor.u32 v4, v5  }
0x73: {  	v5 =	vperm.xlane v4, v0;
	_ =	sdelay $0x1  }
0x74: {  	v5 =	vadd.s32 v1, v5;
	_ =	sdelay $0x3  }
0x75: {  	s17 =	simm.s32 $0xC180  }
0x76: {  	[hbm4b:s4+s3] =	stream.indirect_vreg.scatter [tilespmem:s17], [sflag:$0x1], $0x80, v5, vm0, $0xb8;
	[tilespmem:$0x1C180] =	vst v63  }
0x77: {  	v4 =	vperm.xlane v4, v2;
	s17 =	simm.s32 $0xC980  }
0x78: {  	[hbm4b:s12+s3] =	stream.indirect_vreg.scatter [tilespmem:s17], [sflag:$0x1], $0x80, v5, vm0, $0xb8;
	[tilespmem:$0x1C180] =	vst v63  }
0x79: {  	v4 =	vadd.s32 v1, v4;
	s17 =	simm.s32 $0xD180  }
0x7a: {  	[hbm4b:s13+s3] =	stream.indirect_vreg.scatter [tilespmem:s17], [sflag:$0x1], $0x80, v5, vm0, $0xb8;
	[tilespmem:$0x1C180] =	vst v63  }
0x7b: {  	s17 =	simm.s32 $0xD980  }
0x7c: {  	[hbm4b:s14+s3] =	stream.indirect_vreg.scatter [tilespmem:s17], [sflag:$0x1], $0x80, v5, vm0, $0xb8;
	[tilespmem:$0x1C180] =	vst v63  }
0x7d: {  	s17 =	simm.s32 $0xE180  }
0x7e: {  	[hbm4b:s4+s3] =	stream.indirect_vreg.scatter [tilespmem:s17], [sflag:$0x1], $0x80, v4, vm0, $0xb8;
	[tilespmem:$0x1C180] =	vst v63  }
0x7f: {  	s17 =	simm.s32 $0xE980  }
0x80: {  	[hbm4b:s12+s3] =	stream.indirect_vreg.scatter [tilespmem:s17], [sflag:$0x1], $0x80, v4, vm0, $0xb8;
	[tilespmem:$0x1C180] =	vst v63  }
0x81: {  	s17 =	simm.s32 $0xF180  }
0x82: {  	[hbm4b:s13+s3] =	stream.indirect_vreg.scatter [tilespmem:s17], [sflag:$0x1], $0x80, v4, vm0, $0xb8;
	[tilespmem:$0x1C180] =	vst v63  }
0x83: {  	s17 =	simm.s32 $0xF980  }
0x84: {  	[hbm4b:s14+s3] =	stream.indirect_vreg.scatter [tilespmem:s17], [sflag:$0x1], $0x80, v4, vm0, $0xb8;
	[tilespmem:$0x1C180] =	vst v63  }
0x85: {  	s17 =	rddreg [dreg:$0xb]  }
0x86: {  	[tilespmem:s21], [sflag:$0x3] =	stream.linear.gather [hbm4b:s17+s3], $0xC000, $0x38;
	[tilespmem:$0x1C180] =	vst v63  }
0x87: {  	_ =	swait.ge [sflag:s24], $0xC000  }
0x88: {  	[sflag:s24] =	ssyncset.done $0x0  }
0x89: {  	[sflag:s24] =	ssyncadd.s32 $0xFFFF4000  }
0x8a: {  	v4 =	vld [tilespmem:$0x80];
	_ =	sdelay $0x4  }
0x8b: {  	v5 =	vshll.u32 v4, $0x3  }
0x8c: {  	v4 =	vand.u32 $0x7, v4;
	v5 =	vand.u32 $0xFFFFFFC0, v5  }
0x8d: {  	v4 =	vor.u32 v4, v5  }
0x8e: {  	v5 =	vperm.xlane v4, v0;
	_ =	sdelay $0x1  }
0x8f: {  	v5 =	vadd.s32 v1, v5;
	_ =	sdelay $0x4  }
0x90: {  	[hbm4b:s4+s3] =	stream.indirect_vreg.scatter [tilespmem:s21], [sflag:$0x1], $0x80, v5, vm0, $0xb8;
	[tilespmem:$0x1C180] =	vst v63  }
0x91: {  	s17 =	simm.s32 $0x10980;
	v4 =	vperm.xlane v4, v2  }
0x92: {  	[hbm4b:s12+s3] =	stream.indirect_vreg.scatter [tilespmem:s17], [sflag:$0x1], $0x80, v5, vm0, $0xb8;
	[tilespmem:$0x1C180] =	vst v63  }
0x93: {  	v4 =	vadd.s32 v1, v4;
	s17 =	simm.s32 $0x11180  }
0x94: {  	[hbm4b:s13+s3] =	stream.indirect_vreg.scatter [tilespmem:s17], [sflag:$0x1], $0x80, v5, vm0, $0xb8;
	[tilespmem:$0x1C180] =	vst v63  }
0x95: {  	s17 =	simm.s32 $0x11980  }
0x96: {  	[hbm4b:s14+s3] =	stream.indirect_vreg.scatter [tilespmem:s17], [sflag:$0x1], $0x80, v5, vm0, $0xb8;
	[tilespmem:$0x1C180] =	vst v63  }
0x97: {  	s17 =	simm.s32 $0x12180  }
0x98: {  	[hbm4b:s4+s3] =	stream.indirect_vreg.scatter [tilespmem:s17], [sflag:$0x1], $0x80, v4, vm0, $0xb8;
	[tilespmem:$0x1C180] =	vst v63  }
0x99: {  	s17 =	simm.s32 $0x12980  }
0x9a: {  	[hbm4b:s12+s3] =	stream.indirect_vreg.scatter [tilespmem:s17], [sflag:$0x1], $0x80, v4, vm0, $0xb8;
	[tilespmem:$0x1C180] =	vst v63  }
0x9b: {  	s17 =	simm.s32 $0x13180  }
0x9c: {  	[hbm4b:s13+s3] =	stream.indirect_vreg.scatter [tilespmem:s17], [sflag:$0x1], $0x80, v4, vm0, $0xb8;
	[tilespmem:$0x1C180] =	vst v63  }
0x9d: {  	s17 =	simm.s32 $0x13980  }
0x9e: {  	[hbm4b:s14+s3] =	stream.indirect_vreg.scatter [tilespmem:s17], [sflag:$0x1], $0x80, v4, vm0, $0xb8;
	[tilespmem:$0x1C180] =	vst v63  }
0x9f: {  	v4 =	vld [tilespmem:$0x90];
	_ =	sdelay $0x4  }
0xa0: {  	v5 =	vshll.u32 v4, $0x3  }
0xa1: {  	v4 =	vand.u32 $0x7, v4;
	v5 =	vand.u32 $0xFFFFFFC0, v5  }
0xa2: {  	v4 =	vor.u32 v4, v5  }
0xa3: {  	v5 =	vperm.xlane v4, v0;
	_ =	sdelay $0x1  }
0xa4: {  	v5 =	vadd.s32 v1, v5;
	_ =	sdelay $0x3  }
0xa5: {  	s17 =	simm.s32 $0x14180  }
0xa6: {  	[hbm4b:s4+s3] =	stream.indirect_vreg.scatter [tilespmem:s17], [sflag:$0x1], $0x80, v5, vm0, $0xb8;
	[tilespmem:$0x1C180] =	vst v63  }
0xa7: {  	v4 =	vperm.xlane v4, v2;
	s17 =	simm.s32 $0x14980  }
0xa8: {  	[hbm4b:s12+s3] =	stream.indirect_vreg.scatter [tilespmem:s17], [sflag:$0x1], $0x80, v5, vm0, $0xb8;
	[tilespmem:$0x1C180] =	vst v63  }
0xa9: {  	v4 =	vadd.s32 v1, v4;
	s17 =	simm.s32 $0x15180  }
0xaa: {  	[hbm4b:s13+s3] =	stream.indirect_vreg.scatter [tilespmem:s17], [sflag:$0x1], $0x80, v5, vm0, $0xb8;
	[tilespmem:$0x1C180] =	vst v63  }
0xab: {  	s17 =	simm.s32 $0x15980  }
0xac: {  	[hbm4b:s14+s3] =	stream.indirect_vreg.scatter [tilespmem:s17], [sflag:$0x1], $0x80, v5, vm0, $0xb8;
	[tilespmem:$0x1C180] =	vst v63  }
0xad: {  	s17 =	simm.s32 $0x16180  }
0xae: {  	[hbm4b:s4+s3] =	stream.indirect_vreg.scatter [tilespmem:s17], [sflag:$0x1], $0x80, v4, vm0, $0xb8;
	[tilespmem:$0x1C180] =	vst v63  }
0xaf: {  	s17 =	simm.s32 $0x16980  }
0xb0: {  	[hbm4b:s12+s3] =	stream.indirect_vreg.scatter [tilespmem:s17], [sflag:$0x1], $0x80, v4, vm0, $0xb8;
	[tilespmem:$0x1C180] =	vst v63  }
0xb1: {  	s17 =	simm.s32 $0x17180  }
0xb2: {  	[hbm4b:s13+s3] =	stream.indirect_vreg.scatter [tilespmem:s17], [sflag:$0x1], $0x80, v4, vm0, $0xb8;
	[tilespmem:$0x1C180] =	vst v63  }
0xb3: {  	s17 =	simm.s32 $0x17980  }
0xb4: {  	[hbm4b:s14+s3] =	stream.indirect_vreg.scatter [tilespmem:s17], [sflag:$0x1], $0x80, v4, vm0, $0xb8;
	[tilespmem:$0x1C180] =	vst v63  }
0xb5: {  	v4 =	vld [tilespmem:$0xA0];
	_ =	sdelay $0x4  }
0xb6: {  	v5 =	vshll.u32 v4, $0x3  }
0xb7: {  	v4 =	vand.u32 $0x7, v4;
	v5 =	vand.u32 $0xFFFFFFC0, v5  }
0xb8: {  	v4 =	vor.u32 v4, v5  }
0xb9: {  	v5 =	vperm.xlane v4, v0;
	_ =	sdelay $0x1  }
0xba: {  	v5 =	vadd.s32 v1, v5;
	_ =	sdelay $0x3  }
0xbb: {  	s17 =	simm.s32 $0x18180  }
0xbc: {  	[hbm4b:s4+s3] =	stream.indirect_vreg.scatter [tilespmem:s17], [sflag:$0x1], $0x80, v5, vm0, $0xb8;
	[tilespmem:$0x1C180] =	vst v63  }
0xbd: {  	v4 =	vperm.xlane v4, v2;
	s17 =	simm.s32 $0x18980  }
0xbe: {  	[hbm4b:s12+s3] =	stream.indirect_vreg.scatter [tilespmem:s17], [sflag:$0x1], $0x80, v5, vm0, $0xb8;
	[tilespmem:$0x1C180] =	vst v63  }
0xbf: {  	v4 =	vadd.s32 v1, v4;
	s17 =	simm.s32 $0x19180  }
0xc0: {  	[hbm4b:s13+s3] =	stream.indirect_vreg.scatter [tilespmem:s17], [sflag:$0x1], $0x80, v5, vm0, $0xb8;
	[tilespmem:$0x1C180] =	vst v63  }
0xc1: {  	s17 =	simm.s32 $0x19980  }
0xc2: {  	[hbm4b:s14+s3] =	stream.indirect_vreg.scatter [tilespmem:s17], [sflag:$0x1], $0x80, v5, vm0, $0xb8;
	[tilespmem:$0x1C180] =	vst v63  }
0xc3: {  	s17 =	simm.s32 $0x1A180  }
0xc4: {  	[hbm4b:s4+s3] =	stream.indirect_vreg.scatter [tilespmem:s17], [sflag:$0x1], $0x80, v4, vm0, $0xb8;
	[tilespmem:$0x1C180] =	vst v63  }
0xc5: {  	s17 =	simm.s32 $0x1A980  }
0xc6: {  	[hbm4b:s12+s3] =	stream.indirect_vreg.scatter [tilespmem:s17], [sflag:$0x1], $0x80, v4, vm0, $0xb8;
	[tilespmem:$0x1C180] =	vst v63  }
0xc7: {  	s17 =	simm.s32 $0x1B180  }
0xc8: {  	[hbm4b:s13+s3] =	stream.indirect_vreg.scatter [tilespmem:s17], [sflag:$0x1], $0x80, v4, vm0, $0xb8;
	[tilespmem:$0x1C180] =	vst v63  }
0xc9: {  	s17 =	simm.s32 $0x1B980  }
0xca: {  	[hbm4b:s14+s3] =	stream.indirect_vreg.scatter [tilespmem:s17], [sflag:$0x1], $0x80, v4, vm0, $0xb8;
	[tilespmem:$0x1C180] =	vst v63  }
0xcb: {  	_ =	swait.ge [sflag:s22], $0xC000  }
0xcc: {  	[sflag:s22] =	ssyncset.done $0x0  }
0xcd: {  	s17 =	rddreg [dreg:$0xc];
	[sflag:s22] =	ssyncadd.s32 $0xFFFF4000  }
0xce: {  	[tilespmem:s1], [sflag:$0x3] =	stream.linear.gather [hbm4b:s17+s3], $0x8000, $0x38;
	[tilespmem:$0x1C180] =	vst v63  }
0xcf: {  	_ =	swait.ge [sflag:s24], $0x8000  }
0xd0: {  	[sflag:s24] =	ssyncset.done $0x0  }
0xd1: {  	[sflag:s24] =	ssyncadd.s32 $0xFFFF8000  }
0xd2: {  	v4 =	vld [tilespmem:$0x100];
	_ =	sdelay $0x4  }
0xd3: {  	v5 =	vshll.u32 v4, $0x3  }
0xd4: {  	v4 =	vand.u32 $0x7, v4;
	v5 =	vand.u32 $0xFFFFFFC0, v5  }
0xd5: {  	v4 =	vor.u32 v4, v5  }
0xd6: {  	v5 =	vperm.xlane v4, v0;
	_ =	sdelay $0x1  }
0xd7: {  	v5 =	vadd.s32 v1, v5;
	_ =	sdelay $0x4  }
0xd8: {  	[hbm4b:s4+s3] =	stream.indirect_vreg.scatter [tilespmem:s1], [sflag:$0x1], $0x80, v5, vm0, $0xb8;
	[tilespmem:$0x1C180] =	vst v63  }
0xd9: {  	v4 =	vperm.xlane v4, v2  }
0xda: {  	[hbm4b:s12+s3] =	stream.indirect_vreg.scatter [tilespmem:s0], [sflag:$0x1], $0x80, v5, vm0, $0xb8;
	[tilespmem:$0x1C180] =	vst v63  }
0xdb: {  	v4 =	vadd.s32 v1, v4  }
0xdc: {  	[hbm4b:s13+s3] =	stream.indirect_vreg.scatter [tilespmem:s5], [sflag:$0x1], $0x80, v5, vm0, $0xb8;
	[tilespmem:$0x1C180] =	vst v63  }
0xdd: {  	_ = 	snop  }
0xde: {  	[hbm4b:s14+s3] =	stream.indirect_vreg.scatter [tilespmem:s6], [sflag:$0x1], $0x80, v5, vm0, $0xb8;
	[tilespmem:$0x1C180] =	vst v63  }
0xdf: {  	_ = 	snop  }
0xe0: {  	[hbm4b:s4+s3] =	stream.indirect_vreg.scatter [tilespmem:s7], [sflag:$0x1], $0x80, v4, vm0, $0xb8;
	[tilespmem:$0x1C180] =	vst v63  }
0xe1: {  	_ = 	snop  }
0xe2: {  	[hbm4b:s12+s3] =	stream.indirect_vreg.scatter [tilespmem:s8], [sflag:$0x1], $0x80, v4, vm0, $0xb8;
	[tilespmem:$0x1C180] =	vst v63  }
0xe3: {  	_ = 	snop  }
0xe4: {  	[hbm4b:s13+s3] =	stream.indirect_vreg.scatter [tilespmem:s9], [sflag:$0x1], $0x80, v4, vm0, $0xb8;
	[tilespmem:$0x1C180] =	vst v63  }
0xe5: {  	_ = 	snop  }
0xe6: {  	[hbm4b:s14+s3] =	stream.indirect_vreg.scatter [tilespmem:s10], [sflag:$0x1], $0x80, v4, vm0, $0xb8;
	[tilespmem:$0x1C180] =	vst v63  }
0xe7: {  	v4 =	vld [tilespmem:$0x110];
	_ =	sdelay $0x4  }
0xe8: {  	v5 =	vshll.u32 v4, $0x3  }
0xe9: {  	v4 =	vand.u32 $0x7, v4;
	v5 =	vand.u32 $0xFFFFFFC0, v5  }
0xea: {  	v4 =	vor.u32 v4, v5  }
0xeb: {  	v5 =	vperm.xlane v4, v0;
	_ =	sdelay $0x1  }
0xec: {  	v5 =	vadd.s32 v1, v5;
	_ =	sdelay $0x4  }
0xed: {  	[hbm4b:s4+s3] =	stream.indirect_vreg.scatter [tilespmem:s11], [sflag:$0x1], $0x80, v5, vm0, $0xb8;
	[tilespmem:$0x1C180] =	vst v63  }
0xee: {  	v4 =	vperm.xlane v4, v2  }
0xef: {  	[hbm4b:s12+s3] =	stream.indirect_vreg.scatter [tilespmem:s15], [sflag:$0x1], $0x80, v5, vm0, $0xb8;
	[tilespmem:$0x1C180] =	vst v63  }
0xf0: {  	v4 =	vadd.s32 v1, v4  }
0xf1: {  	[hbm4b:s13+s3] =	stream.indirect_vreg.scatter [tilespmem:s16], [sflag:$0x1], $0x80, v5, vm0, $0xb8;
	[tilespmem:$0x1C180] =	vst v63  }
0xf2: {  	_ = 	snop  }
0xf3: {  	[hbm4b:s14+s3] =	stream.indirect_vreg.scatter [tilespmem:s18], [sflag:$0x1], $0x80, v5, vm0, $0xb8;
	[tilespmem:$0x1C180] =	vst v63  }
0xf4: {  	_ = 	snop  }
0xf5: {  	[hbm4b:s4+s3] =	stream.indirect_vreg.scatter [tilespmem:s19], [sflag:$0x1], $0x80, v4, vm0, $0xb8;
	[tilespmem:$0x1C180] =	vst v63  }
0xf6: {  	_ = 	snop  }
0xf7: {  	[hbm4b:s12+s3] =	stream.indirect_vreg.scatter [tilespmem:s25], [sflag:$0x1], $0x80, v4, vm0, $0xb8;
	[tilespmem:$0x1C180] =	vst v63  }
0xf8: {  	_ = 	snop  }
0xf9: {  	[hbm4b:s13+s3] =	stream.indirect_vreg.scatter [tilespmem:s20], [sflag:$0x1], $0x80, v4, vm0, $0xb8;
	[tilespmem:$0x1C180] =	vst v63  }
0xfa: {  	_ = 	snop  }
0xfb: {  	[hbm4b:s14+s3] =	stream.indirect_vreg.scatter [tilespmem:s26], [sflag:$0x1], $0x80, v4, vm0, $0xb8;
	[tilespmem:$0x1C180] =	vst v63  }
0xfc: {  	_ =	swait.ge [sflag:s22], $0xC000  }
0xfd: {  	[sflag:s22] =	ssyncset.done $0x0  }
0xfe: {  	s0 =	rddreg [dreg:$0xd];
	[sflag:s22] =	ssyncadd.s32 $0xFFFF4000  }
0xff: {  	[tilespmem:s21], [sflag:$0x3] =	stream.linear.gather [hbm4b:s0+s3], $0xC000, $0x38;
	[tilespmem:$0x1C180] =	vst v63  }
0x100: {  	_ =	swait.ge [sflag:s24], $0xC000  }
0x101: {  	[sflag:s24] =	ssyncset.done $0x0  }
0x102: {  	s5 =	rddreg [dreg:$0xe];
	[sflag:s24] =	ssyncadd.s32 $0xFFFF4000  }
0x103: {  	[hbm4b:s5+s3] =	stream.linear.scatter [tilespmem:s21], [sflag:$0x1], $0xC000, $0x38;
	[tilespmem:$0x1C180] =	vst v63  }
0x104: {  	_ =	swait.ge [sflag:s22], $0x8000  }
0x105: {  	[sflag:s22] =	ssyncset.done $0x0  }
0x106: {  	s0 =	rddreg [dreg:$0xf];
	[sflag:s22] =	ssyncadd.s32 $0xFFFF8000  }
0x107: {  	[tilespmem:s1], [sflag:$0x3] =	stream.linear.gather [hbm4b:s0+s3], $0x4000, $0x38;
	[tilespmem:$0x1C180] =	vst v63  }
0x108: {  	_ =	swait.ge [sflag:s24], $0x4000  }
0x109: {  	[sflag:s24] =	ssyncset.done $0x0  }
0x10a: {  	s5 =	rddreg [dreg:$0x10];
	[sflag:s24] =	ssyncadd.s32 $0xFFFFC000  }
0x10b: {  	[hbm4b:s5+s3] =	stream.linear.scatter [tilespmem:s1], [sflag:$0x1], $0x4000, $0x38;
	[tilespmem:$0x1C180] =	vst v63  }
0x10c: {  	_ =	swait.ge [sflag:s29], $0x1800  }
0x10d: {  	[sflag:s29] =	ssyncset.done $0x0  }
0x10e: {  	s31 =	simm.s32 $0x200;
	s17 =	simm.s32 $0x0;
	[sflag:s29] =	ssyncadd.s32 $0xFFFFE800  }
.LBB2_2:
0x10f: {  	p0 =	sne.s32 s31, $0x5E00;
	[tilespmem:s17+$0x1F0] =	vst v3  }
0x110: {  	[tilespmem:s17+$0x180] =	vst v3  }
0x111: {  	[tilespmem:s17+$0x190] =	vst v3  }
.Ltmp0:
0x112: {  	[tilespmem:s17+$0x1A0] =	vst v3;
	(pc) =	sbr.rel @p0 .LBB2_2-.Ltmp0, $4  }
0x113: {  	[tilespmem:s17+$0x1B0] =	vst v3  }
0x114: {  	[tilespmem:s17+$0x1C0] =	vst v3  }
0x115: {  	[tilespmem:s17+$0x1D0] =	vst v3  }
0x116: {  	[tilespmem:s17+$0x1E0] =	vst v3;
	s17 =	sshra.s32 s31, $0x2;
	s31 =	sadd.s32 $0x200, s31  }
0x117: {  	[tilespmem:s17+$0x1F0] =	vst v3  }
0x118: {  	[tilespmem:s17+$0x180] =	vst v3  }
0x119: {  	[tilespmem:s17+$0x190] =	vst v3  }
0x11a: {  	[tilespmem:s17+$0x1A0] =	vst v3  }
0x11b: {  	[tilespmem:s17+$0x1B0] =	vst v3  }
0x11c: {  	[tilespmem:s17+$0x1C0] =	vst v3  }
0x11d: {  	[tilespmem:s17+$0x1D0] =	vst v3  }
0x11e: {  	[tilespmem:s17+$0x1E0] =	vst v3;
	s5 =	simm.s32 $0x0;
	s31 =	rddreg [dreg:$0x11]  }
0x11f: {  	[hbm4b:s31+s5] =	stream.linear.scatter [tilespmem:s28], [sflag:$0x2], $0x1800, $0x38;
	[tilespmem:$0x1C180] =	vst v63  }
0x120: {  	_ =	swait.ge [sflag:s29], $0x1000  }
0x121: {  	[sflag:s29] =	ssyncset.done $0x0  }
0x122: {  	s17 =	simm.s32 $0x0;
	s31 =	simm.s32 $0x200;
	[sflag:s29] =	ssyncadd.s32 $0xFFFFF000  }
.LBB2_4:
0x123: {  	p0 =	sne.s32 s31, $0x1E00;
	[tilespmem:s17+$0x31F0] =	vst v3  }
0x124: {  	[tilespmem:s17+$0x3180] =	vst v3  }
0x125: {  	[tilespmem:s17+$0x3190] =	vst v3  }
.Ltmp1:
0x126: {  	[tilespmem:s17+$0x31A0] =	vst v3;
	(pc) =	sbr.rel @p0 .LBB2_4-.Ltmp1, $4  }
0x127: {  	[tilespmem:s17+$0x31B0] =	vst v3  }
0x128: {  	[tilespmem:s17+$0x31C0] =	vst v3  }
0x129: {  	[tilespmem:s17+$0x31D0] =	vst v3  }
0x12a: {  	[tilespmem:s17+$0x31E0] =	vst v3;
	s17 =	sshra.s32 s31, $0x2;
	s31 =	sadd.s32 $0x200, s31  }
0x12b: {  	[tilespmem:s17+$0x31F0] =	vst v3  }
0x12c: {  	[tilespmem:s17+$0x3180] =	vst v3  }
0x12d: {  	[tilespmem:s17+$0x3190] =	vst v3  }
0x12e: {  	[tilespmem:s17+$0x31A0] =	vst v3  }
0x12f: {  	[tilespmem:s17+$0x31B0] =	vst v3  }
0x130: {  	[tilespmem:s17+$0x31C0] =	vst v3  }
0x131: {  	[tilespmem:s17+$0x31D0] =	vst v3  }
0x132: {  	[tilespmem:s17+$0x31E0] =	vst v3;
	s5 =	rddreg [dreg:$0x12]  }
0x133: {  	[hbm4b:s5+s3] =	stream.linear.scatter [tilespmem:s30], [sflag:$0x2], $0x800, $0x38;
	[tilespmem:$0x1C180] =	vst v63  }
0x134: {  	_ =	swait.ge [sflag:s29], $0x1800  }
0x135: {  	[sflag:s29] =	ssyncset.done $0x0  }
0x136: {  	[sflag:s29] =	ssyncadd.s32 $0xFFFFE800  }
0x137: {  	_ =	swait.ge [sflag:s22], $0xC000  }
0x138: {  	[sflag:s22] =	ssyncset.done $0x0  }
0x139: {  	[sflag:s22] =	ssyncadd.s32 $0xFFFF4000  }
0x13a: {  	_ =	swait.ge [sflag:s22], $0x4000  }
0x13b: {  	[sflag:s22] =	ssyncset.done $0x0  }
0x13c: {  	[sflag:s22] =	ssyncadd.s32 $0xFFFFC000  }
0x13d: {  	_ =	swait.ge [sflag:s29], $0x1800  }
0x13e: {  	[sflag:s29] =	ssyncset.done $0x0  }
0x13f: {  	[sflag:s29] =	ssyncadd.s32 $0xFFFFE800  }
0x140: {  	_ =	swait.ge [sflag:s29], $0x800  }
0x141: {  	s23 =	sadd.s32 $0x1, s23;
	s31 =	rddreg [dreg:$0x13]  }
0x142: {  	p0 =	sne.s32 s23, s31  }
.Ltmp2:
0x143: {  	_ = 	snop;
	(pc) =	sbr.rel @p0 .LBB2_1-.Ltmp2, $3  }
0x144: {  	_ =	sdelay $0x1  }
0x145: {  	[sflag:s29] =	ssyncset.done $0x0  }
0x146: {  	[sflag:s29] =	ssyncadd.s32 $0xFFFFF800  }
0x147: {  	_ =	sfence.sel $0x180000  }
0x148: {  	[bflag:$0x0] =	sbarrier.arrive $0xFFFF  }
0x149: {  	_ =	strace $0x90000047  }
0x14a: {  	s0 =	stileid.u32;
	[bflag:$0x2] =	sbarrier.arrive $0xFFFF  }
0x14b: {  	p0 =	sne.s32 s0, $0x0;
	s0 =	rddreg [dreg:$0x3]  }
0x14c: {  	s0 =	sadd.s32 @!p0 $0x100000, s0  }
0x14d: {  	[sflag:s0] =	ssyncadd.tile.s32 @!p0 $0x1;
	_ =	shalt  }
.Lfunc_end2:
_tile_overlayer_lowered:
.L_overlay_start_2:
0x14e: {  	(tag) =	ssettag $0x2  }
0x14f: {  	s0 =	rddreg [dreg:$0x0];
	s2 =	stileid.u32  }
0x150: {  	s1 =	rddreg [dreg:$0x1];
	p0 =	sne.s32 s2, $0x0  }
0x151: {  	s3 =	rddreg [dreg:$0x2];
	[bflag:$0x3] =	sbarrier.arrive $0xFFFF;
	s2 =	simm.s32 @!p0 $0x1C03  }
0x152: {  	[timem:s3], [sflag:s2] =	dma.local @!p0 [hbm:s0], s1  }
0x153: {  	s0 =	simm.s32 @!p0 $0x3  }
0x154: {  	_ =	swait.ge @!p0 [sflag:s0], s1  }
0x155: {  	s1 =	ssub.s32 @!p0 $0x0, s1;
	[sflag:s0] =	ssyncset.done @!p0 $0x0  }
0x156: {  	[sflag:s0] =	ssyncadd.s32 @!p0 s1  }
0x157: {  	[bflag:$0x3] =	sbarrier.arrive $0xFFFF  }
0x158: {  	_ =	shalt  }

// kernel: kernel.9.cloned.1.call-start
scs
__scs_entry_jumppad:
0x0: {  	(pc) =	sbr.rel $0x88, $3  }
0x1: {  	(tag) =	ssettag $0x0;
	lr =	simm.s32 $0x1  }
0x2: {  	[smem:$0x3F97] =	sst lr;
	_ =	strace $0xD0000000  }
0x3: {  	_ = 	snop  }
0x4: {  	_ = 	snop  }
0x5: {  	_ = 	snop  }
0x6: {  	_ = 	snop  }
0x7: {  	_ = 	snop  }
__scs_overlays_trampoline_lowered:
0x8: {  	[smem:$0x3FA6] =	sst s0  }
0x9: {  	[smem:$0x3FA7] =	sst s1  }
0xa: {  	[smem:$0x3FA8] =	sst s2  }
0xb: {  	[smem:$0x3FA9] =	sst s3  }
0xc: {  	[smem:$0x3FAA] =	sst s4  }
0xd: {  	[smem:$0x3FAB] =	sst s5  }
0xe: {  	[smem:$0x3FAC] =	sst s6  }
0xf: {  	[smem:$0x3FAD] =	sst s7  }
0x10: {  	[smem:$0x3FAE] =	sst s8  }
0x11: {  	[smem:$0x3FAF] =	sst s9;
	s0 =	simm.s32 @!p0 $0x0  }
0x12: {  	s1 =	sld [smem:$0x3F95];
	s0 =	simm.s32 @p0 $0x1  }
0x13: {  	[smem:$0x3FB0] =	sst s0;
	s0 =	simm.s32 @!p1 $0x0  }
0x14: {  	s2 =	sld [smem:$0x3F94];
	s0 =	simm.s32 @p1 $0x1  }
0x15: {  	[smem:$0x3FB1] =	sst s0;
	s0 =	simm.s32 @!p2 $0x0  }
0x16: {  	s3 =	sld [smem:$0x3FDB];
	s0 =	simm.s32 @p2 $0x1  }
0x17: {  	s4 =	simm.s32 $0x1BF5;
	[smem:$0x3FB3] =	sst s0  }
0x18: {  	s0 =	sld [smem:$0x3F96];
	_ =	swait.ge [sflag:s4], $0x0  }
0x19: {  	s7 =	sld [smem:$0x3F97]  }
0x1a: {  	s8 =	sadd.s32 $0xFFFFE003, lr  }
0x1b: {  	s9 =	sadd.s32 $0xFFFFFEF7, lr;
	s5 =	simm.s32 $0xFFFFFFFF;
	p2 =	slt.u32 s8, $0xFFFFF086  }
0x1c: {  	p1 =	slt.u32 s9, $0xF7A;
	s5 =	simm.s32 @!p2 $0x0  }
0x1d: {  	s5 =	simm.s32 @p1 $0x1;
	p0 =	seq.s32 s7, s2  }
0x1e: {  	s7 =	smul.u32 @!p0 $0xF7A, s2;
	p2 =	seq.s32 @!p0 s5, $0x0  }
0x1f: {  	s9 =	smul.u32 $0xF7A, s1;
	s8 =	simm.s32 @!p0 $0x1BF5;
	p2 =	por !p2, p0  }
0x20: {  	[sflag:s8] =	ssyncset.s32 @!p0 $0xFFFFF086;
	s6 =	sadd.s32 @!p0 s3, s7;
	s7 =	simm.s32 @!p0 $0x108  }
0x21: {  	s3 =	sadd.s32 s3, s9;
	s6 =	sadd.s32 @!p0 $0x88, s6;
	s7 =	simm.s32 @p2 $0x1082  }
0x22: {  	[simem:s7], [sflag:s8] =	dma.local @!p0 [hbm:s6], $0xF7A  }
0x23: {  	s9 =	sor.u32 $0xD0000000, s2;
	s6 =	simm.s32 $0x108;
	_ =	swait.ge @!p0 [sflag:s8], $0x0  }
0x24: {  	s3 =	sadd.s32 $0x88, s3;
	s6 =	simm.s32 @!p1 $0x1082;
	[sflag:s4] =	ssyncset.s32 $0xFFFFF086  }
0x25: {  	[simem:s6], [sflag:s4] =	dma.local [hbm:s3], $0xF7A  }
0x26: {  	[smem:$0x3F97] =	sst s1;
	(tag) =	ssettag s2;
	_ =	strace s9  }
0x27: {  	s1 =	sld [smem:$0x3FA7]  }
0x28: {  	s2 =	sld [smem:$0x3FA8]  }
0x29: {  	s4 =	sld [smem:$0x3FAA]  }
0x2a: {  	p0 =	seq.s32 s5, $0x0;
	s5 =	sld [smem:$0x3FAB]  }
0x2b: {  	s6 =	sld [smem:$0x3FAC]  }
0x2c: {  	s7 =	sld [smem:$0x3FAD]  }
0x2d: {  	s3 =	simm.s32 $0x108;
	s8 =	sld [smem:$0x3FAE]  }
0x2e: {  	s3 =	simm.s32 @!p0 $0x1082;
	s9 =	sld [smem:$0x3FAF]  }
0x2f: {  	lr =	sadd.s32 s0, s3;
	s0 =	sld [smem:$0x3FA6]  }
0x30: {  	s3 =	sld [smem:$0x3FA9]  }
0x31: {  	[smem:$0x3FB2] =	sst s10  }
0x32: {  	s10 =	sld [smem:$0x3FB0];
	_ =	sdelay $0x3  }
0x33: {  	p0 =	seq.s32 s10, $0x1;
	s10 =	sld [smem:$0x3FB2];
	_ =	sdelay $0x3  }
0x34: {  	[smem:$0x3FB2] =	sst s10  }
0x35: {  	s10 =	sld [smem:$0x3FB1];
	_ =	sdelay $0x3  }
0x36: {  	p1 =	seq.s32 s10, $0x1;
	s10 =	sld [smem:$0x3FB2];
	_ =	sdelay $0x3  }
0x37: {  	[smem:$0x3FB2] =	sst s10  }
0x38: {  	s10 =	sld [smem:$0x3FB3]  }
0x39: {  	_ = 	snop;
	(pc) =	sbr.ind lr, $3  }
0x3a: {  	_ = 	snop  }
0x3b: {  	_ = 	snop  }
0x3c: {  	p2 =	seq.s32 s10, $0x1;
	s10 =	sld [smem:$0x3FB2]  }
0x3d: {  	_ =	shalt  }
0x3e: {  	_ =	shalt  }
0x3f: {  	_ =	shalt  }
0x40: {  	_ =	shalt  }
0x41: {  	_ =	shalt  }
0x42: {  	_ =	shalt  }
0x43: {  	_ =	shalt  }
0x44: {  	_ =	shalt  }
0x45: {  	_ =	shalt  }
0x46: {  	_ =	shalt  }
0x47: {  	_ =	shalt  }
0x48: {  	_ =	shalt  }
0x49: {  	_ =	shalt  }
0x4a: {  	_ =	shalt  }
0x4b: {  	_ =	shalt  }
0x4c: {  	_ =	shalt  }
0x4d: {  	_ =	shalt  }
0x4e: {  	_ =	shalt  }
0x4f: {  	_ =	shalt  }
0x50: {  	_ =	shalt  }
0x51: {  	_ =	shalt  }
0x52: {  	_ =	shalt  }
0x53: {  	_ =	shalt  }
0x54: {  	_ =	shalt  }
0x55: {  	_ =	shalt  }
0x56: {  	_ =	shalt  }
0x57: {  	_ =	shalt  }
0x58: {  	_ =	shalt  }
0x59: {  	_ =	shalt  }
0x5a: {  	_ =	shalt  }
0x5b: {  	_ =	shalt  }
0x5c: {  	_ =	shalt  }
0x5d: {  	_ =	shalt  }
0x5e: {  	_ =	shalt  }
0x5f: {  	_ =	shalt  }
0x60: {  	_ =	shalt  }
0x61: {  	_ =	shalt  }
0x62: {  	_ =	shalt  }
0x63: {  	_ =	shalt  }
0x64: {  	_ =	shalt  }
0x65: {  	_ =	shalt  }
0x66: {  	_ =	shalt  }
0x67: {  	_ =	shalt  }
0x68: {  	_ =	shalt  }
0x69: {  	_ =	shalt  }
0x6a: {  	_ =	shalt  }
0x6b: {  	_ =	shalt  }
0x6c: {  	_ =	shalt  }
0x6d: {  	_ =	shalt  }
0x6e: {  	_ =	shalt  }
0x6f: {  	_ =	shalt  }
0x70: {  	_ =	shalt  }
0x71: {  	_ =	shalt  }
0x72: {  	_ =	shalt  }
0x73: {  	_ =	shalt  }
0x74: {  	_ =	shalt  }
0x75: {  	_ =	shalt  }
0x76: {  	_ =	shalt  }
0x77: {  	_ =	shalt  }
0x78: {  	_ =	shalt  }
0x79: {  	_ =	shalt  }
0x7a: {  	_ =	shalt  }
0x7b: {  	_ =	shalt  }
0x7c: {  	_ =	shalt  }
0x7d: {  	_ =	shalt  }
0x7e: {  	_ =	shalt  }
0x7f: {  	_ =	shalt  }
0x80: {  	_ =	shalt  }
0x81: {  	_ =	shalt  }
0x82: {  	_ =	shalt  }
0x83: {  	_ =	shalt  }
0x84: {  	_ =	shalt  }
0x85: {  	_ =	shalt  }
0x86: {  	_ =	shalt  }
0x87: {  	_ =	shalt  }
.Lfunc_end0:
.L_simem_size_0:
called_computation.1_lowered:
.L_overlay_start_0:
0x88: {  	s2 =	sld [smem:$0x3FD9]  }
0x89: {  	s3 =	sld [smem:$0x3FFE];
	_ =	sdelay $0x1  }
0x8a: {  	s1 =	srdreg.scid  }
0x8b: {  	s0 =	sand.u32 $0x1, s1  }
0x8c: {  	s17 =	sshll.u32 s0, $0xA;
	s2 =	sadd.s32 s3, s2  }
0x8d: {  	s2 =	sadd.s32 s2, s17  }
0x8e: {  	[smem:$0x3FBE] =	sst s2  }
0x8f: {  	_ = 	snop  }
0x90: {  	s2 =	sld [smem:$0x3FD0];
	(tm) =	ssettm $0x1  }
0x91: {  	s18 =	sld [smem:$0x3FFB];
	_ =	sdelay $0x3  }
0x92: {  	_ =	strace s18  }
0x93: {  	s3 =	sld [smem:$0x3FFC];
	_ =	sdelay $0x3  }
0x94: {  	_ =	strace s3  }
0x95: {  	s3 =	sld [smem:$0x3FFD];
	_ =	sdelay $0x3  }
0x96: {  	_ =	strace s3  }
0x97: {  	_ =	strace $0x8FFFFFFF  }
0x98: {  	s19 =	sld [smem:$0x3FDB];
	_ =	sdelay $0x1  }
0x99: {  	s4 =	simm.s32 $_scs_section_size  }
0x9a: {  	s5 =	simm.s32 $_size__tile_overlayer_lowered;
	s6 =	simm.s32 $_tile_overlayer_lowered  }
0x9b: {  	s22 =	simm.s32 $0x1BFF;
	s21 =	sshll.u32 s6, $0x1;
	s3 =	sadd.s32 s4, s19  }
0x9c: {  	s7 =	simm.s32 $0x0;
	s20 =	sshll.u32 s5, $0x1;
	s5 =	sadd.s32 s21, s3  }
0x9d: {  	[timem:s7], [sflag:s22] =	dma.local [hbm:s5], s20  }
0x9e: {  	_ =	swait.ge [sflag:s22], s20  }
0x9f: {  	s4 =	ssub.s32 $0x0, s20;
	[sflag:s22] =	ssyncset.done $0x0  }
0xa0: {  	[sflag:s22] =	ssyncadd.s32 s4;
	_ =	sdelay $0x1  }
0xa1: {  	s23 =	simm.s32 $0x1B8B  }
0xa2: {  	_ =	swait.ge [sflag:s23], $0x1  }
0xa3: {  	[sflag:s23] =	ssyncset.done $0x0  }
0xa4: {  	s25 =	simm.s32 $0x1B8E;
	s24 =	sld [smem:$0x3FFE];
	[sflag:s23] =	ssyncadd.s32 $0xFFFFFFFF  }
0xa5: {  	s26 =	simm.s32 $execute0_lowered;
	[smem:$0x3FD2] =	sst s25  }
0xa6: {  	s5 =	sshll.u32 s26, $0x1;
	_ =	strace $0x80000049;
	[dreg:$0x1] =	wrdreg $0xFFFFFFFF  }
0xa7: {  	s28 =	simm.s32 $_size_execute0_lowered;
	s3 =	sadd.s32 s3, s5;
	[dreg:$0x0] =	wrdreg $0x0  }
0xa8: {  	s5 =	sshll.u32 s28, $0x1;
	[dreg:$0x2] =	wrdreg s3  }
0xa9: {  	[dreg:$0x3] =	wrdreg s5  }
0xaa: {  	[dreg:$0x4] =	wrdreg $0xC0  }
0xab: {  	_ =	task [dreg:s7], $0x5FFFF  }
0xac: {  	[dreg:$0x1] =	wrdreg $0xFFFFFFFF  }
0xad: {  	[dreg:$0x0] =	wrdreg $0x60  }
0xae: {  	[dreg:$0x2] =	wrdreg s24  }
0xaf: {  	[dreg:$0x3] =	wrdreg s2  }
0xb0: {  	[dreg:$0x4] =	wrdreg $0x9  }
0xb1: {  	_ =	task.clear_ibuf [dreg:s7], $0x5FFFF;
	_ =	strace $0x90000049  }
0xb2: {  	s29 =	simm.s32 $0x9;
	_ =	strace $0x8000004B  }
0xb3: {  	_ =	swait.ge [sflag:s29], $0x1  }
0xb4: {  	[sflag:s29] =	ssyncadd.s32 $0xFFFFFFFF  }
0xb5: {  	_ =	strace $0x9000004B  }
0xb6: {  	_ =	sfence  }
0xb7: {  	s30 =	sld [smem:$0x0];
	_ =	sdelay $0x2  }
0xb8: {  	s31 =	sshll.u32 s1, $0xD;
	s1 =	sshrl.u32 s1, $0x2  }
0xb9: {  	s3 =	sand.u32 $0x4000, s31;
	s1 =	sadd.s32 s1, s30  }
0xba: {  	s0 =	sor.u32 s3, s0;
	s1 =	sshll.u32 s1, $0x11  }
0xbb: {  	s0 =	sor.u32 s1, s0  }
0xbc: {  	s0 =	sadd.s32 $0x8F2B, s0  }
0xbd: {  	[sflag:s0] =	ssyncadd.remote.s32 $0x1  }
0xbe: {  	_ =	sfence.sel $0xFFFF  }
0xbf: {  	[dreg:$0x0] =	wrdreg $0xFFFFFFFF;
	(pc) =	sbr.abs _section_cstart, $3  }
0xc0: {  	[dreg:$0x1] =	wrdreg $0xFFFFFFFF  }
0xc1: {  	_ =	task.clear_ibuf [dreg:s7], $0x2FFFF;
	_ =	strace $0x9FFFFFFF  }
0xc2: {  	(tm) =	ssettm $0x7FFFFFFF  }
0xc3: {  	_ =	shalt  }
tec
execute0_lowered:
.L_overlay_start_1:
0x0: {  	(tag) =	ssettag $0x1  }
0x1: {  	s0 =	rddreg [dreg:$0x0]  }
0x2: {  	s1 =	rddreg [dreg:$0x1];
	s2 =	srdreg.scid  }
0x3: {  	s4 =	stileid.u32;
	s28 =	simm.s32 $0xC200;
	s3 =	sand.u32 $0x1, s2  }
0x4: {  	s2 =	simm.s32 $0x0;
	s4 =	sshll.u32 s4, $0x7;
	s9 =	sadd.s32 $0x10000, s0  }
0x5: {  	s8 =	sadd.s32 $0xD0500, s0;
	s5 =	sshll.u32 s3, $0x6;
	[smem:$0x7FF] =	sst s2  }
0x6: {  	s6 =	ssub.s32 $0x2, s3;
	s5 =	sor.u32 s5, s4;
	_ =	strace $0x8000004A  }
0x7: {  	s7 =	sshrl.u32 s6, $0x1;
	s4 =	sadd.s32 $0xD0200, s0;
	s14 =	sshrl.u32 s5, $0x3  }
0x8: {  	s10 =	ssub.s32 s6, s7;
	s6 =	sadd.s32 $0xD0300, s0;
	s7 =	sadd.s32 $0xD0400, s0  }
0x9: {  	s11 =	sshll.u32 s5, $0x7;
	s12 =	sor.u32 $0x10, s5;
	s3 =	sadd.s32 s9, s14  }
0xa: {  	s16 =	sadd.s32 s11, s4;
	s17 =	sshrl.u32 s12, $0x3;
	s14 =	sor.u32 $0x20, s5  }
0xb: {  	s11 =	sadd.s32 s1, s11;
	s22 =	sshll.u32 s12, $0x7;
	s5 =	sor.u32 $0x30, s5  }
0xc: {  	s31 =	smax.u32 s10, $0x1;
	s10 =	simm.s32 $0x12A00;
	[dreg:$0x8] =	wrdreg s11  }
0xd: {  	s12 =	simm.s32 $0x13A00;
	s15 =	sadd.s32 $0x100, s3;
	[dreg:$0x12] =	wrdreg s31  }
0xe: {  	s13 =	sadd.s32 $0x80000, s16;
	s18 =	sadd.s32 $0x102, s3;
	[dreg:$0x3] =	wrdreg s15  }
0xf: {  	s19 =	sshrl.u32 s14, $0x3;
	s21 =	sadd.s32 $0x104, s3;
	[dreg:$0x4] =	wrdreg s13  }
0x10: {  	s23 =	sadd.s32 $0x81000, s16;
	s11 =	sadd.s32 s1, s22;
	[dreg:$0x6] =	wrdreg s18  }
0x11: {  	s24 =	sshrl.u32 s5, $0x3;
	s25 =	sadd.s32 $0x106, s3;
	[dreg:$0xa] =	wrdreg s21  }
0x12: {  	s26 =	sshll.u32 s14, $0x7;
	s0 =	sadd.s32 $0x81800, s16;
	[dreg:$0xb] =	wrdreg s23  }
0x13: {  	s30 =	sshll.u32 s5, $0x7;
	s22 =	simm.s32 $0x10A00;
	[dreg:$0xc] =	wrdreg s11  }
0x14: {  	s5 =	simm.s32 $0x11200;
	s14 =	simm.s32 $0x1;
	[dreg:$0xe] =	wrdreg s25  }
0x15: {  	s13 =	sadd.s32 s9, s17;
	s15 =	sadd.s32 $0x80800, s16;
	[dreg:$0xf] =	wrdreg s0  }
0x16: {  	s20 =	sadd.s32 s9, s19;
	s9 =	sadd.s32 s9, s24;
	[dreg:$0x5] =	wrdreg s13  }
0x17: {  	s29 =	sadd.s32 s1, s26;
	s0 =	sadd.s32 s1, s30;
	[dreg:$0x7] =	wrdreg s15  }
0x18: {  	s24 =	simm.s32 $0x5;
	s26 =	simm.s32 $0x100;
	[dreg:$0x9] =	wrdreg s20  }
0x19: {  	s1 =	simm.s32 $0x10200;
	s23 =	simm.s32 $0x11A00;
	[dreg:$0xd] =	wrdreg s9  }
0x1a: {  	v2 =	vlaneseq.u32;
	s11 =	simm.s32 $0x13200;
	s16 =	simm.s32 $0x2;
	[dreg:$0x10] =	wrdreg s29  }
0x1b: {  	vm0 =	vmmov $0xffff;
	v1 =	vshrl.u32 v2, $0x3;
	s17 =	simm.s32 $0x4;
	s25 =	simm.s32 $0x0;
	[dreg:$0x11] =	wrdreg s0  }
0x1c: {  	v0 =	vand.u32 $0x7, v2;
	v2 =	vor.u32 $0x8, v2;
	v1 =	vmul.u32 $0x8, v1;
	s9 =	simm.s32 $0x12200;
	s13 =	simm.s32 $0x14200;
	s15 =	simm.s32 $0x3  }
.LBB2_1:
0x1d: {  	[tilespmem:s2], [sflag:$0x5] =	stream.linear.gather [hbm4b:s3+s2], $0x10, $0x38;
	[tilespmem:$0x18200] =	vst v63  }
0x1e: {  	_ =	swait.ge [sflag:s24], $0x10  }
0x1f: {  	[sflag:s24] =	ssyncset.done $0x0  }
0x20: {  	s18 =	simm.s32 $0x80;
	s0 =	rddreg [dreg:$0x3];
	[sflag:s24] =	ssyncadd.s32 $0xFFFFFFF0  }
0x21: {  	[tilespmem:s18], [sflag:$0x5] =	stream.linear.gather [hbm4b:s0+s2], $0x10, $0x38;
	[tilespmem:$0x18200] =	vst v63  }
0x22: {  	_ =	swait.ge [sflag:s24], $0x10  }
0x23: {  	[sflag:s24] =	ssyncset.done $0x0  }
0x24: {  	[sflag:s24] =	ssyncadd.s32 $0xFFFFFFF0  }
0x25: {  	v3 =	vld [tilespmem:$0x0];
	_ =	sdelay $0x4  }
0x26: {  	v4 =	vshll.u32 v3, $0x3  }
0x27: {  	v3 =	vand.u32 $0x7, v3;
	v4 =	vand.u32 $0xFFFFFFC0, v4  }
0x28: {  	v3 =	vor.u32 v3, v4  }
0x29: {  	v4 =	vperm.xlane v3, v0;
	_ =	sdelay $0x1  }
0x2a: {  	v4 =	vadd.s32 v1, v4;
	_ =	sdelay $0x4  }
0x2b: {  	[tilespmem:s26], [sflag:$0x1] =	stream.indirect_vreg.gather [hbm4b:s4+s2], $0x80, v4, vm0, $0xb8;
	[tilespmem:$0x18200] =	vst v63  }
0x2c: {  	s31 =	simm.s32 $0x900;
	v3 =	vperm.xlane v3, v2  }
0x2d: {  	[tilespmem:s31], [sflag:$0x1] =	stream.indirect_vreg.gather [hbm4b:s6+s2], $0x80, v4, vm0, $0xb8;
	[tilespmem:$0x18200] =	vst v63  }
0x2e: {  	s18 =	simm.s32 $0x1100;
	v3 =	vadd.s32 v1, v3  }
0x2f: {  	[tilespmem:s18], [sflag:$0x1] =	stream.indirect_vreg.gather [hbm4b:s7+s2], $0x80, v4, vm0, $0xb8;
	[tilespmem:$0x18200] =	vst v63  }
0x30: {  	s19 =	simm.s32 $0x1900  }
0x31: {  	[tilespmem:s19], [sflag:$0x1] =	stream.indirect_vreg.gather [hbm4b:s8+s2], $0x80, v4, vm0, $0xb8;
	[tilespmem:$0x18200] =	vst v63  }
0x32: {  	s20 =	simm.s32 $0x2100  }
0x33: {  	[tilespmem:s20], [sflag:$0x1] =	stream.indirect_vreg.gather [hbm4b:s4+s2], $0x80, v3, vm0, $0xb8;
	[tilespmem:$0x18200] =	vst v63  }
0x34: {  	s21 =	simm.s32 $0x2900  }
0x35: {  	[tilespmem:s21], [sflag:$0x1] =	stream.indirect_vreg.gather [hbm4b:s6+s2], $0x80, v3, vm0, $0xb8;
	[tilespmem:$0x18200] =	vst v63  }
0x36: {  	s29 =	simm.s32 $0x3100  }
0x37: {  	[tilespmem:s29], [sflag:$0x1] =	stream.indirect_vreg.gather [hbm4b:s7+s2], $0x80, v3, vm0, $0xb8;
	[tilespmem:$0x18200] =	vst v63  }
0x38: {  	s30 =	simm.s32 $0x3900  }
0x39: {  	[tilespmem:s30], [sflag:$0x1] =	stream.indirect_vreg.gather [hbm4b:s8+s2], $0x80, v3, vm0, $0xb8;
	[tilespmem:$0x18200] =	vst v63  }
0x3a: {  	v3 =	vld [tilespmem:$0x80];
	_ =	sdelay $0x4  }
0x3b: {  	v61 =	vshll.u32 v3, $0x3  }
0x3c: {  	v3 =	vand.u32 $0x7, v3;
	v4 =	vand.u32 $0xFFFFFFC0, v61  }
0x3d: {  	v3 =	vor.u32 v3, v4  }
0x3e: {  	v4 =	vperm.xlane v3, v0;
	_ =	sdelay $0x1  }
0x3f: {  	v4 =	vadd.s32 v1, v4;
	_ =	sdelay $0x3  }
0x40: {  	s31 =	simm.s32 $0x4100  }
0x41: {  	[tilespmem:s31], [sflag:$0x1] =	stream.indirect_vreg.gather [hbm4b:s4+s2], $0x80, v4, vm0, $0xb8;
	[tilespmem:$0x18200] =	vst v63  }
0x42: {  	s18 =	simm.s32 $0x4900;
	v3 =	vperm.xlane v3, v2  }
0x43: {  	[tilespmem:s18], [sflag:$0x1] =	stream.indirect_vreg.gather [hbm4b:s6+s2], $0x80, v4, vm0, $0xb8;
	[tilespmem:$0x18200] =	vst v63  }
0x44: {  	s19 =	simm.s32 $0x5100;
	v3 =	vadd.s32 v1, v3  }
0x45: {  	[tilespmem:s19], [sflag:$0x1] =	stream.indirect_vreg.gather [hbm4b:s7+s2], $0x80, v4, vm0, $0xb8;
	[tilespmem:$0x18200] =	vst v63  }
0x46: {  	s20 =	simm.s32 $0x5900  }
0x47: {  	[tilespmem:s20], [sflag:$0x1] =	stream.indirect_vreg.gather [hbm4b:s8+s2], $0x80, v4, vm0, $0xb8;
	[tilespmem:$0x18200] =	vst v63  }
0x48: {  	s21 =	simm.s32 $0x6100  }
0x49: {  	[tilespmem:s21], [sflag:$0x1] =	stream.indirect_vreg.gather [hbm4b:s4+s2], $0x80, v3, vm0, $0xb8;
	[tilespmem:$0x18200] =	vst v63  }
0x4a: {  	s29 =	simm.s32 $0x6900  }
0x4b: {  	[tilespmem:s29], [sflag:$0x1] =	stream.indirect_vreg.gather [hbm4b:s6+s2], $0x80, v3, vm0, $0xb8;
	[tilespmem:$0x18200] =	vst v63  }
0x4c: {  	s30 =	simm.s32 $0x7100  }
0x4d: {  	[tilespmem:s30], [sflag:$0x1] =	stream.indirect_vreg.gather [hbm4b:s7+s2], $0x80, v3, vm0, $0xb8;
	[tilespmem:$0x18200] =	vst v63  }
0x4e: {  	s31 =	simm.s32 $0x7900  }
0x4f: {  	[tilespmem:s31], [sflag:$0x1] =	stream.indirect_vreg.gather [hbm4b:s8+s2], $0x80, v3, vm0, $0xb8;
	[tilespmem:$0x18200] =	vst v63  }
0x50: {  	s18 =	rddreg [dreg:$0x4];
	s19 =	simm.s32 $0x8100  }
0x51: {  	[tilespmem:s19], [sflag:$0x1] =	stream.linear.gather [hbm4b:s18+s2], $0x4000, $0x38;
	[tilespmem:$0x18200] =	vst v63  }
0x52: {  	s20 =	rddreg [dreg:$0x5];
	s21 =	simm.s32 $0xC100  }
0x53: {  	[tilespmem:s21], [sflag:$0x5] =	stream.linear.gather [hbm4b:s20+s2], $0x10, $0x38;
	[tilespmem:$0x18200] =	vst v63  }
0x54: {  	_ =	swait.ge [sflag:s24], $0x10  }
0x55: {  	[sflag:s24] =	ssyncset.done $0x0  }
0x56: {  	s30 =	simm.s32 $0xC180;
	s29 =	rddreg [dreg:$0x6];
	[sflag:s24] =	ssyncadd.s32 $0xFFFFFFF0  }
0x57: {  	[tilespmem:s30], [sflag:$0x5] =	stream.linear.gather [hbm4b:s29+s2], $0x10, $0x38;
	[tilespmem:$0x18200] =	vst v63  }
0x58: {  	_ =	swait.ge [sflag:s24], $0x10  }
0x59: {  	[sflag:s24] =	ssyncset.done $0x0  }
0x5a: {  	[sflag:s24] =	ssyncadd.s32 $0xFFFFFFF0  }
0x5b: {  	v3 =	vld [tilespmem:$0xC100];
	_ =	sdelay $0x4  }
0x5c: {  	v62 =	vshll.u32 v3, $0x3  }
0x5d: {  	v3 =	vand.u32 $0x7, v3;
	v4 =	vand.u32 $0xFFFFFFC0, v62  }
0x5e: {  	v3 =	vor.u32 v3, v4  }
0x5f: {  	v4 =	vperm.xlane v3, v0;
	_ =	sdelay $0x1  }
0x60: {  	v4 =	vadd.s32 v1, v4;
	_ =	sdelay $0x4  }
0x61: {  	[tilespmem:s28], [sflag:$0x2] =	stream.indirect_vreg.gather [hbm4b:s4+s2], $0x80, v4, vm0, $0xb8;
	[tilespmem:$0x18200] =	vst v63  }
0x62: {  	s31 =	simm.s32 $0xCA00;
	v3 =	vperm.xlane v3, v2  }
0x63: {  	[tilespmem:s31], [sflag:$0x2] =	stream.indirect_vreg.gather [hbm4b:s6+s2], $0x80, v4, vm0, $0xb8;
	[tilespmem:$0x18200] =	vst v63  }
0x64: {  	s18 =	simm.s32 $0xD200;
	v3 =	vadd.s32 v1, v3  }
0x65: {  	[tilespmem:s18], [sflag:$0x2] =	stream.indirect_vreg.gather [hbm4b:s7+s2], $0x80, v4, vm0, $0xb8;
	[tilespmem:$0x18200] =	vst v63  }
0x66: {  	s19 =	simm.s32 $0xDA00  }
0x67: {  	[tilespmem:s19], [sflag:$0x2] =	stream.indirect_vreg.gather [hbm4b:s8+s2], $0x80, v4, vm0, $0xb8;
	[tilespmem:$0x18200] =	vst v63  }
0x68: {  	s20 =	simm.s32 $0xE200  }
0x69: {  	[tilespmem:s20], [sflag:$0x2] =	stream.indirect_vreg.gather [hbm4b:s4+s2], $0x80, v3, vm0, $0xb8;
	[tilespmem:$0x18200] =	vst v63  }
0x6a: {  	s21 =	simm.s32 $0xEA00  }
0x6b: {  	[tilespmem:s21], [sflag:$0x2] =	stream.indirect_vreg.gather [hbm4b:s6+s2], $0x80, v3, vm0, $0xb8;
	[tilespmem:$0x18200] =	vst v63  }
0x6c: {  	s29 =	simm.s32 $0xF200  }
0x6d: {  	[tilespmem:s29], [sflag:$0x2] =	stream.indirect_vreg.gather [hbm4b:s7+s2], $0x80, v3, vm0, $0xb8;
	[tilespmem:$0x18200] =	vst v63  }
0x6e: {  	s30 =	simm.s32 $0xFA00  }
0x6f: {  	[tilespmem:s30], [sflag:$0x2] =	stream.indirect_vreg.gather [hbm4b:s8+s2], $0x80, v3, vm0, $0xb8;
	[tilespmem:$0x18200] =	vst v63  }
0x70: {  	v3 =	vld [tilespmem:$0xC180];
	_ =	sdelay $0x4  }
0x71: {  	v63 =	vshll.u32 v3, $0x3  }
0x72: {  	v3 =	vand.u32 $0x7, v3;
	v4 =	vand.u32 $0xFFFFFFC0, v63  }
0x73: {  	v3 =	vor.u32 v3, v4  }
0x74: {  	v4 =	vperm.xlane v3, v0;
	_ =	sdelay $0x1  }
0x75: {  	v4 =	vadd.s32 v1, v4;
	_ =	sdelay $0x4  }
0x76: {  	[tilespmem:s1], [sflag:$0x2] =	stream.indirect_vreg.gather [hbm4b:s4+s2], $0x80, v4, vm0, $0xb8;
	[tilespmem:$0x18200] =	vst v63  }
0x77: {  	v3 =	vperm.xlane v3, v2  }
0x78: {  	[tilespmem:s22], [sflag:$0x2] =	stream.indirect_vreg.gather [hbm4b:s6+s2], $0x80, v4, vm0, $0xb8;
	[tilespmem:$0x18200] =	vst v63  }
0x79: {  	v3 =	vadd.s32 v1, v3  }
0x7a: {  	[tilespmem:s5], [sflag:$0x2] =	stream.indirect_vreg.gather [hbm4b:s7+s2], $0x80, v4, vm0, $0xb8;
	[tilespmem:$0x18200] =	vst v63  }
0x7b: {  	_ = 	snop  }
0x7c: {  	[tilespmem:s23], [sflag:$0x2] =	stream.indirect_vreg.gather [hbm4b:s8+s2], $0x80, v4, vm0, $0xb8;
	[tilespmem:$0x18200] =	vst v63  }
0x7d: {  	_ = 	snop  }
0x7e: {  	[tilespmem:s9], [sflag:$0x2] =	stream.indirect_vreg.gather [hbm4b:s4+s2], $0x80, v3, vm0, $0xb8;
	[tilespmem:$0x18200] =	vst v63  }
0x7f: {  	_ = 	snop  }
0x80: {  	[tilespmem:s10], [sflag:$0x2] =	stream.indirect_vreg.gather [hbm4b:s6+s2], $0x80, v3, vm0, $0xb8;
	[tilespmem:$0x18200] =	vst v63  }
0x81: {  	_ = 	snop  }
0x82: {  	[tilespmem:s11], [sflag:$0x2] =	stream.indirect_vreg.gather [hbm4b:s7+s2], $0x80, v3, vm0, $0xb8;
	[tilespmem:$0x18200] =	vst v63  }
0x83: {  	_ = 	snop  }
0x84: {  	[tilespmem:s12], [sflag:$0x2] =	stream.indirect_vreg.gather [hbm4b:s8+s2], $0x80, v3, vm0, $0xb8;
	[tilespmem:$0x18200] =	vst v63  }
0x85: {  	s31 =	rddreg [dreg:$0x7]  }
0x86: {  	[tilespmem:s13], [sflag:$0x2] =	stream.linear.gather [hbm4b:s31+s2], $0x4000, $0x38;
	[tilespmem:$0x18200] =	vst v63  }
0x87: {  	_ =	swait.ge [sflag:s14], $0x4000  }
0x88: {  	[sflag:s14] =	ssyncset.done $0x0  }
0x89: {  	[sflag:s14] =	ssyncadd.s32 $0xFFFFC000  }
0x8a: {  	_ =	swait.ge [sflag:s14], $0x4000  }
0x8b: {  	[sflag:s14] =	ssyncset.done $0x0  }
0x8c: {  	[sflag:s14] =	ssyncadd.s32 $0xFFFFC000  }
0x8d: {  	_ =	swait.ge [sflag:s14], $0x4000  }
0x8e: {  	[sflag:s14] =	ssyncset.done $0x0  }
0x8f: {  	s18 =	simm.s32 $0x0;
	[sflag:s14] =	ssyncadd.s32 $0xFFFFC000  }
.LBB2_2:
0x90: {  	s19 =	sshll.u32 s18, $0xA;
	s20 =	sshll.u32 s18, $0x7  }
0x91: {  	s29 =	simm.s32 $0x0;
	s19 =	sand.u32 $0x2000, s19;
	s20 =	sand.u32 $0x380, s20  }
0x92: {  	s21 =	sand.u32 $0x40, s29;
	s30 =	sor.u32 s19, s20  }
0x93: {  	s31 =	sand.u32 $0x1C00, s29;
	s19 =	sor.u32 s21, s30  }
0x94: {  	s19 =	sor.u32 s31, s19  }
0x95: {  	v7 =	vld [tilespmem:s19+$0x8100]  }
0x96: {  	v8 =	vld [tilespmem:s19+$0x8110]  }
0x97: {  	v6 =	vld [tilespmem:s19+$0x4100]  }
0x98: {  	v5 =	vld [tilespmem:s19+$0x4110]  }
0x99: {  	v4 =	vld [tilespmem:s19+$0x4120]  }
0x9a: {  	v3 =	vld [tilespmem:s19+$0x4130]  }
0x9b: {  	s20 =	simm.s32 $0x40;
	v9 =	vld [tilespmem:s19+$0x100]  }
.LBB2_3:
0x9c: {  	p0 =	sne.s32 s20, $0x3C0;
	v10 =	vld [tilespmem:s19+$0x110]  }
0x9d: {  	v11 =	vld [tilespmem:s19+$0x120]  }
0x9e: {  	s31 =	sand.u32 $0x40, s20;
	s29 =	sadd.s32 $0x200, s29;
	v12 =	vld [tilespmem:s19+$0x130]  }
0x9f: {  	s21 =	sand.u32 $0x1C00, s29;
	s31 =	sor.u32 s31, s30;
	v13 =	vld [tilespmem:s19+$0x8120]  }
0xa0: {  	s21 =	sor.u32 s21, s31;
	v6 =	vadd.f32 v6, v9;
	v9 =	vld [tilespmem:s19+$0x8130]  }
0xa1: {  	v14 =	vld [tilespmem:s21+$0x8100];
	v5 =	vadd.f32 v5, v10  }
0xa2: {  	v10 =	vld [tilespmem:s21+$0x8110];
	v7 =	vadd.f32 v7, v6;
	v4 =	vadd.f32 v4, v11  }
.Ltmp0:
0xa3: {  	v6 =	vld [tilespmem:s21+$0x4100];
	v8 =	vadd.f32 v8, v5;
	v3 =	vadd.f32 v3, v12;
	(pc) =	sbr.rel @p0 .LBB2_3-.Ltmp0, $4  }
0xa4: {  	v5 =	vld [tilespmem:s21+$0x4110];
	[tilespmem:s19+$0x100] =	vst v7;
	v11 =	vadd.f32 v13, v4  }
0xa5: {  	v4 =	vld [tilespmem:s21+$0x4120];
	[tilespmem:s19+$0x110] =	vst v8;
	v12 =	vadd.f32 v9, v3  }
0xa6: {  	v3 =	vld [tilespmem:s21+$0x4130];
	[tilespmem:s19+$0x120] =	vst v11;
	v7 =	vmov v14  }
0xa7: {  	s20 =	sadd.s32 $0x40, s20;
	v9 =	vld [tilespmem:s21+$0x100];
	[tilespmem:s19+$0x130] =	vst v12;
	v8 =	vmov v10;
	s19 =	smov.u32 s21  }
0xa8: {  	v10 =	vld [tilespmem:s19+$0x110]  }
0xa9: {  	v11 =	vld [tilespmem:s19+$0x120]  }
0xaa: {  	v12 =	vld [tilespmem:s19+$0x130]  }
0xab: {  	v13 =	vld [tilespmem:s19+$0x8120]  }
0xac: {  	v63 =	vld [tilespmem:s19+$0x8130];
	v6 =	vadd.f32 v6, v9  }
0xad: {  	s18 =	sadd.s32 $0x1, s18;
	v5 =	vadd.f32 v5, v10  }
0xae: {  	p0 =	sne.s32 s18, $0x10;
	v4 =	vadd.f32 v4, v11;
	v6 =	vadd.f32 v7, v6  }
.Ltmp1:
0xaf: {  	v3 =	vadd.f32 v3, v12;
	v5 =	vadd.f32 v8, v5;
	(pc) =	sbr.rel @p0 .LBB2_2-.Ltmp1, $4  }
0xb0: {  	v4 =	vadd.f32 v13, v4;
	[tilespmem:s19+$0x100] =	vst v6  }
0xb1: {  	v3 =	vadd.f32 v63, v3;
	[tilespmem:s19+$0x110] =	vst v5  }
0xb2: {  	[tilespmem:s19+$0x120] =	vst v4  }
0xb3: {  	[tilespmem:s19+$0x130] =	vst v3  }
0xb4: {  	s18 =	simm.s32 $0x0;
	s0 =	rddreg [dreg:$0x8]  }
0xb5: {  	[hbm4b:s0+s18] =	stream.linear.scatter [tilespmem:s26], [sflag:$0x3], $0x4000, $0x38;
	[tilespmem:$0x18200] =	vst v63  }
0xb6: {  	_ =	swait.ge [sflag:s15], $0x4000  }
0xb7: {  	[sflag:s15] =	ssyncset.done $0x0  }
0xb8: {  	s30 =	rddreg [dreg:$0x9];
	[sflag:s15] =	ssyncadd.s32 $0xFFFFC000  }
0xb9: {  	[tilespmem:s18], [sflag:$0x5] =	stream.linear.gather [hbm4b:s30+s18], $0x10, $0x38;
	[tilespmem:$0x18200] =	vst v63  }
0xba: {  	_ =	swait.ge [sflag:s24], $0x10  }
0xbb: {  	[sflag:s24] =	ssyncset.done $0x0  }
0xbc: {  	s19 =	simm.s32 $0x80;
	s31 =	rddreg [dreg:$0xa];
	[sflag:s24] =	ssyncadd.s32 $0xFFFFFFF0  }
0xbd: {  	[tilespmem:s19], [sflag:$0x5] =	stream.linear.gather [hbm4b:s31+s18], $0x10, $0x38;
	[tilespmem:$0x18200] =	vst v63  }
0xbe: {  	_ =	swait.ge [sflag:s24], $0x10  }
0xbf: {  	[sflag:s24] =	ssyncset.done $0x0  }
0xc0: {  	[sflag:s24] =	ssyncadd.s32 $0xFFFFFFF0  }
0xc1: {  	v3 =	vld [tilespmem:$0x0];
	_ =	sdelay $0x4  }
0xc2: {  	v4 =	vshll.u32 v3, $0x3  }
0xc3: {  	v3 =	vand.u32 $0x7, v3;
	v4 =	vand.u32 $0xFFFFFFC0, v4  }
0xc4: {  	v3 =	vor.u32 v3, v4  }
0xc5: {  	v4 =	vperm.xlane v3, v0;
	_ =	sdelay $0x1  }
0xc6: {  	v4 =	vadd.s32 v1, v4;
	_ =	sdelay $0x4  }
0xc7: {  	[tilespmem:s26], [sflag:$0x1] =	stream.indirect_vreg.gather [hbm4b:s4+s18], $0x80, v4, vm0, $0xb8;
	[tilespmem:$0x18200] =	vst v63  }
0xc8: {  	s20 =	simm.s32 $0x900;
	v3 =	vperm.xlane v3, v2  }
0xc9: {  	[tilespmem:s20], [sflag:$0x1] =	stream.indirect_vreg.gather [hbm4b:s6+s18], $0x80, v4, vm0, $0xb8;
	[tilespmem:$0x18200] =	vst v63  }
0xca: {  	s21 =	simm.s32 $0x1100;
	v3 =	vadd.s32 v1, v3  }
0xcb: {  	[tilespmem:s21], [sflag:$0x1] =	stream.indirect_vreg.gather [hbm4b:s7+s18], $0x80, v4, vm0, $0xb8;
	[tilespmem:$0x18200] =	vst v63  }
0xcc: {  	s29 =	simm.s32 $0x1900  }
0xcd: {  	[tilespmem:s29], [sflag:$0x1] =	stream.indirect_vreg.gather [hbm4b:s8+s18], $0x80, v4, vm0, $0xb8;
	[tilespmem:$0x18200] =	vst v63  }
0xce: {  	s30 =	simm.s32 $0x2100  }
0xcf: {  	[tilespmem:s30], [sflag:$0x1] =	stream.indirect_vreg.gather [hbm4b:s4+s18], $0x80, v3, vm0, $0xb8;
	[tilespmem:$0x18200] =	vst v63  }
0xd0: {  	s31 =	simm.s32 $0x2900  }
0xd1: {  	[tilespmem:s31], [sflag:$0x1] =	stream.indirect_vreg.gather [hbm4b:s6+s18], $0x80, v3, vm0, $0xb8;
	[tilespmem:$0x18200] =	vst v63  }
0xd2: {  	s19 =	simm.s32 $0x3100  }
0xd3: {  	[tilespmem:s19], [sflag:$0x1] =	stream.indirect_vreg.gather [hbm4b:s7+s18], $0x80, v3, vm0, $0xb8;
	[tilespmem:$0x18200] =	vst v63  }
0xd4: {  	s20 =	simm.s32 $0x3900  }
0xd5: {  	[tilespmem:s20], [sflag:$0x1] =	stream.indirect_vreg.gather [hbm4b:s8+s18], $0x80, v3, vm0, $0xb8;
	[tilespmem:$0x18200] =	vst v63  }
0xd6: {  	v3 =	vld [tilespmem:$0x80];
	_ =	sdelay $0x4  }
0xd7: {  	v63 =	vshll.u32 v3, $0x3  }
0xd8: {  	v3 =	vand.u32 $0x7, v3;
	v4 =	vand.u32 $0xFFFFFFC0, v63  }
0xd9: {  	v3 =	vor.u32 v3, v4  }
0xda: {  	v4 =	vperm.xlane v3, v0;
	_ =	sdelay $0x1  }
0xdb: {  	v4 =	vadd.s32 v1, v4;
	_ =	sdelay $0x3  }
0xdc: {  	s21 =	simm.s32 $0x4100  }
0xdd: {  	[tilespmem:s21], [sflag:$0x1] =	stream.indirect_vreg.gather [hbm4b:s4+s18], $0x80, v4, vm0, $0xb8;
	[tilespmem:$0x18200] =	vst v63  }
0xde: {  	s29 =	simm.s32 $0x4900;
	v3 =	vperm.xlane v3, v2  }
0xdf: {  	[tilespmem:s29], [sflag:$0x1] =	stream.indirect_vreg.gather [hbm4b:s6+s18], $0x80, v4, vm0, $0xb8;
	[tilespmem:$0x18200] =	vst v63  }
0xe0: {  	s30 =	simm.s32 $0x5100;
	v3 =	vadd.s32 v1, v3  }
0xe1: {  	[tilespmem:s30], [sflag:$0x1] =	stream.indirect_vreg.gather [hbm4b:s7+s18], $0x80, v4, vm0, $0xb8;
	[tilespmem:$0x18200] =	vst v63  }
0xe2: {  	s31 =	simm.s32 $0x5900  }
0xe3: {  	[tilespmem:s31], [sflag:$0x1] =	stream.indirect_vreg.gather [hbm4b:s8+s18], $0x80, v4, vm0, $0xb8;
	[tilespmem:$0x18200] =	vst v63  }
0xe4: {  	s19 =	simm.s32 $0x6100  }
0xe5: {  	[tilespmem:s19], [sflag:$0x1] =	stream.indirect_vreg.gather [hbm4b:s4+s18], $0x80, v3, vm0, $0xb8;
	[tilespmem:$0x18200] =	vst v63  }
0xe6: {  	s20 =	simm.s32 $0x6900  }
0xe7: {  	[tilespmem:s20], [sflag:$0x1] =	stream.indirect_vreg.gather [hbm4b:s6+s18], $0x80, v3, vm0, $0xb8;
	[tilespmem:$0x18200] =	vst v63  }
0xe8: {  	s21 =	simm.s32 $0x7100  }
0xe9: {  	[tilespmem:s21], [sflag:$0x1] =	stream.indirect_vreg.gather [hbm4b:s7+s18], $0x80, v3, vm0, $0xb8;
	[tilespmem:$0x18200] =	vst v63  }
0xea: {  	s29 =	simm.s32 $0x7900  }
0xeb: {  	[tilespmem:s29], [sflag:$0x1] =	stream.indirect_vreg.gather [hbm4b:s8+s18], $0x80, v3, vm0, $0xb8;
	[tilespmem:$0x18200] =	vst v63  }
0xec: {  	s30 =	rddreg [dreg:$0xb];
	s31 =	simm.s32 $0x8100  }
0xed: {  	[tilespmem:s31], [sflag:$0x1] =	stream.linear.gather [hbm4b:s30+s18], $0x4000, $0x38;
	[tilespmem:$0x18200] =	vst v63  }
0xee: {  	_ =	swait.ge [sflag:s16], $0x4000  }
0xef: {  	[sflag:s16] =	ssyncset.done $0x0  }
0xf0: {  	[sflag:s16] =	ssyncadd.s32 $0xFFFFC000  }
0xf1: {  	_ =	swait.ge [sflag:s16], $0x4000  }
0xf2: {  	[sflag:s16] =	ssyncset.done $0x0  }
0xf3: {  	[sflag:s16] =	ssyncadd.s32 $0xFFFFC000  }
0xf4: {  	_ =	swait.ge [sflag:s16], $0x4000  }
0xf5: {  	[sflag:s16] =	ssyncset.done $0x0  }
0xf6: {  	s19 =	simm.s32 $0x0;
	[sflag:s16] =	ssyncadd.s32 $0xFFFFC000  }
.LBB2_6:
0xf7: {  	s20 =	sshll.u32 s19, $0xA;
	s21 =	sshll.u32 s19, $0x7  }
0xf8: {  	s20 =	sand.u32 $0x2000, s20;
	s21 =	sand.u32 $0x380, s21  }
0xf9: {  	s30 =	sor.u32 s20, s21;
	s21 =	sand.u32 $0x40, s18  }
0xfa: {  	s0 =	sand.u32 $0x1C00, s18;
	s20 =	sor.u32 s21, s30  }
0xfb: {  	s29 =	sor.u32 s0, s20  }
0xfc: {  	v7 =	vld [tilespmem:s29+$0x14200]  }
0xfd: {  	v8 =	vld [tilespmem:s29+$0x14210]  }
0xfe: {  	v6 =	vld [tilespmem:s29+$0x10200]  }
0xff: {  	v5 =	vld [tilespmem:s29+$0x10210]  }
0x100: {  	v4 =	vld [tilespmem:s29+$0x10220]  }
0x101: {  	v3 =	vld [tilespmem:s29+$0x10230]  }
0x102: {  	s31 =	simm.s32 $0x0;
	s20 =	simm.s32 $0x40;
	v9 =	vld [tilespmem:s29+$0xC200]  }
.LBB2_7:
0x103: {  	p0 =	sne.s32 s20, $0x3C0;
	v10 =	vld [tilespmem:s29+$0xC210]  }
0x104: {  	v11 =	vld [tilespmem:s29+$0xC220]  }
0x105: {  	s21 =	sand.u32 $0x40, s20;
	s31 =	sadd.s32 $0x200, s31;
	v12 =	vld [tilespmem:s29+$0xC230]  }
0x106: {  	s0 =	sand.u32 $0x1C00, s31;
	s21 =	sor.u32 s21, s30;
	v13 =	vld [tilespmem:s29+$0x14220]  }
0x107: {  	s0 =	sor.u32 s0, s21;
	v6 =	vadd.f32 v6, v9;
	v9 =	vld [tilespmem:s29+$0x14230]  }
0x108: {  	v14 =	vld [tilespmem:s0+$0x14200];
	v5 =	vadd.f32 v5, v10  }
0x109: {  	v10 =	vld [tilespmem:s0+$0x14210];
	v7 =	vadd.f32 v7, v6;
	v4 =	vadd.f32 v4, v11  }
.Ltmp2:
0x10a: {  	v6 =	vld [tilespmem:s0+$0x10200];
	v8 =	vadd.f32 v8, v5;
	v3 =	vadd.f32 v3, v12;
	(pc) =	sbr.rel @p0 .LBB2_7-.Ltmp2, $4  }
0x10b: {  	v5 =	vld [tilespmem:s0+$0x10210];
	[tilespmem:s29+$0xC200] =	vst v7;
	v11 =	vadd.f32 v13, v4  }
0x10c: {  	v4 =	vld [tilespmem:s0+$0x10220];
	[tilespmem:s29+$0xC210] =	vst v8;
	v12 =	vadd.f32 v9, v3  }
0x10d: {  	v3 =	vld [tilespmem:s0+$0x10230];
	[tilespmem:s29+$0xC220] =	vst v11;
	v7 =	vmov v14  }
0x10e: {  	s20 =	sadd.s32 $0x40, s20;
	v9 =	vld [tilespmem:s0+$0xC200];
	[tilespmem:s29+$0xC230] =	vst v12;
	v8 =	vmov v10;
	s29 =	smov.u32 s0  }
0x10f: {  	v10 =	vld [tilespmem:s29+$0xC210]  }
0x110: {  	v11 =	vld [tilespmem:s29+$0xC220]  }
0x111: {  	v12 =	vld [tilespmem:s29+$0xC230]  }
0x112: {  	v13 =	vld [tilespmem:s29+$0x14220]  }
0x113: {  	v63 =	vld [tilespmem:s29+$0x14230];
	v6 =	vadd.f32 v6, v9  }
0x114: {  	s19 =	sadd.s32 $0x1, s19;
	v5 =	vadd.f32 v5, v10  }
0x115: {  	p0 =	sne.s32 s19, $0x10;
	v4 =	vadd.f32 v4, v11;
	v6 =	vadd.f32 v7, v6  }
.Ltmp3:
0x116: {  	v3 =	vadd.f32 v3, v12;
	v5 =	vadd.f32 v8, v5;
	(pc) =	sbr.rel @p0 .LBB2_6-.Ltmp3, $4  }
0x117: {  	v4 =	vadd.f32 v13, v4;
	[tilespmem:s29+$0xC200] =	vst v6  }
0x118: {  	v3 =	vadd.f32 v63, v3;
	[tilespmem:s29+$0xC210] =	vst v5  }
0x119: {  	[tilespmem:s29+$0xC220] =	vst v4  }
0x11a: {  	[tilespmem:s29+$0xC230] =	vst v3  }
0x11b: {  	s18 =	simm.s32 $0x0;
	s0 =	rddreg [dreg:$0xc]  }
0x11c: {  	[hbm4b:s0+s18] =	stream.linear.scatter [tilespmem:s28], [sflag:$0x4], $0x4000, $0x38;
	[tilespmem:$0x18200] =	vst v63  }
0x11d: {  	_ =	swait.ge [sflag:s17], $0x4000  }
0x11e: {  	[sflag:s17] =	ssyncset.done $0x0  }
0x11f: {  	s19 =	simm.s32 $0xC100;
	s20 =	rddreg [dreg:$0xd];
	[sflag:s17] =	ssyncadd.s32 $0xFFFFC000  }
0x120: {  	[tilespmem:s19], [sflag:$0x5] =	stream.linear.gather [hbm4b:s20+s18], $0x10, $0x38;
	[tilespmem:$0x18200] =	vst v63  }
0x121: {  	_ =	swait.ge [sflag:s24], $0x10  }
0x122: {  	[sflag:s24] =	ssyncset.done $0x0  }
0x123: {  	s29 =	simm.s32 $0xC180;
	s21 =	rddreg [dreg:$0xe];
	[sflag:s24] =	ssyncadd.s32 $0xFFFFFFF0  }
0x124: {  	[tilespmem:s29], [sflag:$0x5] =	stream.linear.gather [hbm4b:s21+s18], $0x10, $0x38;
	[tilespmem:$0x18200] =	vst v63  }
0x125: {  	_ =	swait.ge [sflag:s24], $0x10  }
0x126: {  	[sflag:s24] =	ssyncset.done $0x0  }
0x127: {  	[sflag:s24] =	ssyncadd.s32 $0xFFFFFFF0  }
0x128: {  	v3 =	vld [tilespmem:$0xC100];
	_ =	sdelay $0x4  }
0x129: {  	v4 =	vshll.u32 v3, $0x3  }
0x12a: {  	v3 =	vand.u32 $0x7, v3;
	v4 =	vand.u32 $0xFFFFFFC0, v4  }
0x12b: {  	v3 =	vor.u32 v3, v4  }
0x12c: {  	v4 =	vperm.xlane v3, v0;
	_ =	sdelay $0x1  }
0x12d: {  	v4 =	vadd.s32 v1, v4;
	_ =	sdelay $0x4  }
0x12e: {  	[tilespmem:s28], [sflag:$0x2] =	stream.indirect_vreg.gather [hbm4b:s4+s18], $0x80, v4, vm0, $0xb8;
	[tilespmem:$0x18200] =	vst v63  }
0x12f: {  	s30 =	simm.s32 $0xCA00;
	v3 =	vperm.xlane v3, v2  }
0x130: {  	[tilespmem:s30], [sflag:$0x2] =	stream.indirect_vreg.gather [hbm4b:s6+s18], $0x80, v4, vm0, $0xb8;
	[tilespmem:$0x18200] =	vst v63  }
0x131: {  	s31 =	simm.s32 $0xD200;
	v3 =	vadd.s32 v1, v3  }
0x132: {  	[tilespmem:s31], [sflag:$0x2] =	stream.indirect_vreg.gather [hbm4b:s7+s18], $0x80, v4, vm0, $0xb8;
	[tilespmem:$0x18200] =	vst v63  }
0x133: {  	s19 =	simm.s32 $0xDA00  }
0x134: {  	[tilespmem:s19], [sflag:$0x2] =	stream.indirect_vreg.gather [hbm4b:s8+s18], $0x80, v4, vm0, $0xb8;
	[tilespmem:$0x18200] =	vst v63  }
0x135: {  	s20 =	simm.s32 $0xE200  }
0x136: {  	[tilespmem:s20], [sflag:$0x2] =	stream.indirect_vreg.gather [hbm4b:s4+s18], $0x80, v3, vm0, $0xb8;
	[tilespmem:$0x18200] =	vst v63  }
0x137: {  	s21 =	simm.s32 $0xEA00  }
0x138: {  	[tilespmem:s21], [sflag:$0x2] =	stream.indirect_vreg.gather [hbm4b:s6+s18], $0x80, v3, vm0, $0xb8;
	[tilespmem:$0x18200] =	vst v63  }
0x139: {  	s29 =	simm.s32 $0xF200  }
0x13a: {  	[tilespmem:s29], [sflag:$0x2] =	stream.indirect_vreg.gather [hbm4b:s7+s18], $0x80, v3, vm0, $0xb8;
	[tilespmem:$0x18200] =	vst v63  }
0x13b: {  	s30 =	simm.s32 $0xFA00  }
0x13c: {  	[tilespmem:s30], [sflag:$0x2] =	stream.indirect_vreg.gather [hbm4b:s8+s18], $0x80, v3, vm0, $0xb8;
	[tilespmem:$0x18200] =	vst v63  }
0x13d: {  	v3 =	vld [tilespmem:$0xC180];
	_ =	sdelay $0x4  }
0x13e: {  	v63 =	vshll.u32 v3, $0x3  }
0x13f: {  	v3 =	vand.u32 $0x7, v3;
	v4 =	vand.u32 $0xFFFFFFC0, v63  }
0x140: {  	v3 =	vor.u32 v3, v4  }
0x141: {  	v4 =	vperm.xlane v3, v0;
	_ =	sdelay $0x1  }
0x142: {  	v4 =	vadd.s32 v1, v4;
	_ =	sdelay $0x4  }
0x143: {  	[tilespmem:s1], [sflag:$0x2] =	stream.indirect_vreg.gather [hbm4b:s4+s18], $0x80, v4, vm0, $0xb8;
	[tilespmem:$0x18200] =	vst v63  }
0x144: {  	v3 =	vperm.xlane v3, v2  }
0x145: {  	[tilespmem:s22], [sflag:$0x2] =	stream.indirect_vreg.gather [hbm4b:s6+s18], $0x80, v4, vm0, $0xb8;
	[tilespmem:$0x18200] =	vst v63  }
0x146: {  	v3 =	vadd.s32 v1, v3  }
0x147: {  	[tilespmem:s5], [sflag:$0x2] =	stream.indirect_vreg.gather [hbm4b:s7+s18], $0x80, v4, vm0, $0xb8;
	[tilespmem:$0x18200] =	vst v63  }
0x148: {  	_ = 	snop  }
0x149: {  	[tilespmem:s23], [sflag:$0x2] =	stream.indirect_vreg.gather [hbm4b:s8+s18], $0x80, v4, vm0, $0xb8;
	[tilespmem:$0x18200] =	vst v63  }
0x14a: {  	_ = 	snop  }
0x14b: {  	[tilespmem:s9], [sflag:$0x2] =	stream.indirect_vreg.gather [hbm4b:s4+s18], $0x80, v3, vm0, $0xb8;
	[tilespmem:$0x18200] =	vst v63  }
0x14c: {  	_ = 	snop  }
0x14d: {  	[tilespmem:s10], [sflag:$0x2] =	stream.indirect_vreg.gather [hbm4b:s6+s18], $0x80, v3, vm0, $0xb8;
	[tilespmem:$0x18200] =	vst v63  }
0x14e: {  	_ = 	snop  }
0x14f: {  	[tilespmem:s11], [sflag:$0x2] =	stream.indirect_vreg.gather [hbm4b:s7+s18], $0x80, v3, vm0, $0xb8;
	[tilespmem:$0x18200] =	vst v63  }
0x150: {  	_ = 	snop  }
0x151: {  	[tilespmem:s12], [sflag:$0x2] =	stream.indirect_vreg.gather [hbm4b:s8+s18], $0x80, v3, vm0, $0xb8;
	[tilespmem:$0x18200] =	vst v63  }
0x152: {  	s31 =	rddreg [dreg:$0xf]  }
0x153: {  	[tilespmem:s13], [sflag:$0x2] =	stream.linear.gather [hbm4b:s31+s18], $0x4000, $0x38;
	[tilespmem:$0x18200] =	vst v63  }
0x154: {  	_ =	swait.ge [sflag:s14], $0x4000  }
0x155: {  	[sflag:s14] =	ssyncset.done $0x0  }
0x156: {  	[sflag:s14] =	ssyncadd.s32 $0xFFFFC000  }
0x157: {  	_ =	swait.ge [sflag:s14], $0x4000  }
0x158: {  	[sflag:s14] =	ssyncset.done $0x0  }
0x159: {  	[sflag:s14] =	ssyncadd.s32 $0xFFFFC000  }
0x15a: {  	_ =	swait.ge [sflag:s14], $0x4000  }
0x15b: {  	[sflag:s14] =	ssyncset.done $0x0  }
0x15c: {  	s19 =	simm.s32 $0x0;
	[sflag:s14] =	ssyncadd.s32 $0xFFFFC000  }
.LBB2_10:
0x15d: {  	s0 =	sshll.u32 s19, $0xA;
	s20 =	sshll.u32 s19, $0x7  }
0x15e: {  	s0 =	sand.u32 $0x2000, s0;
	s20 =	sand.u32 $0x380, s20  }
0x15f: {  	s30 =	sor.u32 s0, s20;
	s20 =	sand.u32 $0x40, s18  }
0x160: {  	s21 =	sand.u32 $0x1C00, s18;
	s0 =	sor.u32 s20, s30  }
0x161: {  	s29 =	sor.u32 s21, s0  }
0x162: {  	v7 =	vld [tilespmem:s29+$0x8100]  }
0x163: {  	v8 =	vld [tilespmem:s29+$0x8110]  }
0x164: {  	v6 =	vld [tilespmem:s29+$0x4100]  }
0x165: {  	v5 =	vld [tilespmem:s29+$0x4110]  }
0x166: {  	v4 =	vld [tilespmem:s29+$0x4120]  }
0x167: {  	v3 =	vld [tilespmem:s29+$0x4130]  }
0x168: {  	s31 =	simm.s32 $0x0;
	s20 =	simm.s32 $0x40;
	v9 =	vld [tilespmem:s29+$0x100]  }
.LBB2_11:
0x169: {  	p0 =	sne.s32 s20, $0x3C0;
	v10 =	vld [tilespmem:s29+$0x110]  }
0x16a: {  	v11 =	vld [tilespmem:s29+$0x120]  }
0x16b: {  	s0 =	sand.u32 $0x40, s20;
	s31 =	sadd.s32 $0x200, s31;
	v12 =	vld [tilespmem:s29+$0x130]  }
0x16c: {  	s21 =	sand.u32 $0x1C00, s31;
	s0 =	sor.u32 s0, s30;
	v13 =	vld [tilespmem:s29+$0x8120]  }
0x16d: {  	s0 =	sor.u32 s21, s0;
	v6 =	vadd.f32 v6, v9;
	v9 =	vld [tilespmem:s29+$0x8130]  }
0x16e: {  	v14 =	vld [tilespmem:s0+$0x8100];
	v5 =	vadd.f32 v5, v10  }
0x16f: {  	v10 =	vld [tilespmem:s0+$0x8110];
	v7 =	vadd.f32 v7, v6;
	v4 =	vadd.f32 v4, v11  }
.Ltmp4:
0x170: {  	v6 =	vld [tilespmem:s0+$0x4100];
	v8 =	vadd.f32 v8, v5;
	v3 =	vadd.f32 v3, v12;
	(pc) =	sbr.rel @p0 .LBB2_11-.Ltmp4, $4  }
0x171: {  	v5 =	vld [tilespmem:s0+$0x4110];
	[tilespmem:s29+$0x100] =	vst v7;
	v11 =	vadd.f32 v13, v4  }
0x172: {  	v4 =	vld [tilespmem:s0+$0x4120];
	[tilespmem:s29+$0x110] =	vst v8;
	v12 =	vadd.f32 v9, v3  }
0x173: {  	v3 =	vld [tilespmem:s0+$0x4130];
	[tilespmem:s29+$0x120] =	vst v11;
	v7 =	vmov v14  }
0x174: {  	s20 =	sadd.s32 $0x40, s20;
	v9 =	vld [tilespmem:s0+$0x100];
	[tilespmem:s29+$0x130] =	vst v12;
	v8 =	vmov v10;
	s29 =	smov.u32 s0  }
0x175: {  	v10 =	vld [tilespmem:s29+$0x110]  }
0x176: {  	v11 =	vld [tilespmem:s29+$0x120]  }
0x177: {  	v12 =	vld [tilespmem:s29+$0x130]  }
0x178: {  	v13 =	vld [tilespmem:s29+$0x8120]  }
0x179: {  	v63 =	vld [tilespmem:s29+$0x8130];
	v6 =	vadd.f32 v6, v9  }
0x17a: {  	s19 =	sadd.s32 $0x1, s19;
	v5 =	vadd.f32 v5, v10  }
0x17b: {  	p0 =	sne.s32 s19, $0x10;
	v4 =	vadd.f32 v4, v11;
	v6 =	vadd.f32 v7, v6  }
.Ltmp5:
0x17c: {  	v3 =	vadd.f32 v3, v12;
	v5 =	vadd.f32 v8, v5;
	(pc) =	sbr.rel @p0 .LBB2_10-.Ltmp5, $4  }
0x17d: {  	v4 =	vadd.f32 v13, v4;
	[tilespmem:s29+$0x100] =	vst v6  }
0x17e: {  	v3 =	vadd.f32 v63, v3;
	[tilespmem:s29+$0x110] =	vst v5  }
0x17f: {  	[tilespmem:s29+$0x120] =	vst v4  }
0x180: {  	[tilespmem:s29+$0x130] =	vst v3  }
0x181: {  	s18 =	simm.s32 $0x0;
	s0 =	rddreg [dreg:$0x10]  }
0x182: {  	[hbm4b:s0+s18] =	stream.linear.scatter [tilespmem:s26], [sflag:$0x3], $0x4000, $0x38;
	[tilespmem:$0x18200] =	vst v63  }
0x183: {  	_ =	swait.ge [sflag:s16], $0x4000  }
0x184: {  	[sflag:s16] =	ssyncset.done $0x0  }
0x185: {  	[sflag:s16] =	ssyncadd.s32 $0xFFFFC000  }
0x186: {  	_ =	swait.ge [sflag:s16], $0x4000  }
0x187: {  	[sflag:s16] =	ssyncset.done $0x0  }
0x188: {  	[sflag:s16] =	ssyncadd.s32 $0xFFFFC000  }
0x189: {  	_ =	swait.ge [sflag:s16], $0x4000  }
0x18a: {  	[sflag:s16] =	ssyncset.done $0x0  }
0x18b: {  	s19 =	simm.s32 $0x0;
	[sflag:s16] =	ssyncadd.s32 $0xFFFFC000  }
.LBB2_14:
0x18c: {  	s0 =	sshll.u32 s19, $0xA;
	s20 =	sshll.u32 s19, $0x7  }
0x18d: {  	s0 =	sand.u32 $0x2000, s0;
	s20 =	sand.u32 $0x380, s20  }
0x18e: {  	s30 =	sor.u32 s0, s20;
	s20 =	sand.u32 $0x40, s18  }
0x18f: {  	s21 =	sand.u32 $0x1C00, s18;
	s0 =	sor.u32 s20, s30  }
0x190: {  	s29 =	sor.u32 s21, s0  }
0x191: {  	v7 =	vld [tilespmem:s29+$0x14200]  }
0x192: {  	v8 =	vld [tilespmem:s29+$0x14210]  }
0x193: {  	v6 =	vld [tilespmem:s29+$0x10200]  }
0x194: {  	v5 =	vld [tilespmem:s29+$0x10210]  }
0x195: {  	v4 =	vld [tilespmem:s29+$0x10220]  }
0x196: {  	v3 =	vld [tilespmem:s29+$0x10230]  }
0x197: {  	s31 =	simm.s32 $0x0;
	s20 =	simm.s32 $0x40;
	v9 =	vld [tilespmem:s29+$0xC200]  }
.LBB2_15:
0x198: {  	p0 =	sne.s32 s20, $0x3C0;
	v10 =	vld [tilespmem:s29+$0xC210]  }
0x199: {  	v11 =	vld [tilespmem:s29+$0xC220]  }
0x19a: {  	s0 =	sand.u32 $0x40, s20;
	s31 =	sadd.s32 $0x200, s31;
	v12 =	vld [tilespmem:s29+$0xC230]  }
0x19b: {  	s21 =	sand.u32 $0x1C00, s31;
	s0 =	sor.u32 s0, s30;
	v13 =	vld [tilespmem:s29+$0x14220]  }
0x19c: {  	s0 =	sor.u32 s21, s0;
	v6 =	vadd.f32 v6, v9;
	v9 =	vld [tilespmem:s29+$0x14230]  }
0x19d: {  	v14 =	vld [tilespmem:s0+$0x14200];
	v5 =	vadd.f32 v5, v10  }
0x19e: {  	v10 =	vld [tilespmem:s0+$0x14210];
	v7 =	vadd.f32 v7, v6;
	v4 =	vadd.f32 v4, v11  }
.Ltmp6:
0x19f: {  	v6 =	vld [tilespmem:s0+$0x10200];
	v8 =	vadd.f32 v8, v5;
	v3 =	vadd.f32 v3, v12;
	(pc) =	sbr.rel @p0 .LBB2_15-.Ltmp6, $4  }
0x1a0: {  	v5 =	vld [tilespmem:s0+$0x10210];
	[tilespmem:s29+$0xC200] =	vst v7;
	v11 =	vadd.f32 v13, v4  }
0x1a1: {  	v4 =	vld [tilespmem:s0+$0x10220];
	[tilespmem:s29+$0xC210] =	vst v8;
	v12 =	vadd.f32 v9, v3  }
0x1a2: {  	v3 =	vld [tilespmem:s0+$0x10230];
	[tilespmem:s29+$0xC220] =	vst v11;
	v7 =	vmov v14  }
0x1a3: {  	s20 =	sadd.s32 $0x40, s20;
	v9 =	vld [tilespmem:s0+$0xC200];
	[tilespmem:s29+$0xC230] =	vst v12;
	v8 =	vmov v10;
	s29 =	smov.u32 s0  }
0x1a4: {  	v10 =	vld [tilespmem:s29+$0xC210]  }
0x1a5: {  	v11 =	vld [tilespmem:s29+$0xC220]  }
0x1a6: {  	v12 =	vld [tilespmem:s29+$0xC230]  }
0x1a7: {  	v13 =	vld [tilespmem:s29+$0x14220]  }
0x1a8: {  	v63 =	vld [tilespmem:s29+$0x14230];
	v6 =	vadd.f32 v6, v9  }
0x1a9: {  	s19 =	sadd.s32 $0x1, s19;
	v5 =	vadd.f32 v5, v10  }
0x1aa: {  	p0 =	sne.s32 s19, $0x10;
	v4 =	vadd.f32 v4, v11;
	v6 =	vadd.f32 v7, v6  }
.Ltmp7:
0x1ab: {  	v3 =	vadd.f32 v3, v12;
	v5 =	vadd.f32 v8, v5;
	(pc) =	sbr.rel @p0 .LBB2_14-.Ltmp7, $4  }
0x1ac: {  	v4 =	vadd.f32 v13, v4;
	[tilespmem:s29+$0xC200] =	vst v6  }
0x1ad: {  	v3 =	vadd.f32 v63, v3;
	[tilespmem:s29+$0xC210] =	vst v5  }
0x1ae: {  	[tilespmem:s29+$0xC220] =	vst v4  }
0x1af: {  	[tilespmem:s29+$0xC230] =	vst v3  }
0x1b0: {  	s0 =	rddreg [dreg:$0x11]  }
0x1b1: {  	[hbm4b:s0+s2] =	stream.linear.scatter [tilespmem:s28], [sflag:$0x4], $0x4000, $0x38;
	[tilespmem:$0x18200] =	vst v63  }
0x1b2: {  	_ =	swait.ge [sflag:s15], $0x4000  }
0x1b3: {  	[sflag:s15] =	ssyncset.done $0x0  }
0x1b4: {  	[sflag:s15] =	ssyncadd.s32 $0xFFFFC000  }
0x1b5: {  	_ =	swait.ge [sflag:s17], $0x4000  }
0x1b6: {  	s25 =	sadd.s32 $0x1, s25;
	s31 =	rddreg [dreg:$0x12]  }
0x1b7: {  	p0 =	sne.s32 s25, s31  }
.Ltmp8:
0x1b8: {  	_ = 	snop;
	(pc) =	sbr.rel @p0 .LBB2_1-.Ltmp8, $3  }
0x1b9: {  	_ =	sdelay $0x1  }
0x1ba: {  	[sflag:s17] =	ssyncset.done $0x0  }
0x1bb: {  	[sflag:s17] =	ssyncadd.s32 $0xFFFFC000  }
0x1bc: {  	_ =	sfence.sel $0x180000  }
0x1bd: {  	[bflag:$0x0] =	sbarrier.arrive $0xFFFF  }
0x1be: {  	_ =	strace $0x9000004A  }
0x1bf: {  	s0 =	stileid.u32;
	[bflag:$0x2] =	sbarrier.arrive $0xFFFF  }
0x1c0: {  	p0 =	sne.s32 s0, $0x0;
	s0 =	rddreg [dreg:$0x2]  }
0x1c1: {  	s0 =	sadd.s32 @!p0 $0x100000, s0  }
0x1c2: {  	[sflag:s0] =	ssyncadd.tile.s32 @!p0 $0x1;
	_ =	shalt  }
.Lfunc_end2:
_tile_overlayer_lowered:
.L_overlay_start_2:
0x1c3: {  	(tag) =	ssettag $0x2  }
0x1c4: {  	s0 =	rddreg [dreg:$0x0];
	s2 =	stileid.u32  }
0x1c5: {  	s1 =	rddreg [dreg:$0x1];
	p0 =	sne.s32 s2, $0x0  }
0x1c6: {  	s3 =	rddreg [dreg:$0x2];
	[bflag:$0x3] =	sbarrier.arrive $0xFFFF;
	s2 =	simm.s32 @!p0 $0x1C05  }
0x1c7: {  	[timem:s3], [sflag:s2] =	dma.local @!p0 [hbm:s0], s1  }
0x1c8: {  	s0 =	simm.s32 @!p0 $0x5  }
0x1c9: {  	_ =	swait.ge @!p0 [sflag:s0], s1  }
0x1ca: {  	s1 =	ssub.s32 @!p0 $0x0, s1;
	[sflag:s0] =	ssyncset.done @!p0 $0x0  }
0x1cb: {  	[sflag:s0] =	ssyncadd.s32 @!p0 s1  }
0x1cc: {  	[bflag:$0x3] =	sbarrier.arrive $0xFFFF  }
0x1cd: {  	_ =	shalt  }

</sc_bundles>
